<compile_context>
chip_gen: v7x
topology: tpu7x:2x2x1
jax: 0.10.2.dev20260603
libtpu: 0.0.44.dev20260713+nightly
codegen_flags: <defaults>
</compile_context>

<pallas_src>
import functools

import jax
import jax.numpy as jnp
from jax import lax
from jax.experimental import pallas as pl
from jax.experimental.pallas import tpu as pltpu
from jax.experimental.pallas import tpu_sc as plsc

NC = 2
NS = 16
NW = NC * NS

N = 10000
H = 128
HH = H // NC
E = 320000
NPAD = 10240
STRIPE = NPAD // NS
KD = 80
NCH_DEG = E // NW // KD
K = 128
NCH = 160
EPT = NCH * K
NBD = 5
NBUF = 5
NST = STRIPE // K

_MESH = plsc.VectorSubcoreMesh(
    core_axis_name="c", subcore_axis_name="s", num_cores=NC, num_subcores=NS
)


def _deg_body(dst_hbm, ones_hbm, zstripe_hbm, out_hbm, idx_v, ones_v, z_v,
              deg_sh, dsem):
    c = lax.axis_index("c")
    s = lax.axis_index("s")
    wid = c * NS + s
    pltpu.sync_copy(ones_hbm, ones_v)
    pltpu.sync_copy(zstripe_hbm, z_v)
    pltpu.sync_copy(dst_hbm.at[wid], idx_v)
    pltpu.sync_copy(z_v, deg_sh.at[pl.ds(s * STRIPE, STRIPE)])
    plsc.subcore_barrier()

    for b in range(NBD):
        pltpu.async_copy(ones_v, deg_sh.at[idx_v.at[b]], dsem.at[b], add=True)

    def group(i, carry):
        for b in range(NBD):
            j = i * NBD + b
            pltpu.make_async_copy(
                ones_v, deg_sh.at[idx_v.at[j]], dsem.at[b]
            ).wait()

            @pl.when(j + NBD < NCH_DEG)
            def _():
                pltpu.async_copy(
                    ones_v, deg_sh.at[idx_v.at[j + NBD]], dsem.at[b], add=True
                )

        return carry

    lax.fori_loop(0, NCH_DEG // NBD, group, 0)
    plsc.subcore_barrier()
    pltpu.sync_copy(deg_sh.at[pl.ds(s * STRIPE, STRIPE)], z_v)
    pltpu.sync_copy(z_v, out_hbm.at[pl.ds(c * NPAD + s * STRIPE, STRIPE)])


_deg_kernel = functools.partial(
    pl.kernel,
    out_type=jax.ShapeDtypeStruct((NC * NPAD,), jnp.float32),
    mesh=_MESH,
    scratch_types=[
        pltpu.VMEM((NCH_DEG, KD), jnp.int32),
        pltpu.VMEM((KD,), jnp.float32),
        pltpu.VMEM((STRIPE,), jnp.float32),
        pltpu.VMEM_SHARED((NPAD,), jnp.float32),
        pltpu.SemaphoreType.DMA((NBD,)),
    ],
)(_deg_body)


def _agg_body(h2p_hbm, src_hbm, dst_hbm, out_hbm,
              isrc_v, idst_v, rows_v, acc_sh, gsem, ssem, isem):
    c = lax.axis_index("c")
    s = lax.axis_index("s")
    pltpu.async_copy(src_hbm.at[s], isrc_v, isem.at[0])
    pltpu.async_copy(dst_hbm.at[s], idst_v, isem.at[1])
    for k in range(NST):
        pltpu.async_copy(
            h2p_hbm.at[c].at[pl.ds(s * STRIPE + k * K, K)],
            rows_v.at[k], gsem.at[k],
        )
    for k in range(NST):
        pltpu.make_async_copy(
            h2p_hbm.at[c].at[pl.ds(s * STRIPE + k * K, K)],
            rows_v.at[k], gsem.at[k],
        ).wait()
        pltpu.async_copy(
            rows_v.at[k], acc_sh.at[pl.ds(s * STRIPE + k * K, K)],
            ssem.at[k],
        )
    for k in range(NST):
        pltpu.make_async_copy(
            rows_v.at[k], acc_sh.at[pl.ds(s * STRIPE + k * K, K)],
            ssem.at[k],
        ).wait()
    pltpu.make_async_copy(src_hbm.at[s], isrc_v, isem.at[0]).wait()
    pltpu.make_async_copy(dst_hbm.at[s], idst_v, isem.at[1]).wait()
    plsc.subcore_barrier()

    for b in range(NBUF):
        pltpu.async_copy(
            h2p_hbm.at[c].at[isrc_v.at[b]], rows_v.at[b], gsem.at[b]
        )

    def group(i, carry):
        base = i * NBUF
        for b in range(NBUF):
            j = base + b
            pltpu.make_async_copy(
                h2p_hbm.at[c].at[isrc_v.at[j]], rows_v.at[b], gsem.at[b]
            ).wait()
            pltpu.async_copy(
                rows_v.at[b], acc_sh.at[idst_v.at[j]], ssem.at[b], add=True
            )
        for b in range(NBUF):
            j = base + b
            pltpu.make_async_copy(
                rows_v.at[b], acc_sh.at[idst_v.at[j]], ssem.at[b]
            ).wait()

            @pl.when(j + NBUF < NCH)
            def _():
                pltpu.async_copy(
                    h2p_hbm.at[c].at[isrc_v.at[j + NBUF]],
                    rows_v.at[b],
                    gsem.at[b],
                )

        return carry

    lax.fori_loop(0, NCH // NBUF, group, 0)
    plsc.subcore_barrier()
    for k in range(NST):
        pltpu.async_copy(
            acc_sh.at[pl.ds(s * STRIPE + k * K, K)], rows_v.at[k],
            gsem.at[k],
        )
    for k in range(NST):
        pltpu.make_async_copy(
            acc_sh.at[pl.ds(s * STRIPE + k * K, K)], rows_v.at[k],
            gsem.at[k],
        ).wait()
        pltpu.async_copy(
            rows_v.at[k],
            out_hbm.at[c].at[pl.ds(s * STRIPE + k * K, K)],
            ssem.at[k],
        )
    for k in range(NST):
        pltpu.make_async_copy(
            rows_v.at[k],
            out_hbm.at[c].at[pl.ds(s * STRIPE + k * K, K)],
            ssem.at[k],
        ).wait()


_agg_kernel = functools.partial(
    pl.kernel,
    out_type=jax.ShapeDtypeStruct((NC, NPAD, HH), jnp.float32),
    mesh=_MESH,
    scratch_types=[
        pltpu.VMEM((NCH, K), jnp.int32),
        pltpu.VMEM((NCH, K), jnp.int32),
        pltpu.VMEM((NBUF, K, HH), jnp.float32),
        pltpu.VMEM_SHARED((NPAD, HH), jnp.float32),
        pltpu.SemaphoreType.DMA((NBUF,)),
        pltpu.SemaphoreType.DMA((NBUF,)),
        pltpu.SemaphoreType.DMA((2,)),
    ],
    compiler_params=pltpu.CompilerParams(use_tc_tiling_on_sc=False),
)(_agg_body)


_RB = 1000


def _prep_body(x_ref, w_ref, dp_ref, h2p_ref):
    h = jnp.dot(x_ref[...], w_ref[...], preferred_element_type=jnp.float32)
    deg = dp_ref[0] + dp_ref[1] + 1.0
    h2 = h * lax.rsqrt(deg)
    h2p_ref[0] = h2[:, :HH]
    h2p_ref[1] = h2[:, HH:]


def _prep(x, W, dp3):
    return pl.pallas_call(
        _prep_body,
        grid=(N // _RB,),
        in_specs=[
            pl.BlockSpec((_RB, H), lambda i: (i, 0)),
            pl.BlockSpec((H, H), lambda i: (0, 0)),
            pl.BlockSpec((NC, _RB, 1), lambda i: (0, i, 0)),
        ],
        out_specs=pl.BlockSpec((NC, _RB, HH), lambda i: (0, i, 0)),
        out_shape=jax.ShapeDtypeStruct((NC, NPAD, HH), jnp.float32),
    )(x, W, dp3)


def _final_body(p_ref, dp_ref, b_ref, o_ref):
    deg = dp_ref[0] + dp_ref[1] + 1.0
    dis = lax.rsqrt(deg)
    agg = jnp.concatenate([p_ref[0], p_ref[1]], axis=1)
    o_ref[...] = agg * dis + b_ref[...]


def _final(parts, dp3, b2):
    return pl.pallas_call(
        _final_body,
        grid=(N // _RB,),
        in_specs=[
            pl.BlockSpec((NC, _RB, HH), lambda i: (0, i, 0)),
            pl.BlockSpec((NC, _RB, 1), lambda i: (0, i, 0)),
            pl.BlockSpec((1, H), lambda i: (0, 0)),
        ],
        out_specs=pl.BlockSpec((_RB, H), lambda i: (i, 0)),
        out_shape=jax.ShapeDtypeStruct((N, H), jnp.float32),
    )(parts, dp3, b2)


def kernel(x, edge_index, W, b):
    src32 = edge_index[0].astype(jnp.int32)
    dst32 = edge_index[1].astype(jnp.int32)
    dst_deg = dst32.reshape(NW, NCH_DEG, KD)
    npad_e = EPT - E // NS
    spread = N + (
        jnp.arange(NS * npad_e, dtype=jnp.int32).reshape(NS, npad_e)
        % (NPAD - N)
    )
    pad_src = spread
    pad_dst = spread
    src = jnp.concatenate(
        [src32.reshape(NS, E // NS), pad_src], axis=1
    ).reshape(NS, NCH, K)
    dst_agg = jnp.concatenate(
        [dst32.reshape(NS, E // NS), pad_dst], axis=1
    ).reshape(NS, NCH, K)
    ones_k = jnp.ones((KD,), jnp.float32)
    zstripe = jnp.zeros((STRIPE,), jnp.float32)

    deg_parts = _deg_kernel(dst_deg, ones_k, zstripe).reshape(NC, NPAD, 1)
    h2p = _prep(x, W, deg_parts)
    parts = _agg_kernel(h2p, src, dst_agg)
    return _final(parts, deg_parts, b.reshape(1, H))

# --- scband reference (transcript-rebuilt; emitter-appended) ---
"""Pipeline reference for scband-gcnfusion-58523224375312 (READ-ONLY COPY).

The authoritative reference and input builder live on the scoring server;
editing this copy changes nothing except your own understanding.
"""

import jax, jax.numpy as jnp
import numpy as np

N_NODES = 10000
HIDDEN = 128
N_EDGES = 320000

def setup_inputs(seed: int = 0) -> dict:
    key = jax.random.key(seed)
    k1, k2, k3, k4 = jax.random.split(key, 4)
    x = jax.random.normal(k1, (N_NODES, HIDDEN), dtype=jnp.float32)
    edge_index = jax.random.randint(k2, (2, N_EDGES), 0, N_NODES, dtype=jnp.int64)
    # GCNConv parameters: weight [in, out] (glorot-ish), bias [out]
    W = jax.random.normal(k3, (HIDDEN, HIDDEN), dtype=jnp.float32) * (1.0 / np.sqrt(HIDDEN))
    b = jnp.zeros((HIDDEN,), dtype=jnp.float32)
    return {"x": x, "edge_index": edge_index, "W": W, "b": b}

def reference(x, edge_index, W, b):
    # Faithful PyG GCNConv: linear transform, add self-loops, symmetric norm,
    # scatter-add aggregation at destination nodes, then bias.
    N = x.shape[0]
    src = edge_index[0]
    dst = edge_index[1]
    loop = jnp.arange(N, dtype=edge_index.dtype)
    src = jnp.concatenate([src, loop])
    dst = jnp.concatenate([dst, loop])
    # degree computed on destination (col) with unit edge weights
    deg = jnp.zeros((N,), dtype=x.dtype).at[dst].add(1.0)
    deg_inv_sqrt = jnp.where(deg > 0, 1.0 / jnp.sqrt(deg), 0.0)
    norm = deg_inv_sqrt[src] * deg_inv_sqrt[dst]
    h = x @ W
    msg = h[src] * norm[:, None]
    out = jax.ops.segment_sum(msg, dst, num_segments=N)
    return out + b

if __name__ == "__main__":
    import jax
    _d = setup_inputs()
    print(jax.jit(kernel)(*tuple(_d.values())))

</pallas_src>

<mosaic_0001>
#map = affine_map<(d0, d1) -> (0, 0, 0)>
module attributes {stable_mosaic.version = 14 : i64} {
  func.func @_agg_body(%arg0: i32, %arg1: i32, %arg2: memref<2x10240x64xf32, #tpu.memory_space<hbm>>, %arg3: memref<16x160x128xi32, #tpu.memory_space<hbm>>, %arg4: memref<16x160x128xi32, #tpu.memory_space<hbm>>, %arg5: memref<2x10240x64xf32, #tpu.memory_space<hbm>>, %arg6: memref<160x128xi32, #tpu.memory_space<vmem>>, %arg7: memref<160x128xi32, #tpu.memory_space<vmem>>, %arg8: memref<5x128x64xf32, #tpu.memory_space<vmem>>, %arg9: memref<10240x64xf32, #tpu.memory_space<vmem_shared>>, %arg10: memref<5x!tpu.dma_semaphore, #tpu.memory_space<semaphore_mem>>, %arg11: memref<5x!tpu.dma_semaphore, #tpu.memory_space<semaphore_mem>>, %arg12: memref<2x!tpu.dma_semaphore, #tpu.memory_space<semaphore_mem>>) attributes {dimension_semantics = [#tpu.dimension_semantics<core_parallel>, #tpu.dimension_semantics<subcore_parallel>], iteration_bounds = array<i64: 2, 16>, scalar_prefetch = 0 : i64, scratch_operands = 7 : i64, tpu.core_type = #tpu.core_type<sc_vector_subcore>, window_params = [{transform_indices = #map}, {transform_indices = #map}, {transform_indices = #map}, {transform_indices = #map}]} {
    %dma_start3A = arith.constant 0 : i32
    %dma_start3A_0 = arith.constant 0 : i32
    %dma_start3A_1 = arith.constant 0 : i32
    %dma_start3A_2 = tpu.memref_slice %arg3[%arg1, %dma_start3A_0, %dma_start3A_1] : memref<16x160x128xi32, #tpu.memory_space<hbm>> -> memref<1x160x128xi32, #tpu.memory_space<hbm>>
    %dma_start3A_3 = tpu.memref_squeeze %dma_start3A_2 : memref<1x160x128xi32, #tpu.memory_space<hbm>> -> memref<160x128xi32, #tpu.memory_space<hbm>>
    %dma_start3A_4 = tpu.memref_slice %arg12[%dma_start3A] : memref<2x!tpu.dma_semaphore, #tpu.memory_space<semaphore_mem>> -> memref<1x!tpu.dma_semaphore, #tpu.memory_space<semaphore_mem>>
    %dma_start3A_5 = tpu.memref_squeeze %dma_start3A_4 : memref<1x!tpu.dma_semaphore, #tpu.memory_space<semaphore_mem>> -> memref<!tpu.dma_semaphore, #tpu.memory_space<semaphore_mem>>
    %dma_start3A_6 = arith.constant 0 : i32
    %dma_start3A_7 = arith.constant 0 : i32
    %dma_start3A_8 = tpu.memref_slice %arg3[%arg1, %dma_start3A_6, %dma_start3A_7] : memref<16x160x128xi32, #tpu.memory_space<hbm>> -> memref<1x160x128xi32, #tpu.memory_space<hbm>>
    %dma_start3A_9 = tpu.memref_squeeze %dma_start3A_8 : memref<1x160x128xi32, #tpu.memory_space<hbm>> -> memref<160x128xi32, #tpu.memory_space<hbm>>
    tpu.enqueue_dma source(%dma_start3A_9 : memref<160x128xi32, #tpu.memory_space<hbm>>) target(%arg6 : memref<160x128xi32, #tpu.memory_space<vmem>>) target_semaphore(%dma_start3A_5 : memref<!tpu.dma_semaphore, #tpu.memory_space<semaphore_mem>>)
    %dma_start3A_10 = arith.constant 1 : i32
    %dma_start3A_11 = arith.constant 0 : i32
    %dma_start3A_12 = arith.constant 0 : i32
    %dma_start3A_13 = tpu.memref_slice %arg4[%arg1, %dma_start3A_11, %dma_start3A_12] : memref<16x160x128xi32, #tpu.memory_space<hbm>> -> memref<1x160x128xi32, #tpu.memory_space<hbm>>
    %dma_start3A_14 = tpu.memref_squeeze %dma_start3A_13 : memref<1x160x128xi32, #tpu.memory_space<hbm>> -> memref<160x128xi32, #tpu.memory_space<hbm>>
    %dma_start3A_15 = tpu.memref_slice %arg12[%dma_start3A_10] : memref<2x!tpu.dma_semaphore, #tpu.memory_space<semaphore_mem>> -> memref<1x!tpu.dma_semaphore, #tpu.memory_space<semaphore_mem>>
    %dma_start3A_16 = tpu.memref_squeeze %dma_start3A_15 : memref<1x!tpu.dma_semaphore, #tpu.memory_space<semaphore_mem>> -> memref<!tpu.dma_semaphore, #tpu.memory_space<semaphore_mem>>
    %dma_start3A_17 = arith.constant 0 : i32
    %dma_start3A_18 = arith.constant 0 : i32
    %dma_start3A_19 = tpu.memref_slice %arg4[%arg1, %dma_start3A_17, %dma_start3A_18] : memref<16x160x128xi32, #tpu.memory_space<hbm>> -> memref<1x160x128xi32, #tpu.memory_space<hbm>>
    %dma_start3A_20 = tpu.memref_squeeze %dma_start3A_19 : memref<1x160x128xi32, #tpu.memory_space<hbm>> -> memref<160x128xi32, #tpu.memory_space<hbm>>
    tpu.enqueue_dma source(%dma_start3A_20 : memref<160x128xi32, #tpu.memory_space<hbm>>) target(%arg7 : memref<160x128xi32, #tpu.memory_space<vmem>>) target_semaphore(%dma_start3A_16 : memref<!tpu.dma_semaphore, #tpu.memory_space<semaphore_mem>>)
    %mul3A = arith.constant 640 : i32
    %mul3A_21 = arith.muli %arg1, %mul3A : i32
    %add3A = arith.constant 0 : i32
    %add3A_22 = arith.addi %mul3A_21, %add3A : i32
    %dma_start3A_23 = arith.constant 0 : i32
    %dma_start3A_24 = arith.constant 0 : i32
    %dma_start3A_25 = arith.constant 0 : i32
    %dma_start3A_26 = arith.constant 0 : i32
    %dma_start3A_27 = tpu.memref_slice %arg8[%dma_start3A_23, %dma_start3A_25, %dma_start3A_26] : memref<5x128x64xf32, #tpu.memory_space<vmem>> -> memref<1x128x64xf32, #tpu.memory_space<vmem>>
    %dma_start3A_28 = tpu.memref_squeeze %dma_start3A_27 : memref<1x128x64xf32, #tpu.memory_space<vmem>> -> memref<128x64xf32, #tpu.memory_space<vmem>>
    %dma_start3A_29 = arith.constant 0 : i32
    %dma_start3A_30 = arith.constant 0 : i32
    %dma_start3A_31 = tpu.memref_slice %arg2[%arg0, %dma_start3A_29, %dma_start3A_30] : memref<2x10240x64xf32, #tpu.memory_space<hbm>> -> memref<1x10240x64xf32, #tpu.memory_space<hbm>>
    %dma_start3A_32 = tpu.memref_squeeze %dma_start3A_31 : memref<1x10240x64xf32, #tpu.memory_space<hbm>> -> memref<10240x64xf32, #tpu.memory_space<hbm>>
    %dma_start3A_33 = arith.constant 0 : i32
    %dma_start3A_34 = tpu.memref_slice %dma_start3A_32[%add3A_22, %dma_start3A_33] : memref<10240x64xf32, #tpu.memory_space<hbm>> -> memref<128x64xf32, #tpu.memory_space<hbm>>
    %dma_start3A_35 = tpu.memref_slice %arg10[%dma_start3A_24] : memref<5x!tpu.dma_semaphore, #tpu.memory_space<semaphore_mem>> -> memref<1x!tpu.dma_semaphore, #tpu.memory_space<semaphore_mem>>
    %dma_start3A_36 = tpu.memref_squeeze %dma_start3A_35 : memref<1x!tpu.dma_semaphore, #tpu.memory_space<semaphore_mem>> -> memref<!tpu.dma_semaphore, #tpu.memory_space<semaphore_mem>>
    %dma_start3A_37 = arith.constant 0 : i32
    %dma_start3A_38 = arith.constant 0 : i32
    %dma_start3A_39 = tpu.memref_slice %arg8[%dma_start3A_23, %dma_start3A_37, %dma_start3A_38] : memref<5x128x64xf32, #tpu.memory_space<vmem>> -> memref<1x128x64xf32, #tpu.memory_space<vmem>>
    %dma_start3A_40 = tpu.memref_squeeze %dma_start3A_39 : memref<1x128x64xf32, #tpu.memory_space<vmem>> -> memref<128x64xf32, #tpu.memory_space<vmem>>
    %dma_start3A_41 = arith.constant 0 : i32
    %dma_start3A_42 = arith.constant 0 : i32
    %dma_start3A_43 = tpu.memref_slice %arg2[%arg0, %dma_start3A_41, %dma_start3A_42] : memref<2x10240x64xf32, #tpu.memory_space<hbm>> -> memref<1x10240x64xf32, #tpu.memory_space<hbm>>
    %dma_start3A_44 = tpu.memref_squeeze %dma_start3A_43 : memref<1x10240x64xf32, #tpu.memory_space<hbm>> -> memref<10240x64xf32, #tpu.memory_space<hbm>>
    %dma_start3A_45 = arith.constant 0 : i32
    %dma_start3A_46 = tpu.memref_slice %dma_start3A_44[%add3A_22, %dma_start3A_45] : memref<10240x64xf32, #tpu.memory_space<hbm>> -> memref<128x64xf32, #tpu.memory_space<hbm>>
    tpu.enqueue_dma source(%dma_start3A_46 : memref<128x64xf32, #tpu.memory_space<hbm>>) target(%dma_start3A_40 : memref<128x64xf32, #tpu.memory_space<vmem>>) target_semaphore(%dma_start3A_36 : memref<!tpu.dma_semaphore, #tpu.memory_space<semaphore_mem>>)
    %mul3A_47 = arith.constant 640 : i32
    %mul3A_48 = arith.muli %arg1, %mul3A_47 : i32
    %add3A_49 = arith.constant 128 : i32
    %add3A_50 = arith.addi %mul3A_48, %add3A_49 : i32
    %dma_start3A_51 = arith.constant 1 : i32
    %dma_start3A_52 = arith.constant 1 : i32
    %dma_start3A_53 = arith.constant 0 : i32
    %dma_start3A_54 = arith.constant 0 : i32
    %dma_start3A_55 = tpu.memref_slice %arg8[%dma_start3A_51, %dma_start3A_53, %dma_start3A_54] : memref<5x128x64xf32, #tpu.memory_space<vmem>> -> memref<1x128x64xf32, #tpu.memory_space<vmem>>
    %dma_start3A_56 = tpu.memref_squeeze %dma_start3A_55 : memref<1x128x64xf32, #tpu.memory_space<vmem>> -> memref<128x64xf32, #tpu.memory_space<vmem>>
    %dma_start3A_57 = arith.constant 0 : i32
    %dma_start3A_58 = arith.constant 0 : i32
    %dma_start3A_59 = tpu.memref_slice %arg2[%arg0, %dma_start3A_57, %dma_start3A_58] : memref<2x10240x64xf32, #tpu.memory_space<hbm>> -> memref<1x10240x64xf32, #tpu.memory_space<hbm>>
    %dma_start3A_60 = tpu.memref_squeeze %dma_start3A_59 : memref<1x10240x64xf32, #tpu.memory_space<hbm>> -> memref<10240x64xf32, #tpu.memory_space<hbm>>
    %dma_start3A_61 = arith.constant 0 : i32
    %dma_start3A_62 = tpu.memref_slice %dma_start3A_60[%add3A_50, %dma_start3A_61] : memref<10240x64xf32, #tpu.memory_space<hbm>> -> memref<128x64xf32, #tpu.memory_space<hbm>>
    %dma_start3A_63 = tpu.memref_slice %arg10[%dma_start3A_52] : memref<5x!tpu.dma_semaphore, #tpu.memory_space<semaphore_mem>> -> memref<1x!tpu.dma_semaphore, #tpu.memory_space<semaphore_mem>>
    %dma_start3A_64 = tpu.memref_squeeze %dma_start3A_63 : memref<1x!tpu.dma_semaphore, #tpu.memory_space<semaphore_mem>> -> memref<!tpu.dma_semaphore, #tpu.memory_space<semaphore_mem>>
    %dma_start3A_65 = arith.constant 0 : i32
    %dma_start3A_66 = arith.constant 0 : i32
    %dma_start3A_67 = tpu.memref_slice %arg8[%dma_start3A_51, %dma_start3A_65, %dma_start3A_66] : memref<5x128x64xf32, #tpu.memory_space<vmem>> -> memref<1x128x64xf32, #tpu.memory_space<vmem>>
    %dma_start3A_68 = tpu.memref_squeeze %dma_start3A_67 : memref<1x128x64xf32, #tpu.memory_space<vmem>> -> memref<128x64xf32, #tpu.memory_space<vmem>>
    %dma_start3A_69 = arith.constant 0 : i32
    %dma_start3A_70 = arith.constant 0 : i32
    %dma_start3A_71 = tpu.memref_slice %arg2[%arg0, %dma_start3A_69, %dma_start3A_70] : memref<2x10240x64xf32, #tpu.memory_space<hbm>> -> memref<1x10240x64xf32, #tpu.memory_space<hbm>>
    %dma_start3A_72 = tpu.memref_squeeze %dma_start3A_71 : memref<1x10240x64xf32, #tpu.memory_space<hbm>> -> memref<10240x64xf32, #tpu.memory_space<hbm>>
    %dma_start3A_73 = arith.constant 0 : i32
    %dma_start3A_74 = tpu.memref_slice %dma_start3A_72[%add3A_50, %dma_start3A_73] : memref<10240x64xf32, #tpu.memory_space<hbm>> -> memref<128x64xf32, #tpu.memory_space<hbm>>
    tpu.enqueue_dma source(%dma_start3A_74 : memref<128x64xf32, #tpu.memory_space<hbm>>) target(%dma_start3A_68 : memref<128x64xf32, #tpu.memory_space<vmem>>) target_semaphore(%dma_start3A_64 : memref<!tpu.dma_semaphore, #tpu.memory_space<semaphore_mem>>)
    %mul3A_75 = arith.constant 640 : i32
    %mul3A_76 = arith.muli %arg1, %mul3A_75 : i32
    %add3A_77 = arith.constant 256 : i32
    %add3A_78 = arith.addi %mul3A_76, %add3A_77 : i32
    %dma_start3A_79 = arith.constant 2 : i32
    %dma_start3A_80 = arith.constant 2 : i32
    %dma_start3A_81 = arith.constant 0 : i32
    %dma_start3A_82 = arith.constant 0 : i32
    %dma_start3A_83 = tpu.memref_slice %arg8[%dma_start3A_79, %dma_start3A_81, %dma_start3A_82] : memref<5x128x64xf32, #tpu.memory_space<vmem>> -> memref<1x128x64xf32, #tpu.memory_space<vmem>>
    %dma_start3A_84 = tpu.memref_squeeze %dma_start3A_83 : memref<1x128x64xf32, #tpu.memory_space<vmem>> -> memref<128x64xf32, #tpu.memory_space<vmem>>
    %dma_start3A_85 = arith.constant 0 : i32
    %dma_start3A_86 = arith.constant 0 : i32
    %dma_start3A_87 = tpu.memref_slice %arg2[%arg0, %dma_start3A_85, %dma_start3A_86] : memref<2x10240x64xf32, #tpu.memory_space<hbm>> -> memref<1x10240x64xf32, #tpu.memory_space<hbm>>
    %dma_start3A_88 = tpu.memref_squeeze %dma_start3A_87 : memref<1x10240x64xf32, #tpu.memory_space<hbm>> -> memref<10240x64xf32, #tpu.memory_space<hbm>>
    %dma_start3A_89 = arith.constant 0 : i32
    %dma_start3A_90 = tpu.memref_slice %dma_start3A_88[%add3A_78, %dma_start3A_89] : memref<10240x64xf32, #tpu.memory_space<hbm>> -> memref<128x64xf32, #tpu.memory_space<hbm>>
    %dma_start3A_91 = tpu.memref_slice %arg10[%dma_start3A_80] : memref<5x!tpu.dma_semaphore, #tpu.memory_space<semaphore_mem>> -> memref<1x!tpu.dma_semaphore, #tpu.memory_space<semaphore_mem>>
    %dma_start3A_92 = tpu.memref_squeeze %dma_start3A_91 : memref<1x!tpu.dma_semaphore, #tpu.memory_space<semaphore_mem>> -> memref<!tpu.dma_semaphore, #tpu.memory_space<semaphore_mem>>
    %dma_start3A_93 = arith.constant 0 : i32
    %dma_start3A_94 = arith.constant 0 : i32
    %dma_start3A_95 = tpu.memref_slice %arg8[%dma_start3A_79, %dma_start3A_93, %dma_start3A_94] : memref<5x128x64xf32, #tpu.memory_space<vmem>> -> memref<1x128x64xf32, #tpu.memory_space<vmem>>
    %dma_start3A_96 = tpu.memref_squeeze %dma_start3A_95 : memref<1x128x64xf32, #tpu.memory_space<vmem>> -> memref<128x64xf32, #tpu.memory_space<vmem>>
    %dma_start3A_97 = arith.constant 0 : i32
    %dma_start3A_98 = arith.constant 0 : i32
    %dma_start3A_99 = tpu.memref_slice %arg2[%arg0, %dma_start3A_97, %dma_start3A_98] : memref<2x10240x64xf32, #tpu.memory_space<hbm>> -> memref<1x10240x64xf32, #tpu.memory_space<hbm>>
    %dma_start3A_100 = tpu.memref_squeeze %dma_start3A_99 : memref<1x10240x64xf32, #tpu.memory_space<hbm>> -> memref<10240x64xf32, #tpu.memory_space<hbm>>
    %dma_start3A_101 = arith.constant 0 : i32
    %dma_start3A_102 = tpu.memref_slice %dma_start3A_100[%add3A_78, %dma_start3A_101] : memref<10240x64xf32, #tpu.memory_space<hbm>> -> memref<128x64xf32, #tpu.memory_space<hbm>>
    tpu.enqueue_dma source(%dma_start3A_102 : memref<128x64xf32, #tpu.memory_space<hbm>>) target(%dma_start3A_96 : memref<128x64xf32, #tpu.memory_space<vmem>>) target_semaphore(%dma_start3A_92 : memref<!tpu.dma_semaphore, #tpu.memory_space<semaphore_mem>>)
    %mul3A_103 = arith.constant 640 : i32
    %mul3A_104 = arith.muli %arg1, %mul3A_103 : i32
    %add3A_105 = arith.constant 384 : i32
    %add3A_106 = arith.addi %mul3A_104, %add3A_105 : i32
    %dma_start3A_107 = arith.constant 3 : i32
    %dma_start3A_108 = arith.constant 3 : i32
    %dma_start3A_109 = arith.constant 0 : i32
    %dma_start3A_110 = arith.constant 0 : i32
    %dma_start3A_111 = tpu.memref_slice %arg8[%dma_start3A_107, %dma_start3A_109, %dma_start3A_110] : memref<5x128x64xf32, #tpu.memory_space<vmem>> -> memref<1x128x64xf32, #tpu.memory_space<vmem>>
    %dma_start3A_112 = tpu.memref_squeeze %dma_start3A_111 : memref<1x128x64xf32, #tpu.memory_space<vmem>> -> memref<128x64xf32, #tpu.memory_space<vmem>>
    %dma_start3A_113 = arith.constant 0 : i32
    %dma_start3A_114 = arith.constant 0 : i32
    %dma_start3A_115 = tpu.memref_slice %arg2[%arg0, %dma_start3A_113, %dma_start3A_114] : memref<2x10240x64xf32, #tpu.memory_space<hbm>> -> memref<1x10240x64xf32, #tpu.memory_space<hbm>>
    %dma_start3A_116 = tpu.memref_squeeze %dma_start3A_115 : memref<1x10240x64xf32, #tpu.memory_space<hbm>> -> memref<10240x64xf32, #tpu.memory_space<hbm>>
    %dma_start3A_117 = arith.constant 0 : i32
    %dma_start3A_118 = tpu.memref_slice %dma_start3A_116[%add3A_106, %dma_start3A_117] : memref<10240x64xf32, #tpu.memory_space<hbm>> -> memref<128x64xf32, #tpu.memory_space<hbm>>
    %dma_start3A_119 = tpu.memref_slice %arg10[%dma_start3A_108] : memref<5x!tpu.dma_semaphore, #tpu.memory_space<semaphore_mem>> -> memref<1x!tpu.dma_semaphore, #tpu.memory_space<semaphore_mem>>
    %dma_start3A_120 = tpu.memref_squeeze %dma_start3A_119 : memref<1x!tpu.dma_semaphore, #tpu.memory_space<semaphore_mem>> -> memref<!tpu.dma_semaphore, #tpu.memory_space<semaphore_mem>>
    %dma_start3A_121 = arith.constant 0 : i32
    %dma_start3A_122 = arith.constant 0 : i32
    %dma_start3A_123 = tpu.memref_slice %arg8[%dma_start3A_107, %dma_start3A_121, %dma_start3A_122] : memref<5x128x64xf32, #tpu.memory_space<vmem>> -> memref<1x128x64xf32, #tpu.memory_space<vmem>>
    %dma_start3A_124 = tpu.memref_squeeze %dma_start3A_123 : memref<1x128x64xf32, #tpu.memory_space<vmem>> -> memref<128x64xf32, #tpu.memory_space<vmem>>
    %dma_start3A_125 = arith.constant 0 : i32
    %dma_start3A_126 = arith.constant 0 : i32
    %dma_start3A_127 = tpu.memref_slice %arg2[%arg0, %dma_start3A_125, %dma_start3A_126] : memref<2x10240x64xf32, #tpu.memory_space<hbm>> -> memref<1x10240x64xf32, #tpu.memory_space<hbm>>
    %dma_start3A_128 = tpu.memref_squeeze %dma_start3A_127 : memref<1x10240x64xf32, #tpu.memory_space<hbm>> -> memref<10240x64xf32, #tpu.memory_space<hbm>>
    %dma_start3A_129 = arith.constant 0 : i32
    %dma_start3A_130 = tpu.memref_slice %dma_start3A_128[%add3A_106, %dma_start3A_129] : memref<10240x64xf32, #tpu.memory_space<hbm>> -> memref<128x64xf32, #tpu.memory_space<hbm>>
    tpu.enqueue_dma source(%dma_start3A_130 : memref<128x64xf32, #tpu.memory_space<hbm>>) target(%dma_start3A_124 : memref<128x64xf32, #tpu.memory_space<vmem>>) target_semaphore(%dma_start3A_120 : memref<!tpu.dma_semaphore, #tpu.memory_space<semaphore_mem>>)
    %mul3A_131 = arith.constant 640 : i32
    %mul3A_132 = arith.muli %arg1, %mul3A_131 : i32
    %add3A_133 = arith.constant 512 : i32
    %add3A_134 = arith.addi %mul3A_132, %add3A_133 : i32
    %dma_start3A_135 = arith.constant 4 : i32
    %dma_start3A_136 = arith.constant 4 : i32
    %dma_start3A_137 = arith.constant 0 : i32
    %dma_start3A_138 = arith.constant 0 : i32
    %dma_start3A_139 = tpu.memref_slice %arg8[%dma_start3A_135, %dma_start3A_137, %dma_start3A_138] : memref<5x128x64xf32, #tpu.memory_space<vmem>> -> memref<1x128x64xf32, #tpu.memory_space<vmem>>
    %dma_start3A_140 = tpu.memref_squeeze %dma_start3A_139 : memref<1x128x64xf32, #tpu.memory_space<vmem>> -> memref<128x64xf32, #tpu.memory_space<vmem>>
    %dma_start3A_141 = arith.constant 0 : i32
    %dma_start3A_142 = arith.constant 0 : i32
    %dma_start3A_143 = tpu.memref_slice %arg2[%arg0, %dma_start3A_141, %dma_start3A_142] : memref<2x10240x64xf32, #tpu.memory_space<hbm>> -> memref<1x10240x64xf32, #tpu.memory_space<hbm>>
    %dma_start3A_144 = tpu.memref_squeeze %dma_start3A_143 : memref<1x10240x64xf32, #tpu.memory_space<hbm>> -> memref<10240x64xf32, #tpu.memory_space<hbm>>
    %dma_start3A_145 = arith.constant 0 : i32
    %dma_start3A_146 = tpu.memref_slice %dma_start3A_144[%add3A_134, %dma_start3A_145] : memref<10240x64xf32, #tpu.memory_space<hbm>> -> memref<128x64xf32, #tpu.memory_space<hbm>>
    %dma_start3A_147 = tpu.memref_slice %arg10[%dma_start3A_136] : memref<5x!tpu.dma_semaphore, #tpu.memory_space<semaphore_mem>> -> memref<1x!tpu.dma_semaphore, #tpu.memory_space<semaphore_mem>>
    %dma_start3A_148 = tpu.memref_squeeze %dma_start3A_147 : memref<1x!tpu.dma_semaphore, #tpu.memory_space<semaphore_mem>> -> memref<!tpu.dma_semaphore, #tpu.memory_space<semaphore_mem>>
    %dma_start3A_149 = arith.constant 0 : i32
    %dma_start3A_150 = arith.constant 0 : i32
    %dma_start3A_151 = tpu.memref_slice %arg8[%dma_start3A_135, %dma_start3A_149, %dma_start3A_150] : memref<5x128x64xf32, #tpu.memory_space<vmem>> -> memref<1x128x64xf32, #tpu.memory_space<vmem>>
    %dma_start3A_152 = tpu.memref_squeeze %dma_start3A_151 : memref<1x128x64xf32, #tpu.memory_space<vmem>> -> memref<128x64xf32, #tpu.memory_space<vmem>>
    %dma_start3A_153 = arith.constant 0 : i32
    %dma_start3A_154 = arith.constant 0 : i32
    %dma_start3A_155 = tpu.memref_slice %arg2[%arg0, %dma_start3A_153, %dma_start3A_154] : memref<2x10240x64xf32, #tpu.memory_space<hbm>> -> memref<1x10240x64xf32, #tpu.memory_space<hbm>>
    %dma_start3A_156 = tpu.memref_squeeze %dma_start3A_155 : memref<1x10240x64xf32, #tpu.memory_space<hbm>> -> memref<10240x64xf32, #tpu.memory_space<hbm>>
    %dma_start3A_157 = arith.constant 0 : i32
    %dma_start3A_158 = tpu.memref_slice %dma_start3A_156[%add3A_134, %dma_start3A_157] : memref<10240x64xf32, #tpu.memory_space<hbm>> -> memref<128x64xf32, #tpu.memory_space<hbm>>
    tpu.enqueue_dma source(%dma_start3A_158 : memref<128x64xf32, #tpu.memory_space<hbm>>) target(%dma_start3A_152 : memref<128x64xf32, #tpu.memory_space<vmem>>) target_semaphore(%dma_start3A_148 : memref<!tpu.dma_semaphore, #tpu.memory_space<semaphore_mem>>)
    %mul3A_159 = arith.constant 640 : i32
    %mul3A_160 = arith.muli %arg1, %mul3A_159 : i32
    %add3A_161 = arith.constant 0 : i32
    %add3A_162 = arith.addi %mul3A_160, %add3A_161 : i32
    %dma_wait3A = arith.constant 0 : i32
    %dma_wait3A_163 = arith.constant 0 : i32
    %dma_wait3A_164 = arith.constant 0 : i32
    %dma_wait3A_165 = arith.constant 0 : i32
    %dma_wait3A_166 = tpu.memref_slice %arg8[%dma_wait3A, %dma_wait3A_164, %dma_wait3A_165] : memref<5x128x64xf32, #tpu.memory_space<vmem>> -> memref<1x128x64xf32, #tpu.memory_space<vmem>>
    %dma_wait3A_167 = tpu.memref_squeeze %dma_wait3A_166 : memref<1x128x64xf32, #tpu.memory_space<vmem>> -> memref<128x64xf32, #tpu.memory_space<vmem>>
    %dma_wait3A_168 = arith.constant 0 : i32
    %dma_wait3A_169 = arith.constant 0 : i32
    %dma_wait3A_170 = tpu.memref_slice %arg2[%arg0, %dma_wait3A_168, %dma_wait3A_169] : memref<2x10240x64xf32, #tpu.memory_space<hbm>> -> memref<1x10240x64xf32, #tpu.memory_space<hbm>>
    %dma_wait3A_171 = tpu.memref_squeeze %dma_wait3A_170 : memref<1x10240x64xf32, #tpu.memory_space<hbm>> -> memref<10240x64xf32, #tpu.memory_space<hbm>>
    %dma_wait3A_172 = arith.constant 0 : i32
    %dma_wait3A_173 = tpu.memref_slice %dma_wait3A_171[%add3A_162, %dma_wait3A_172] : memref<10240x64xf32, #tpu.memory_space<hbm>> -> memref<128x64xf32, #tpu.memory_space<hbm>>
    %dma_wait3A_174 = tpu.memref_slice %arg10[%dma_wait3A_163] : memref<5x!tpu.dma_semaphore, #tpu.memory_space<semaphore_mem>> -> memref<1x!tpu.dma_semaphore, #tpu.memory_space<semaphore_mem>>
    %dma_wait3A_175 = tpu.memref_squeeze %dma_wait3A_174 : memref<1x!tpu.dma_semaphore, #tpu.memory_space<semaphore_mem>> -> memref<!tpu.dma_semaphore, #tpu.memory_space<semaphore_mem>>
    %dma_wait3A_176 = arith.constant 0 : i32
    %dma_wait3A_177 = arith.constant 0 : i32
    %dma_wait3A_178 = tpu.memref_slice %arg8[%dma_wait3A, %dma_wait3A_176, %dma_wait3A_177] : memref<5x128x64xf32, #tpu.memory_space<vmem>> -> memref<1x128x64xf32, #tpu.memory_space<vmem>>
    %dma_wait3A_179 = tpu.memref_squeeze %dma_wait3A_178 : memref<1x128x64xf32, #tpu.memory_space<vmem>> -> memref<128x64xf32, #tpu.memory_space<vmem>>
    %dma_wait3A_180 = arith.constant 0 : i32
    %dma_wait3A_181 = arith.constant 0 : i32
    %dma_wait3A_182 = tpu.memref_slice %arg2[%arg0, %dma_wait3A_180, %dma_wait3A_181] : memref<2x10240x64xf32, #tpu.memory_space<hbm>> -> memref<1x10240x64xf32, #tpu.memory_space<hbm>>
    %dma_wait3A_183 = tpu.memref_squeeze %dma_wait3A_182 : memref<1x10240x64xf32, #tpu.memory_space<hbm>> -> memref<10240x64xf32, #tpu.memory_space<hbm>>
    %dma_wait3A_184 = arith.constant 0 : i32
    %dma_wait3A_185 = tpu.memref_slice %dma_wait3A_183[%add3A_162, %dma_wait3A_184] : memref<10240x64xf32, #tpu.memory_space<hbm>> -> memref<128x64xf32, #tpu.memory_space<hbm>>
    tpu.wait_dma2 semaphore(%dma_wait3A_175 : memref<!tpu.dma_semaphore, #tpu.memory_space<semaphore_mem>>) src(%dma_wait3A_185 : memref<128x64xf32, #tpu.memory_space<hbm>>) dst(%dma_wait3A_179 : memref<128x64xf32, #tpu.memory_space<vmem>>)
    %mul3A_186 = arith.constant 640 : i32
    %mul3A_187 = arith.muli %arg1, %mul3A_186 : i32
    %add3A_188 = arith.constant 0 : i32
    %add3A_189 = arith.addi %mul3A_187, %add3A_188 : i32
    %dma_start3A_190 = arith.constant 0 : i32
    %dma_start3A_191 = arith.constant 0 : i32
    %dma_start3A_192 = arith.constant 0 : i32
    %dma_start3A_193 = arith.constant 0 : i32
    %dma_start3A_194 = tpu.memref_slice %arg8[%dma_start3A_190, %dma_start3A_192, %dma_start3A_193] : memref<5x128x64xf32, #tpu.memory_space<vmem>> -> memref<1x128x64xf32, #tpu.memory_space<vmem>>
    %dma_start3A_195 = tpu.memref_squeeze %dma_start3A_194 : memref<1x128x64xf32, #tpu.memory_space<vmem>> -> memref<128x64xf32, #tpu.memory_space<vmem>>
    %dma_start3A_196 = arith.constant 0 : i32
    %dma_start3A_197 = tpu.memref_slice %arg9[%add3A_189, %dma_start3A_196] : memref<10240x64xf32, #tpu.memory_space<vmem_shared>> -> memref<128x64xf32, #tpu.memory_space<vmem_shared>>
    %dma_start3A_198 = tpu.memref_slice %arg11[%dma_start3A_191] : memref<5x!tpu.dma_semaphore, #tpu.memory_space<semaphore_mem>> -> memref<1x!tpu.dma_semaphore, #tpu.memory_space<semaphore_mem>>
    %dma_start3A_199 = tpu.memref_squeeze %dma_start3A_198 : memref<1x!tpu.dma_semaphore, #tpu.memory_space<semaphore_mem>> -> memref<!tpu.dma_semaphore, #tpu.memory_space<semaphore_mem>>
    %dma_start3A_200 = arith.constant 0 : i32
    %dma_start3A_201 = tpu.memref_slice %arg9[%add3A_189, %dma_start3A_200] : memref<10240x64xf32, #tpu.memory_space<vmem_shared>> -> memref<128x64xf32, #tpu.memory_space<vmem_shared>>
    %dma_start3A_202 = arith.constant 0 : i32
    %dma_start3A_203 = arith.constant 0 : i32
    %dma_start3A_204 = tpu.memref_slice %arg8[%dma_start3A_190, %dma_start3A_202, %dma_start3A_203] : memref<5x128x64xf32, #tpu.memory_space<vmem>> -> memref<1x128x64xf32, #tpu.memory_space<vmem>>
    %dma_start3A_205 = tpu.memref_squeeze %dma_start3A_204 : memref<1x128x64xf32, #tpu.memory_space<vmem>> -> memref<128x64xf32, #tpu.memory_space<vmem>>
    tpu.enqueue_dma source(%dma_start3A_205 : memref<128x64xf32, #tpu.memory_space<vmem>>) target(%dma_start3A_201 : memref<128x64xf32, #tpu.memory_space<vmem_shared>>) target_semaphore(%dma_start3A_199 : memref<!tpu.dma_semaphore, #tpu.memory_space<semaphore_mem>>)
    %mul3A_206 = arith.constant 640 : i32
    %mul3A_207 = arith.muli %arg1, %mul3A_206 : i32
    %add3A_208 = arith.constant 128 : i32
    %add3A_209 = arith.addi %mul3A_207, %add3A_208 : i32
    %dma_wait3A_210 = arith.constant 1 : i32
    %dma_wait3A_211 = arith.constant 1 : i32
    %dma_wait3A_212 = arith.constant 0 : i32
    %dma_wait3A_213 = arith.constant 0 : i32
    %dma_wait3A_214 = tpu.memref_slice %arg8[%dma_wait3A_210, %dma_wait3A_212, %dma_wait3A_213] : memref<5x128x64xf32, #tpu.memory_space<vmem>> -> memref<1x128x64xf32, #tpu.memory_space<vmem>>
    %dma_wait3A_215 = tpu.memref_squeeze %dma_wait3A_214 : memref<1x128x64xf32, #tpu.memory_space<vmem>> -> memref<128x64xf32, #tpu.memory_space<vmem>>
    %dma_wait3A_216 = arith.constant 0 : i32
    %dma_wait3A_217 = arith.constant 0 : i32
    %dma_wait3A_218 = tpu.memref_slice %arg2[%arg0, %dma_wait3A_216, %dma_wait3A_217] : memref<2x10240x64xf32, #tpu.memory_space<hbm>> -> memref<1x10240x64xf32, #tpu.memory_space<hbm>>
    %dma_wait3A_219 = tpu.memref_squeeze %dma_wait3A_218 : memref<1x10240x64xf32, #tpu.memory_space<hbm>> -> memref<10240x64xf32, #tpu.memory_space<hbm>>
    %dma_wait3A_220 = arith.constant 0 : i32
    %dma_wait3A_221 = tpu.memref_slice %dma_wait3A_219[%add3A_209, %dma_wait3A_220] : memref<10240x64xf32, #tpu.memory_space<hbm>> -> memref<128x64xf32, #tpu.memory_space<hbm>>
    %dma_wait3A_222 = tpu.memref_slice %arg10[%dma_wait3A_211] : memref<5x!tpu.dma_semaphore, #tpu.memory_space<semaphore_mem>> -> memref<1x!tpu.dma_semaphore, #tpu.memory_space<semaphore_mem>>
    %dma_wait3A_223 = tpu.memref_squeeze %dma_wait3A_222 : memref<1x!tpu.dma_semaphore, #tpu.memory_space<semaphore_mem>> -> memref<!tpu.dma_semaphore, #tpu.memory_space<semaphore_mem>>
    %dma_wait3A_224 = arith.constant 0 : i32
    %dma_wait3A_225 = arith.constant 0 : i32
    %dma_wait3A_226 = tpu.memref_slice %arg8[%dma_wait3A_210, %dma_wait3A_224, %dma_wait3A_225] : memref<5x128x64xf32, #tpu.memory_space<vmem>> -> memref<1x128x64xf32, #tpu.memory_space<vmem>>
    %dma_wait3A_227 = tpu.memref_squeeze %dma_wait3A_226 : memref<1x128x64xf32, #tpu.memory_space<vmem>> -> memref<128x64xf32, #tpu.memory_space<vmem>>
    %dma_wait3A_228 = arith.constant 0 : i32
    %dma_wait3A_229 = arith.constant 0 : i32
    %dma_wait3A_230 = tpu.memref_slice %arg2[%arg0, %dma_wait3A_228, %dma_wait3A_229] : memref<2x10240x64xf32, #tpu.memory_space<hbm>> -> memref<1x10240x64xf32, #tpu.memory_space<hbm>>
    %dma_wait3A_231 = tpu.memref_squeeze %dma_wait3A_230 : memref<1x10240x64xf32, #tpu.memory_space<hbm>> -> memref<10240x64xf32, #tpu.memory_space<hbm>>
    %dma_wait3A_232 = arith.constant 0 : i32
    %dma_wait3A_233 = tpu.memref_slice %dma_wait3A_231[%add3A_209, %dma_wait3A_232] : memref<10240x64xf32, #tpu.memory_space<hbm>> -> memref<128x64xf32, #tpu.memory_space<hbm>>
    tpu.wait_dma2 semaphore(%dma_wait3A_223 : memref<!tpu.dma_semaphore, #tpu.memory_space<semaphore_mem>>) src(%dma_wait3A_233 : memref<128x64xf32, #tpu.memory_space<hbm>>) dst(%dma_wait3A_227 : memref<128x64xf32, #tpu.memory_space<vmem>>)
    %mul3A_234 = arith.constant 640 : i32
    %mul3A_235 = arith.muli %arg1, %mul3A_234 : i32
    %add3A_236 = arith.constant 128 : i32
    %add3A_237 = arith.addi %mul3A_235, %add3A_236 : i32
    %dma_start3A_238 = arith.constant 1 : i32
    %dma_start3A_239 = arith.constant 1 : i32
    %dma_start3A_240 = arith.constant 0 : i32
    %dma_start3A_241 = arith.constant 0 : i32
    %dma_start3A_242 = tpu.memref_slice %arg8[%dma_start3A_238, %dma_start3A_240, %dma_start3A_241] : memref<5x128x64xf32, #tpu.memory_space<vmem>> -> memref<1x128x64xf32, #tpu.memory_space<vmem>>
    %dma_start3A_243 = tpu.memref_squeeze %dma_start3A_242 : memref<1x128x64xf32, #tpu.memory_space<vmem>> -> memref<128x64xf32, #tpu.memory_space<vmem>>
    %dma_start3A_244 = arith.constant 0 : i32
    %dma_start3A_245 = tpu.memref_slice %arg9[%add3A_237, %dma_start3A_244] : memref<10240x64xf32, #tpu.memory_space<vmem_shared>> -> memref<128x64xf32, #tpu.memory_space<vmem_shared>>
    %dma_start3A_246 = tpu.memref_slice %arg11[%dma_start3A_239] : memref<5x!tpu.dma_semaphore, #tpu.memory_space<semaphore_mem>> -> memref<1x!tpu.dma_semaphore, #tpu.memory_space<semaphore_mem>>
    %dma_start3A_247 = tpu.memref_squeeze %dma_start3A_246 : memref<1x!tpu.dma_semaphore, #tpu.memory_space<semaphore_mem>> -> memref<!tpu.dma_semaphore, #tpu.memory_space<semaphore_mem>>
    %dma_start3A_248 = arith.constant 0 : i32
    %dma_start3A_249 = tpu.memref_slice %arg9[%add3A_237, %dma_start3A_248] : memref<10240x64xf32, #tpu.memory_space<vmem_shared>> -> memref<128x64xf32, #tpu.memory_space<vmem_shared>>
    %dma_start3A_250 = arith.constant 0 : i32
    %dma_start3A_251 = arith.constant 0 : i32
    %dma_start3A_252 = tpu.memref_slice %arg8[%dma_start3A_238, %dma_start3A_250, %dma_start3A_251] : memref<5x128x64xf32, #tpu.memory_space<vmem>> -> memref<1x128x64xf32, #tpu.memory_space<vmem>>
    %dma_start3A_253 = tpu.memref_squeeze %dma_start3A_252 : memref<1x128x64xf32, #tpu.memory_space<vmem>> -> memref<128x64xf32, #tpu.memory_space<vmem>>
    tpu.enqueue_dma source(%dma_start3A_253 : memref<128x64xf32, #tpu.memory_space<vmem>>) target(%dma_start3A_249 : memref<128x64xf32, #tpu.memory_space<vmem_shared>>) target_semaphore(%dma_start3A_247 : memref<!tpu.dma_semaphore, #tpu.memory_space<semaphore_mem>>)
    %mul3A_254 = arith.constant 640 : i32
    %mul3A_255 = arith.muli %arg1, %mul3A_254 : i32
    %add3A_256 = arith.constant 256 : i32
    %add3A_257 = arith.addi %mul3A_255, %add3A_256 : i32
    %dma_wait3A_258 = arith.constant 2 : i32
    %dma_wait3A_259 = arith.constant 2 : i32
    %dma_wait3A_260 = arith.constant 0 : i32
    %dma_wait3A_261 = arith.constant 0 : i32
    %dma_wait3A_262 = tpu.memref_slice %arg8[%dma_wait3A_258, %dma_wait3A_260, %dma_wait3A_261] : memref<5x128x64xf32, #tpu.memory_space<vmem>> -> memref<1x128x64xf32, #tpu.memory_space<vmem>>
    %dma_wait3A_263 = tpu.memref_squeeze %dma_wait3A_262 : memref<1x128x64xf32, #tpu.memory_space<vmem>> -> memref<128x64xf32, #tpu.memory_space<vmem>>
    %dma_wait3A_264 = arith.constant 0 : i32
    %dma_wait3A_265 = arith.constant 0 : i32
    %dma_wait3A_266 = tpu.memref_slice %arg2[%arg0, %dma_wait3A_264, %dma_wait3A_265] : memref<2x10240x64xf32, #tpu.memory_space<hbm>> -> memref<1x10240x64xf32, #tpu.memory_space<hbm>>
    %dma_wait3A_267 = tpu.memref_squeeze %dma_wait3A_266 : memref<1x10240x64xf32, #tpu.memory_space<hbm>> -> memref<10240x64xf32, #tpu.memory_space<hbm>>
    %dma_wait3A_268 = arith.constant 0 : i32
    %dma_wait3A_269 = tpu.memref_slice %dma_wait3A_267[%add3A_257, %dma_wait3A_268] : memref<10240x64xf32, #tpu.memory_space<hbm>> -> memref<128x64xf32, #tpu.memory_space<hbm>>
    %dma_wait3A_270 = tpu.memref_slice %arg10[%dma_wait3A_259] : memref<5x!tpu.dma_semaphore, #tpu.memory_space<semaphore_mem>> -> memref<1x!tpu.dma_semaphore, #tpu.memory_space<semaphore_mem>>
    %dma_wait3A_271 = tpu.memref_squeeze %dma_wait3A_270 : memref<1x!tpu.dma_semaphore, #tpu.memory_space<semaphore_mem>> -> memref<!tpu.dma_semaphore, #tpu.memory_space<semaphore_mem>>
    %dma_wait3A_272 = arith.constant 0 : i32
    %dma_wait3A_273 = arith.constant 0 : i32
    %dma_wait3A_274 = tpu.memref_slice %arg8[%dma_wait3A_258, %dma_wait3A_272, %dma_wait3A_273] : memref<5x128x64xf32, #tpu.memory_space<vmem>> -> memref<1x128x64xf32, #tpu.memory_space<vmem>>
    %dma_wait3A_275 = tpu.memref_squeeze %dma_wait3A_274 : memref<1x128x64xf32, #tpu.memory_space<vmem>> -> memref<128x64xf32, #tpu.memory_space<vmem>>
    %dma_wait3A_276 = arith.constant 0 : i32
    %dma_wait3A_277 = arith.constant 0 : i32
    %dma_wait3A_278 = tpu.memref_slice %arg2[%arg0, %dma_wait3A_276, %dma_wait3A_277] : memref<2x10240x64xf32, #tpu.memory_space<hbm>> -> memref<1x10240x64xf32, #tpu.memory_space<hbm>>
    %dma_wait3A_279 = tpu.memref_squeeze %dma_wait3A_278 : memref<1x10240x64xf32, #tpu.memory_space<hbm>> -> memref<10240x64xf32, #tpu.memory_space<hbm>>
    %dma_wait3A_280 = arith.constant 0 : i32
    %dma_wait3A_281 = tpu.memref_slice %dma_wait3A_279[%add3A_257, %dma_wait3A_280] : memref<10240x64xf32, #tpu.memory_space<hbm>> -> memref<128x64xf32, #tpu.memory_space<hbm>>
    tpu.wait_dma2 semaphore(%dma_wait3A_271 : memref<!tpu.dma_semaphore, #tpu.memory_space<semaphore_mem>>) src(%dma_wait3A_281 : memref<128x64xf32, #tpu.memory_space<hbm>>) dst(%dma_wait3A_275 : memref<128x64xf32, #tpu.memory_space<vmem>>)
    %mul3A_282 = arith.constant 640 : i32
    %mul3A_283 = arith.muli %arg1, %mul3A_282 : i32
    %add3A_284 = arith.constant 256 : i32
    %add3A_285 = arith.addi %mul3A_283, %add3A_284 : i32
    %dma_start3A_286 = arith.constant 2 : i32
    %dma_start3A_287 = arith.constant 2 : i32
    %dma_start3A_288 = arith.constant 0 : i32
    %dma_start3A_289 = arith.constant 0 : i32
    %dma_start3A_290 = tpu.memref_slice %arg8[%dma_start3A_286, %dma_start3A_288, %dma_start3A_289] : memref<5x128x64xf32, #tpu.memory_space<vmem>> -> memref<1x128x64xf32, #tpu.memory_space<vmem>>
    %dma_start3A_291 = tpu.memref_squeeze %dma_start3A_290 : memref<1x128x64xf32, #tpu.memory_space<vmem>> -> memref<128x64xf32, #tpu.memory_space<vmem>>
    %dma_start3A_292 = arith.constant 0 : i32
    %dma_start3A_293 = tpu.memref_slice %arg9[%add3A_285, %dma_start3A_292] : memref<10240x64xf32, #tpu.memory_space<vmem_shared>> -> memref<128x64xf32, #tpu.memory_space<vmem_shared>>
    %dma_start3A_294 = tpu.memref_slice %arg11[%dma_start3A_287] : memref<5x!tpu.dma_semaphore, #tpu.memory_space<semaphore_mem>> -> memref<1x!tpu.dma_semaphore, #tpu.memory_space<semaphore_mem>>
    %dma_start3A_295 = tpu.memref_squeeze %dma_start3A_294 : memref<1x!tpu.dma_semaphore, #tpu.memory_space<semaphore_mem>> -> memref<!tpu.dma_semaphore, #tpu.memory_space<semaphore_mem>>
    %dma_start3A_296 = arith.constant 0 : i32
    %dma_start3A_297 = tpu.memref_slice %arg9[%add3A_285, %dma_start3A_296] : memref<10240x64xf32, #tpu.memory_space<vmem_shared>> -> memref<128x64xf32, #tpu.memory_space<vmem_shared>>
    %dma_start3A_298 = arith.constant 0 : i32
    %dma_start3A_299 = arith.constant 0 : i32
    %dma_start3A_300 = tpu.memref_slice %arg8[%dma_start3A_286, %dma_start3A_298, %dma_start3A_299] : memref<5x128x64xf32, #tpu.memory_space<vmem>> -> memref<1x128x64xf32, #tpu.memory_space<vmem>>
    %dma_start3A_301 = tpu.memref_squeeze %dma_start3A_300 : memref<1x128x64xf32, #tpu.memory_space<vmem>> -> memref<128x64xf32, #tpu.memory_space<vmem>>
    tpu.enqueue_dma source(%dma_start3A_301 : memref<128x64xf32, #tpu.memory_space<vmem>>) target(%dma_start3A_297 : memref<128x64xf32, #tpu.memory_space<vmem_shared>>) target_semaphore(%dma_start3A_295 : memref<!tpu.dma_semaphore, #tpu.memory_space<semaphore_mem>>)
    %mul3A_302 = arith.constant 640 : i32
    %mul3A_303 = arith.muli %arg1, %mul3A_302 : i32
    %add3A_304 = arith.constant 384 : i32
    %add3A_305 = arith.addi %mul3A_303, %add3A_304 : i32
    %dma_wait3A_306 = arith.constant 3 : i32
    %dma_wait3A_307 = arith.constant 3 : i32
    %dma_wait3A_308 = arith.constant 0 : i32
    %dma_wait3A_309 = arith.constant 0 : i32
    %dma_wait3A_310 = tpu.memref_slice %arg8[%dma_wait3A_306, %dma_wait3A_308, %dma_wait3A_309] : memref<5x128x64xf32, #tpu.memory_space<vmem>> -> memref<1x128x64xf32, #tpu.memory_space<vmem>>
    %dma_wait3A_311 = tpu.memref_squeeze %dma_wait3A_310 : memref<1x128x64xf32, #tpu.memory_space<vmem>> -> memref<128x64xf32, #tpu.memory_space<vmem>>
    %dma_wait3A_312 = arith.constant 0 : i32
    %dma_wait3A_313 = arith.constant 0 : i32
    %dma_wait3A_314 = tpu.memref_slice %arg2[%arg0, %dma_wait3A_312, %dma_wait3A_313] : memref<2x10240x64xf32, #tpu.memory_space<hbm>> -> memref<1x10240x64xf32, #tpu.memory_space<hbm>>
    %dma_wait3A_315 = tpu.memref_squeeze %dma_wait3A_314 : memref<1x10240x64xf32, #tpu.memory_space<hbm>> -> memref<10240x64xf32, #tpu.memory_space<hbm>>
    %dma_wait3A_316 = arith.constant 0 : i32
    %dma_wait3A_317 = tpu.memref_slice %dma_wait3A_315[%add3A_305, %dma_wait3A_316] : memref<10240x64xf32, #tpu.memory_space<hbm>> -> memref<128x64xf32, #tpu.memory_space<hbm>>
    %dma_wait3A_318 = tpu.memref_slice %arg10[%dma_wait3A_307] : memref<5x!tpu.dma_semaphore, #tpu.memory_space<semaphore_mem>> -> memref<1x!tpu.dma_semaphore, #tpu.memory_space<semaphore_mem>>
    %dma_wait3A_319 = tpu.memref_squeeze %dma_wait3A_318 : memref<1x!tpu.dma_semaphore, #tpu.memory_space<semaphore_mem>> -> memref<!tpu.dma_semaphore, #tpu.memory_space<semaphore_mem>>
    %dma_wait3A_320 = arith.constant 0 : i32
    %dma_wait3A_321 = arith.constant 0 : i32
    %dma_wait3A_322 = tpu.memref_slice %arg8[%dma_wait3A_306, %dma_wait3A_320, %dma_wait3A_321] : memref<5x128x64xf32, #tpu.memory_space<vmem>> -> memref<1x128x64xf32, #tpu.memory_space<vmem>>
    %dma_wait3A_323 = tpu.memref_squeeze %dma_wait3A_322 : memref<1x128x64xf32, #tpu.memory_space<vmem>> -> memref<128x64xf32, #tpu.memory_space<vmem>>
    %dma_wait3A_324 = arith.constant 0 : i32
    %dma_wait3A_325 = arith.constant 0 : i32
    %dma_wait3A_326 = tpu.memref_slice %arg2[%arg0, %dma_wait3A_324, %dma_wait3A_325] : memref<2x10240x64xf32, #tpu.memory_space<hbm>> -> memref<1x10240x64xf32, #tpu.memory_space<hbm>>
    %dma_wait3A_327 = tpu.memref_squeeze %dma_wait3A_326 : memref<1x10240x64xf32, #tpu.memory_space<hbm>> -> memref<10240x64xf32, #tpu.memory_space<hbm>>
    %dma_wait3A_328 = arith.constant 0 : i32
    %dma_wait3A_329 = tpu.memref_slice %dma_wait3A_327[%add3A_305, %dma_wait3A_328] : memref<10240x64xf32, #tpu.memory_space<hbm>> -> memref<128x64xf32, #tpu.memory_space<hbm>>
    tpu.wait_dma2 semaphore(%dma_wait3A_319 : memref<!tpu.dma_semaphore, #tpu.memory_space<semaphore_mem>>) src(%dma_wait3A_329 : memref<128x64xf32, #tpu.memory_space<hbm>>) dst(%dma_wait3A_323 : memref<128x64xf32, #tpu.memory_space<vmem>>)
    %mul3A_330 = arith.constant 640 : i32
    %mul3A_331 = arith.muli %arg1, %mul3A_330 : i32
    %add3A_332 = arith.constant 384 : i32
    %add3A_333 = arith.addi %mul3A_331, %add3A_332 : i32
    %dma_start3A_334 = arith.constant 3 : i32
    %dma_start3A_335 = arith.constant 3 : i32
    %dma_start3A_336 = arith.constant 0 : i32
    %dma_start3A_337 = arith.constant 0 : i32
    %dma_start3A_338 = tpu.memref_slice %arg8[%dma_start3A_334, %dma_start3A_336, %dma_start3A_337] : memref<5x128x64xf32, #tpu.memory_space<vmem>> -> memref<1x128x64xf32, #tpu.memory_space<vmem>>
    %dma_start3A_339 = tpu.memref_squeeze %dma_start3A_338 : memref<1x128x64xf32, #tpu.memory_space<vmem>> -> memref<128x64xf32, #tpu.memory_space<vmem>>
    %dma_start3A_340 = arith.constant 0 : i32
    %dma_start3A_341 = tpu.memref_slice %arg9[%add3A_333, %dma_start3A_340] : memref<10240x64xf32, #tpu.memory_space<vmem_shared>> -> memref<128x64xf32, #tpu.memory_space<vmem_shared>>
    %dma_start3A_342 = tpu.memref_slice %arg11[%dma_start3A_335] : memref<5x!tpu.dma_semaphore, #tpu.memory_space<semaphore_mem>> -> memref<1x!tpu.dma_semaphore, #tpu.memory_space<semaphore_mem>>
    %dma_start3A_343 = tpu.memref_squeeze %dma_start3A_342 : memref<1x!tpu.dma_semaphore, #tpu.memory_space<semaphore_mem>> -> memref<!tpu.dma_semaphore, #tpu.memory_space<semaphore_mem>>
    %dma_start3A_344 = arith.constant 0 : i32
    %dma_start3A_345 = tpu.memref_slice %arg9[%add3A_333, %dma_start3A_344] : memref<10240x64xf32, #tpu.memory_space<vmem_shared>> -> memref<128x64xf32, #tpu.memory_space<vmem_shared>>
    %dma_start3A_346 = arith.constant 0 : i32
    %dma_start3A_347 = arith.constant 0 : i32
    %dma_start3A_348 = tpu.memref_slice %arg8[%dma_start3A_334, %dma_start3A_346, %dma_start3A_347] : memref<5x128x64xf32, #tpu.memory_space<vmem>> -> memref<1x128x64xf32, #tpu.memory_space<vmem>>
    %dma_start3A_349 = tpu.memref_squeeze %dma_start3A_348 : memref<1x128x64xf32, #tpu.memory_space<vmem>> -> memref<128x64xf32, #tpu.memory_space<vmem>>
    tpu.enqueue_dma source(%dma_start3A_349 : memref<128x64xf32, #tpu.memory_space<vmem>>) target(%dma_start3A_345 : memref<128x64xf32, #tpu.memory_space<vmem_shared>>) target_semaphore(%dma_start3A_343 : memref<!tpu.dma_semaphore, #tpu.memory_space<semaphore_mem>>)
    %mul3A_350 = arith.constant 640 : i32
    %mul3A_351 = arith.muli %arg1, %mul3A_350 : i32
    %add3A_352 = arith.constant 512 : i32
    %add3A_353 = arith.addi %mul3A_351, %add3A_352 : i32
    %dma_wait3A_354 = arith.constant 4 : i32
    %dma_wait3A_355 = arith.constant 4 : i32
    %dma_wait3A_356 = arith.constant 0 : i32
    %dma_wait3A_357 = arith.constant 0 : i32
    %dma_wait3A_358 = tpu.memref_slice %arg8[%dma_wait3A_354, %dma_wait3A_356, %dma_wait3A_357] : memref<5x128x64xf32, #tpu.memory_space<vmem>> -> memref<1x128x64xf32, #tpu.memory_space<vmem>>
    %dma_wait3A_359 = tpu.memref_squeeze %dma_wait3A_358 : memref<1x128x64xf32, #tpu.memory_space<vmem>> -> memref<128x64xf32, #tpu.memory_space<vmem>>
    %dma_wait3A_360 = arith.constant 0 : i32
    %dma_wait3A_361 = arith.constant 0 : i32
    %dma_wait3A_362 = tpu.memref_slice %arg2[%arg0, %dma_wait3A_360, %dma_wait3A_361] : memref<2x10240x64xf32, #tpu.memory_space<hbm>> -> memref<1x10240x64xf32, #tpu.memory_space<hbm>>
    %dma_wait3A_363 = tpu.memref_squeeze %dma_wait3A_362 : memref<1x10240x64xf32, #tpu.memory_space<hbm>> -> memref<10240x64xf32, #tpu.memory_space<hbm>>
    %dma_wait3A_364 = arith.constant 0 : i32
    %dma_wait3A_365 = tpu.memref_slice %dma_wait3A_363[%add3A_353, %dma_wait3A_364] : memref<10240x64xf32, #tpu.memory_space<hbm>> -> memref<128x64xf32, #tpu.memory_space<hbm>>
    %dma_wait3A_366 = tpu.memref_slice %arg10[%dma_wait3A_355] : memref<5x!tpu.dma_semaphore, #tpu.memory_space<semaphore_mem>> -> memref<1x!tpu.dma_semaphore, #tpu.memory_space<semaphore_mem>>
    %dma_wait3A_367 = tpu.memref_squeeze %dma_wait3A_366 : memref<1x!tpu.dma_semaphore, #tpu.memory_space<semaphore_mem>> -> memref<!tpu.dma_semaphore, #tpu.memory_space<semaphore_mem>>
    %dma_wait3A_368 = arith.constant 0 : i32
    %dma_wait3A_369 = arith.constant 0 : i32
    %dma_wait3A_370 = tpu.memref_slice %arg8[%dma_wait3A_354, %dma_wait3A_368, %dma_wait3A_369] : memref<5x128x64xf32, #tpu.memory_space<vmem>> -> memref<1x128x64xf32, #tpu.memory_space<vmem>>
    %dma_wait3A_371 = tpu.memref_squeeze %dma_wait3A_370 : memref<1x128x64xf32, #tpu.memory_space<vmem>> -> memref<128x64xf32, #tpu.memory_space<vmem>>
    %dma_wait3A_372 = arith.constant 0 : i32
    %dma_wait3A_373 = arith.constant 0 : i32
    %dma_wait3A_374 = tpu.memref_slice %arg2[%arg0, %dma_wait3A_372, %dma_wait3A_373] : memref<2x10240x64xf32, #tpu.memory_space<hbm>> -> memref<1x10240x64xf32, #tpu.memory_space<hbm>>
    %dma_wait3A_375 = tpu.memref_squeeze %dma_wait3A_374 : memref<1x10240x64xf32, #tpu.memory_space<hbm>> -> memref<10240x64xf32, #tpu.memory_space<hbm>>
    %dma_wait3A_376 = arith.constant 0 : i32
    %dma_wait3A_377 = tpu.memref_slice %dma_wait3A_375[%add3A_353, %dma_wait3A_376] : memref<10240x64xf32, #tpu.memory_space<hbm>> -> memref<128x64xf32, #tpu.memory_space<hbm>>
    tpu.wait_dma2 semaphore(%dma_wait3A_367 : memref<!tpu.dma_semaphore, #tpu.memory_space<semaphore_mem>>) src(%dma_wait3A_377 : memref<128x64xf32, #tpu.memory_space<hbm>>) dst(%dma_wait3A_371 : memref<128x64xf32, #tpu.memory_space<vmem>>)
    %mul3A_378 = arith.constant 640 : i32
    %mul3A_379 = arith.muli %arg1, %mul3A_378 : i32
    %add3A_380 = arith.constant 512 : i32
    %add3A_381 = arith.addi %mul3A_379, %add3A_380 : i32
    %dma_start3A_382 = arith.constant 4 : i32
    %dma_start3A_383 = arith.constant 4 : i32
    %dma_start3A_384 = arith.constant 0 : i32
    %dma_start3A_385 = arith.constant 0 : i32
    %dma_start3A_386 = tpu.memref_slice %arg8[%dma_start3A_382, %dma_start3A_384, %dma_start3A_385] : memref<5x128x64xf32, #tpu.memory_space<vmem>> -> memref<1x128x64xf32, #tpu.memory_space<vmem>>
    %dma_start3A_387 = tpu.memref_squeeze %dma_start3A_386 : memref<1x128x64xf32, #tpu.memory_space<vmem>> -> memref<128x64xf32, #tpu.memory_space<vmem>>
    %dma_start3A_388 = arith.constant 0 : i32
    %dma_start3A_389 = tpu.memref_slice %arg9[%add3A_381, %dma_start3A_388] : memref<10240x64xf32, #tpu.memory_space<vmem_shared>> -> memref<128x64xf32, #tpu.memory_space<vmem_shared>>
    %dma_start3A_390 = tpu.memref_slice %arg11[%dma_start3A_383] : memref<5x!tpu.dma_semaphore, #tpu.memory_space<semaphore_mem>> -> memref<1x!tpu.dma_semaphore, #tpu.memory_space<semaphore_mem>>
    %dma_start3A_391 = tpu.memref_squeeze %dma_start3A_390 : memref<1x!tpu.dma_semaphore, #tpu.memory_space<semaphore_mem>> -> memref<!tpu.dma_semaphore, #tpu.memory_space<semaphore_mem>>
    %dma_start3A_392 = arith.constant 0 : i32
    %dma_start3A_393 = tpu.memref_slice %arg9[%add3A_381, %dma_start3A_392] : memref<10240x64xf32, #tpu.memory_space<vmem_shared>> -> memref<128x64xf32, #tpu.memory_space<vmem_shared>>
    %dma_start3A_394 = arith.constant 0 : i32
    %dma_start3A_395 = arith.constant 0 : i32
    %dma_start3A_396 = tpu.memref_slice %arg8[%dma_start3A_382, %dma_start3A_394, %dma_start3A_395] : memref<5x128x64xf32, #tpu.memory_space<vmem>> -> memref<1x128x64xf32, #tpu.memory_space<vmem>>
    %dma_start3A_397 = tpu.memref_squeeze %dma_start3A_396 : memref<1x128x64xf32, #tpu.memory_space<vmem>> -> memref<128x64xf32, #tpu.memory_space<vmem>>
    tpu.enqueue_dma source(%dma_start3A_397 : memref<128x64xf32, #tpu.memory_space<vmem>>) target(%dma_start3A_393 : memref<128x64xf32, #tpu.memory_space<vmem_shared>>) target_semaphore(%dma_start3A_391 : memref<!tpu.dma_semaphore, #tpu.memory_space<semaphore_mem>>)
    %mul3A_398 = arith.constant 640 : i32
    %mul3A_399 = arith.muli %arg1, %mul3A_398 : i32
    %add3A_400 = arith.constant 0 : i32
    %add3A_401 = arith.addi %mul3A_399, %add3A_400 : i32
    %dma_wait3A_402 = arith.constant 0 : i32
    %dma_wait3A_403 = arith.constant 0 : i32
    %dma_wait3A_404 = arith.constant 0 : i32
    %dma_wait3A_405 = arith.constant 0 : i32
    %dma_wait3A_406 = tpu.memref_slice %arg8[%dma_wait3A_402, %dma_wait3A_404, %dma_wait3A_405] : memref<5x128x64xf32, #tpu.memory_space<vmem>> -> memref<1x128x64xf32, #tpu.memory_space<vmem>>
    %dma_wait3A_407 = tpu.memref_squeeze %dma_wait3A_406 : memref<1x128x64xf32, #tpu.memory_space<vmem>> -> memref<128x64xf32, #tpu.memory_space<vmem>>
    %dma_wait3A_408 = arith.constant 0 : i32
    %dma_wait3A_409 = tpu.memref_slice %arg9[%add3A_401, %dma_wait3A_408] : memref<10240x64xf32, #tpu.memory_space<vmem_shared>> -> memref<128x64xf32, #tpu.memory_space<vmem_shared>>
    %dma_wait3A_410 = tpu.memref_slice %arg11[%dma_wait3A_403] : memref<5x!tpu.dma_semaphore, #tpu.memory_space<semaphore_mem>> -> memref<1x!tpu.dma_semaphore, #tpu.memory_space<semaphore_mem>>
    %dma_wait3A_411 = tpu.memref_squeeze %dma_wait3A_410 : memref<1x!tpu.dma_semaphore, #tpu.memory_space<semaphore_mem>> -> memref<!tpu.dma_semaphore, #tpu.memory_space<semaphore_mem>>
    %dma_wait3A_412 = arith.constant 0 : i32
    %dma_wait3A_413 = tpu.memref_slice %arg9[%add3A_401, %dma_wait3A_412] : memref<10240x64xf32, #tpu.memory_space<vmem_shared>> -> memref<128x64xf32, #tpu.memory_space<vmem_shared>>
    %dma_wait3A_414 = arith.constant 0 : i32
    %dma_wait3A_415 = arith.constant 0 : i32
    %dma_wait3A_416 = tpu.memref_slice %arg8[%dma_wait3A_402, %dma_wait3A_414, %dma_wait3A_415] : memref<5x128x64xf32, #tpu.memory_space<vmem>> -> memref<1x128x64xf32, #tpu.memory_space<vmem>>
    %dma_wait3A_417 = tpu.memref_squeeze %dma_wait3A_416 : memref<1x128x64xf32, #tpu.memory_space<vmem>> -> memref<128x64xf32, #tpu.memory_space<vmem>>
    tpu.wait_dma2 semaphore(%dma_wait3A_411 : memref<!tpu.dma_semaphore, #tpu.memory_space<semaphore_mem>>) src(%dma_wait3A_417 : memref<128x64xf32, #tpu.memory_space<vmem>>) dst(%dma_wait3A_413 : memref<128x64xf32, #tpu.memory_space<vmem_shared>>)
    %mul3A_418 = arith.constant 640 : i32
    %mul3A_419 = arith.muli %arg1, %mul3A_418 : i32
    %add3A_420 = arith.constant 128 : i32
    %add3A_421 = arith.addi %mul3A_419, %add3A_420 : i32
    %dma_wait3A_422 = arith.constant 1 : i32
    %dma_wait3A_423 = arith.constant 1 : i32
    %dma_wait3A_424 = arith.constant 0 : i32
    %dma_wait3A_425 = arith.constant 0 : i32
    %dma_wait3A_426 = tpu.memref_slice %arg8[%dma_wait3A_422, %dma_wait3A_424, %dma_wait3A_425] : memref<5x128x64xf32, #tpu.memory_space<vmem>> -> memref<1x128x64xf32, #tpu.memory_space<vmem>>
    %dma_wait3A_427 = tpu.memref_squeeze %dma_wait3A_426 : memref<1x128x64xf32, #tpu.memory_space<vmem>> -> memref<128x64xf32, #tpu.memory_space<vmem>>
    %dma_wait3A_428 = arith.constant 0 : i32
    %dma_wait3A_429 = tpu.memref_slice %arg9[%add3A_421, %dma_wait3A_428] : memref<10240x64xf32, #tpu.memory_space<vmem_shared>> -> memref<128x64xf32, #tpu.memory_space<vmem_shared>>
    %dma_wait3A_430 = tpu.memref_slice %arg11[%dma_wait3A_423] : memref<5x!tpu.dma_semaphore, #tpu.memory_space<semaphore_mem>> -> memref<1x!tpu.dma_semaphore, #tpu.memory_space<semaphore_mem>>
    %dma_wait3A_431 = tpu.memref_squeeze %dma_wait3A_430 : memref<1x!tpu.dma_semaphore, #tpu.memory_space<semaphore_mem>> -> memref<!tpu.dma_semaphore, #tpu.memory_space<semaphore_mem>>
    %dma_wait3A_432 = arith.constant 0 : i32
    %dma_wait3A_433 = tpu.memref_slice %arg9[%add3A_421, %dma_wait3A_432] : memref<10240x64xf32, #tpu.memory_space<vmem_shared>> -> memref<128x64xf32, #tpu.memory_space<vmem_shared>>
    %dma_wait3A_434 = arith.constant 0 : i32
    %dma_wait3A_435 = arith.constant 0 : i32
    %dma_wait3A_436 = tpu.memref_slice %arg8[%dma_wait3A_422, %dma_wait3A_434, %dma_wait3A_435] : memref<5x128x64xf32, #tpu.memory_space<vmem>> -> memref<1x128x64xf32, #tpu.memory_space<vmem>>
    %dma_wait3A_437 = tpu.memref_squeeze %dma_wait3A_436 : memref<1x128x64xf32, #tpu.memory_space<vmem>> -> memref<128x64xf32, #tpu.memory_space<vmem>>
    tpu.wait_dma2 semaphore(%dma_wait3A_431 : memref<!tpu.dma_semaphore, #tpu.memory_space<semaphore_mem>>) src(%dma_wait3A_437 : memref<128x64xf32, #tpu.memory_space<vmem>>) dst(%dma_wait3A_433 : memref<128x64xf32, #tpu.memory_space<vmem_shared>>)
    %mul3A_438 = arith.constant 640 : i32
    %mul3A_439 = arith.muli %arg1, %mul3A_438 : i32
    %add3A_440 = arith.constant 256 : i32
    %add3A_441 = arith.addi %mul3A_439, %add3A_440 : i32
    %dma_wait3A_442 = arith.constant 2 : i32
    %dma_wait3A_443 = arith.constant 2 : i32
    %dma_wait3A_444 = arith.constant 0 : i32
    %dma_wait3A_445 = arith.constant 0 : i32
    %dma_wait3A_446 = tpu.memref_slice %arg8[%dma_wait3A_442, %dma_wait3A_444, %dma_wait3A_445] : memref<5x128x64xf32, #tpu.memory_space<vmem>> -> memref<1x128x64xf32, #tpu.memory_space<vmem>>
    %dma_wait3A_447 = tpu.memref_squeeze %dma_wait3A_446 : memref<1x128x64xf32, #tpu.memory_space<vmem>> -> memref<128x64xf32, #tpu.memory_space<vmem>>
    %dma_wait3A_448 = arith.constant 0 : i32
    %dma_wait3A_449 = tpu.memref_slice %arg9[%add3A_441, %dma_wait3A_448] : memref<10240x64xf32, #tpu.memory_space<vmem_shared>> -> memref<128x64xf32, #tpu.memory_space<vmem_shared>>
    %dma_wait3A_450 = tpu.memref_slice %arg11[%dma_wait3A_443] : memref<5x!tpu.dma_semaphore, #tpu.memory_space<semaphore_mem>> -> memref<1x!tpu.dma_semaphore, #tpu.memory_space<semaphore_mem>>
    %dma_wait3A_451 = tpu.memref_squeeze %dma_wait3A_450 : memref<1x!tpu.dma_semaphore, #tpu.memory_space<semaphore_mem>> -> memref<!tpu.dma_semaphore, #tpu.memory_space<semaphore_mem>>
    %dma_wait3A_452 = arith.constant 0 : i32
    %dma_wait3A_453 = tpu.memref_slice %arg9[%add3A_441, %dma_wait3A_452] : memref<10240x64xf32, #tpu.memory_space<vmem_shared>> -> memref<128x64xf32, #tpu.memory_space<vmem_shared>>
    %dma_wait3A_454 = arith.constant 0 : i32
    %dma_wait3A_455 = arith.constant 0 : i32
    %dma_wait3A_456 = tpu.memref_slice %arg8[%dma_wait3A_442, %dma_wait3A_454, %dma_wait3A_455] : memref<5x128x64xf32, #tpu.memory_space<vmem>> -> memref<1x128x64xf32, #tpu.memory_space<vmem>>
    %dma_wait3A_457 = tpu.memref_squeeze %dma_wait3A_456 : memref<1x128x64xf32, #tpu.memory_space<vmem>> -> memref<128x64xf32, #tpu.memory_space<vmem>>
    tpu.wait_dma2 semaphore(%dma_wait3A_451 : memref<!tpu.dma_semaphore, #tpu.memory_space<semaphore_mem>>) src(%dma_wait3A_457 : memref<128x64xf32, #tpu.memory_space<vmem>>) dst(%dma_wait3A_453 : memref<128x64xf32, #tpu.memory_space<vmem_shared>>)
    %mul3A_458 = arith.constant 640 : i32
    %mul3A_459 = arith.muli %arg1, %mul3A_458 : i32
    %add3A_460 = arith.constant 384 : i32
    %add3A_461 = arith.addi %mul3A_459, %add3A_460 : i32
    %dma_wait3A_462 = arith.constant 3 : i32
    %dma_wait3A_463 = arith.constant 3 : i32
    %dma_wait3A_464 = arith.constant 0 : i32
    %dma_wait3A_465 = arith.constant 0 : i32
    %dma_wait3A_466 = tpu.memref_slice %arg8[%dma_wait3A_462, %dma_wait3A_464, %dma_wait3A_465] : memref<5x128x64xf32, #tpu.memory_space<vmem>> -> memref<1x128x64xf32, #tpu.memory_space<vmem>>
    %dma_wait3A_467 = tpu.memref_squeeze %dma_wait3A_466 : memref<1x128x64xf32, #tpu.memory_space<vmem>> -> memref<128x64xf32, #tpu.memory_space<vmem>>
    %dma_wait3A_468 = arith.constant 0 : i32
    %dma_wait3A_469 = tpu.memref_slice %arg9[%add3A_461, %dma_wait3A_468] : memref<10240x64xf32, #tpu.memory_space<vmem_shared>> -> memref<128x64xf32, #tpu.memory_space<vmem_shared>>
    %dma_wait3A_470 = tpu.memref_slice %arg11[%dma_wait3A_463] : memref<5x!tpu.dma_semaphore, #tpu.memory_space<semaphore_mem>> -> memref<1x!tpu.dma_semaphore, #tpu.memory_space<semaphore_mem>>
    %dma_wait3A_471 = tpu.memref_squeeze %dma_wait3A_470 : memref<1x!tpu.dma_semaphore, #tpu.memory_space<semaphore_mem>> -> memref<!tpu.dma_semaphore, #tpu.memory_space<semaphore_mem>>
    %dma_wait3A_472 = arith.constant 0 : i32
    %dma_wait3A_473 = tpu.memref_slice %arg9[%add3A_461, %dma_wait3A_472] : memref<10240x64xf32, #tpu.memory_space<vmem_shared>> -> memref<128x64xf32, #tpu.memory_space<vmem_shared>>
    %dma_wait3A_474 = arith.constant 0 : i32
    %dma_wait3A_475 = arith.constant 0 : i32
    %dma_wait3A_476 = tpu.memref_slice %arg8[%dma_wait3A_462, %dma_wait3A_474, %dma_wait3A_475] : memref<5x128x64xf32, #tpu.memory_space<vmem>> -> memref<1x128x64xf32, #tpu.memory_space<vmem>>
    %dma_wait3A_477 = tpu.memref_squeeze %dma_wait3A_476 : memref<1x128x64xf32, #tpu.memory_space<vmem>> -> memref<128x64xf32, #tpu.memory_space<vmem>>
    tpu.wait_dma2 semaphore(%dma_wait3A_471 : memref<!tpu.dma_semaphore, #tpu.memory_space<semaphore_mem>>) src(%dma_wait3A_477 : memref<128x64xf32, #tpu.memory_space<vmem>>) dst(%dma_wait3A_473 : memref<128x64xf32, #tpu.memory_space<vmem_shared>>)
    %mul3A_478 = arith.constant 640 : i32
    %mul3A_479 = arith.muli %arg1, %mul3A_478 : i32
    %add3A_480 = arith.constant 512 : i32
    %add3A_481 = arith.addi %mul3A_479, %add3A_480 : i32
    %dma_wait3A_482 = arith.constant 4 : i32
    %dma_wait3A_483 = arith.constant 4 : i32
    %dma_wait3A_484 = arith.constant 0 : i32
    %dma_wait3A_485 = arith.constant 0 : i32
    %dma_wait3A_486 = tpu.memref_slice %arg8[%dma_wait3A_482, %dma_wait3A_484, %dma_wait3A_485] : memref<5x128x64xf32, #tpu.memory_space<vmem>> -> memref<1x128x64xf32, #tpu.memory_space<vmem>>
    %dma_wait3A_487 = tpu.memref_squeeze %dma_wait3A_486 : memref<1x128x64xf32, #tpu.memory_space<vmem>> -> memref<128x64xf32, #tpu.memory_space<vmem>>
    %dma_wait3A_488 = arith.constant 0 : i32
    %dma_wait3A_489 = tpu.memref_slice %arg9[%add3A_481, %dma_wait3A_488] : memref<10240x64xf32, #tpu.memory_space<vmem_shared>> -> memref<128x64xf32, #tpu.memory_space<vmem_shared>>
    %dma_wait3A_490 = tpu.memref_slice %arg11[%dma_wait3A_483] : memref<5x!tpu.dma_semaphore, #tpu.memory_space<semaphore_mem>> -> memref<1x!tpu.dma_semaphore, #tpu.memory_space<semaphore_mem>>
    %dma_wait3A_491 = tpu.memref_squeeze %dma_wait3A_490 : memref<1x!tpu.dma_semaphore, #tpu.memory_space<semaphore_mem>> -> memref<!tpu.dma_semaphore, #tpu.memory_space<semaphore_mem>>
    %dma_wait3A_492 = arith.constant 0 : i32
    %dma_wait3A_493 = tpu.memref_slice %arg9[%add3A_481, %dma_wait3A_492] : memref<10240x64xf32, #tpu.memory_space<vmem_shared>> -> memref<128x64xf32, #tpu.memory_space<vmem_shared>>
    %dma_wait3A_494 = arith.constant 0 : i32
    %dma_wait3A_495 = arith.constant 0 : i32
    %dma_wait3A_496 = tpu.memref_slice %arg8[%dma_wait3A_482, %dma_wait3A_494, %dma_wait3A_495] : memref<5x128x64xf32, #tpu.memory_space<vmem>> -> memref<1x128x64xf32, #tpu.memory_space<vmem>>
    %dma_wait3A_497 = tpu.memref_squeeze %dma_wait3A_496 : memref<1x128x64xf32, #tpu.memory_space<vmem>> -> memref<128x64xf32, #tpu.memory_space<vmem>>
    tpu.wait_dma2 semaphore(%dma_wait3A_491 : memref<!tpu.dma_semaphore, #tpu.memory_space<semaphore_mem>>) src(%dma_wait3A_497 : memref<128x64xf32, #tpu.memory_space<vmem>>) dst(%dma_wait3A_493 : memref<128x64xf32, #tpu.memory_space<vmem_shared>>)
    %dma_wait3A_498 = arith.constant 0 : i32
    %dma_wait3A_499 = arith.constant 0 : i32
    %dma_wait3A_500 = arith.constant 0 : i32
    %dma_wait3A_501 = tpu.memref_slice %arg3[%arg1, %dma_wait3A_499, %dma_wait3A_500] : memref<16x160x128xi32, #tpu.memory_space<hbm>> -> memref<1x160x128xi32, #tpu.memory_space<hbm>>
    %dma_wait3A_502 = tpu.memref_squeeze %dma_wait3A_501 : memref<1x160x128xi32, #tpu.memory_space<hbm>> -> memref<160x128xi32, #tpu.memory_space<hbm>>
    %dma_wait3A_503 = tpu.memref_slice %arg12[%dma_wait3A_498] : memref<2x!tpu.dma_semaphore, #tpu.memory_space<semaphore_mem>> -> memref<1x!tpu.dma_semaphore, #tpu.memory_space<semaphore_mem>>
    %dma_wait3A_504 = tpu.memref_squeeze %dma_wait3A_503 : memref<1x!tpu.dma_semaphore, #tpu.memory_space<semaphore_mem>> -> memref<!tpu.dma_semaphore, #tpu.memory_space<semaphore_mem>>
    %dma_wait3A_505 = arith.constant 0 : i32
    %dma_wait3A_506 = arith.constant 0 : i32
    %dma_wait3A_507 = tpu.memref_slice %arg3[%arg1, %dma_wait3A_505, %dma_wait3A_506] : memref<16x160x128xi32, #tpu.memory_space<hbm>> -> memref<1x160x128xi32, #tpu.memory_space<hbm>>
    %dma_wait3A_508 = tpu.memref_squeeze %dma_wait3A_507 : memref<1x160x128xi32, #tpu.memory_space<hbm>> -> memref<160x128xi32, #tpu.memory_space<hbm>>
    tpu.wait_dma2 semaphore(%dma_wait3A_504 : memref<!tpu.dma_semaphore, #tpu.memory_space<semaphore_mem>>) src(%dma_wait3A_508 : memref<160x128xi32, #tpu.memory_space<hbm>>) dst(%arg6 : memref<160x128xi32, #tpu.memory_space<vmem>>)
    %dma_wait3A_509 = arith.constant 1 : i32
    %dma_wait3A_510 = arith.constant 0 : i32
    %dma_wait3A_511 = arith.constant 0 : i32
    %dma_wait3A_512 = tpu.memref_slice %arg4[%arg1, %dma_wait3A_510, %dma_wait3A_511] : memref<16x160x128xi32, #tpu.memory_space<hbm>> -> memref<1x160x128xi32, #tpu.memory_space<hbm>>
    %dma_wait3A_513 = tpu.memref_squeeze %dma_wait3A_512 : memref<1x160x128xi32, #tpu.memory_space<hbm>> -> memref<160x128xi32, #tpu.memory_space<hbm>>
    %dma_wait3A_514 = tpu.memref_slice %arg12[%dma_wait3A_509] : memref<2x!tpu.dma_semaphore, #tpu.memory_space<semaphore_mem>> -> memref<1x!tpu.dma_semaphore, #tpu.memory_space<semaphore_mem>>
    %dma_wait3A_515 = tpu.memref_squeeze %dma_wait3A_514 : memref<1x!tpu.dma_semaphore, #tpu.memory_space<semaphore_mem>> -> memref<!tpu.dma_semaphore, #tpu.memory_space<semaphore_mem>>
    %dma_wait3A_516 = arith.constant 0 : i32
    %dma_wait3A_517 = arith.constant 0 : i32
    %dma_wait3A_518 = tpu.memref_slice %arg4[%arg1, %dma_wait3A_516, %dma_wait3A_517] : memref<16x160x128xi32, #tpu.memory_space<hbm>> -> memref<1x160x128xi32, #tpu.memory_space<hbm>>
    %dma_wait3A_519 = tpu.memref_squeeze %dma_wait3A_518 : memref<1x160x128xi32, #tpu.memory_space<hbm>> -> memref<160x128xi32, #tpu.memory_space<hbm>>
    tpu.wait_dma2 semaphore(%dma_wait3A_515 : memref<!tpu.dma_semaphore, #tpu.memory_space<semaphore_mem>>) src(%dma_wait3A_519 : memref<160x128xi32, #tpu.memory_space<hbm>>) dst(%arg7 : memref<160x128xi32, #tpu.memory_space<vmem>>)
    %barrier3A = arith.constant 0 : index
    tpu.barrier barrier_id(%barrier3A)
    %dma_start3A_520 = arith.constant 0 : i32
    %dma_start3A_521 = arith.constant 0 : i32
    %dma_start3A_522 = arith.constant 0 : i32
    %dma_start3A_523 = arith.constant 0 : i32
    %dma_start3A_524 = arith.constant 0 : i32
    %dma_start3A_525 = tpu.memref_slice %arg8[%dma_start3A_521, %dma_start3A_523, %dma_start3A_524] : memref<5x128x64xf32, #tpu.memory_space<vmem>> -> memref<1x128x64xf32, #tpu.memory_space<vmem>>
    %dma_start3A_526 = tpu.memref_squeeze %dma_start3A_525 : memref<1x128x64xf32, #tpu.memory_space<vmem>> -> memref<128x64xf32, #tpu.memory_space<vmem>>
    %dma_start3A_527 = arith.constant 0 : i32
    %dma_start3A_528 = tpu.memref_slice %arg6[%dma_start3A_520, %dma_start3A_527] : memref<160x128xi32, #tpu.memory_space<vmem>> -> memref<1x128xi32, #tpu.memory_space<vmem>>
    %dma_start3A_529 = tpu.memref_squeeze %dma_start3A_528 : memref<1x128xi32, #tpu.memory_space<vmem>> -> memref<128xi32, #tpu.memory_space<vmem>>
    %dma_start3A_530 = arith.constant 0 : i32
    %dma_start3A_531 = arith.constant 0 : i32
    %dma_start3A_532 = tpu.memref_slice %arg2[%arg0, %dma_start3A_530, %dma_start3A_531] : memref<2x10240x64xf32, #tpu.memory_space<hbm>> -> memref<1x10240x64xf32, #tpu.memory_space<hbm>>
    %dma_start3A_533 = tpu.memref_squeeze %dma_start3A_532 : memref<1x10240x64xf32, #tpu.memory_space<hbm>> -> memref<10240x64xf32, #tpu.memory_space<hbm>>
    %dma_start3A_534 = arith.constant 0 : i32
    %dma_start3A_535 = arith.constant 0 : i32
    %dma_start3A_536 = tpu.memref_slice %dma_start3A_533[%dma_start3A_534, %dma_start3A_535] : memref<10240x64xf32, #tpu.memory_space<hbm>> -> memref<10240x64xf32, #tpu.memory_space<hbm>>
    %dma_start3A_537 = tpu.memref_slice %arg10[%dma_start3A_522] : memref<5x!tpu.dma_semaphore, #tpu.memory_space<semaphore_mem>> -> memref<1x!tpu.dma_semaphore, #tpu.memory_space<semaphore_mem>>
    %dma_start3A_538 = tpu.memref_squeeze %dma_start3A_537 : memref<1x!tpu.dma_semaphore, #tpu.memory_space<semaphore_mem>> -> memref<!tpu.dma_semaphore, #tpu.memory_space<semaphore_mem>>
    tpu.enqueue_indirect_dma source(%dma_start3A_536 : memref<10240x64xf32, #tpu.memory_space<hbm>>) target(%dma_start3A_526 : memref<128x64xf32, #tpu.memory_space<vmem>>) offsets(%dma_start3A_529 : memref<128xi32, #tpu.memory_space<vmem>>) semaphore(%dma_start3A_538 : memref<!tpu.dma_semaphore, #tpu.memory_space<semaphore_mem>>)
    %dma_start3A_539 = arith.constant 1 : i32
    %dma_start3A_540 = arith.constant 1 : i32
    %dma_start3A_541 = arith.constant 1 : i32
    %dma_start3A_542 = arith.constant 0 : i32
    %dma_start3A_543 = arith.constant 0 : i32
    %dma_start3A_544 = tpu.memref_slice %arg8[%dma_start3A_540, %dma_start3A_542, %dma_start3A_543] : memref<5x128x64xf32, #tpu.memory_space<vmem>> -> memref<1x128x64xf32, #tpu.memory_space<vmem>>
    %dma_start3A_545 = tpu.memref_squeeze %dma_start3A_544 : memref<1x128x64xf32, #tpu.memory_space<vmem>> -> memref<128x64xf32, #tpu.memory_space<vmem>>
    %dma_start3A_546 = arith.constant 0 : i32
    %dma_start3A_547 = tpu.memref_slice %arg6[%dma_start3A_539, %dma_start3A_546] : memref<160x128xi32, #tpu.memory_space<vmem>> -> memref<1x128xi32, #tpu.memory_space<vmem>>
    %dma_start3A_548 = tpu.memref_squeeze %dma_start3A_547 : memref<1x128xi32, #tpu.memory_space<vmem>> -> memref<128xi32, #tpu.memory_space<vmem>>
    %dma_start3A_549 = arith.constant 0 : i32
    %dma_start3A_550 = arith.constant 0 : i32
    %dma_start3A_551 = tpu.memref_slice %arg2[%arg0, %dma_start3A_549, %dma_start3A_550] : memref<2x10240x64xf32, #tpu.memory_space<hbm>> -> memref<1x10240x64xf32, #tpu.memory_space<hbm>>
    %dma_start3A_552 = tpu.memref_squeeze %dma_start3A_551 : memref<1x10240x64xf32, #tpu.memory_space<hbm>> -> memref<10240x64xf32, #tpu.memory_space<hbm>>
    %dma_start3A_553 = arith.constant 0 : i32
    %dma_start3A_554 = arith.constant 0 : i32
    %dma_start3A_555 = tpu.memref_slice %dma_start3A_552[%dma_start3A_553, %dma_start3A_554] : memref<10240x64xf32, #tpu.memory_space<hbm>> -> memref<10240x64xf32, #tpu.memory_space<hbm>>
    %dma_start3A_556 = tpu.memref_slice %arg10[%dma_start3A_541] : memref<5x!tpu.dma_semaphore, #tpu.memory_space<semaphore_mem>> -> memref<1x!tpu.dma_semaphore, #tpu.memory_space<semaphore_mem>>
    %dma_start3A_557 = tpu.memref_squeeze %dma_start3A_556 : memref<1x!tpu.dma_semaphore, #tpu.memory_space<semaphore_mem>> -> memref<!tpu.dma_semaphore, #tpu.memory_space<semaphore_mem>>
    tpu.enqueue_indirect_dma source(%dma_start3A_555 : memref<10240x64xf32, #tpu.memory_space<hbm>>) target(%dma_start3A_545 : memref<128x64xf32, #tpu.memory_space<vmem>>) offsets(%dma_start3A_548 : memref<128xi32, #tpu.memory_space<vmem>>) semaphore(%dma_start3A_557 : memref<!tpu.dma_semaphore, #tpu.memory_space<semaphore_mem>>)
    %dma_start3A_558 = arith.constant 2 : i32
    %dma_start3A_559 = arith.constant 2 : i32
    %dma_start3A_560 = arith.constant 2 : i32
    %dma_start3A_561 = arith.constant 0 : i32
    %dma_start3A_562 = arith.constant 0 : i32
    %dma_start3A_563 = tpu.memref_slice %arg8[%dma_start3A_559, %dma_start3A_561, %dma_start3A_562] : memref<5x128x64xf32, #tpu.memory_space<vmem>> -> memref<1x128x64xf32, #tpu.memory_space<vmem>>
    %dma_start3A_564 = tpu.memref_squeeze %dma_start3A_563 : memref<1x128x64xf32, #tpu.memory_space<vmem>> -> memref<128x64xf32, #tpu.memory_space<vmem>>
    %dma_start3A_565 = arith.constant 0 : i32
    %dma_start3A_566 = tpu.memref_slice %arg6[%dma_start3A_558, %dma_start3A_565] : memref<160x128xi32, #tpu.memory_space<vmem>> -> memref<1x128xi32, #tpu.memory_space<vmem>>
    %dma_start3A_567 = tpu.memref_squeeze %dma_start3A_566 : memref<1x128xi32, #tpu.memory_space<vmem>> -> memref<128xi32, #tpu.memory_space<vmem>>
    %dma_start3A_568 = arith.constant 0 : i32
    %dma_start3A_569 = arith.constant 0 : i32
    %dma_start3A_570 = tpu.memref_slice %arg2[%arg0, %dma_start3A_568, %dma_start3A_569] : memref<2x10240x64xf32, #tpu.memory_space<hbm>> -> memref<1x10240x64xf32, #tpu.memory_space<hbm>>
    %dma_start3A_571 = tpu.memref_squeeze %dma_start3A_570 : memref<1x10240x64xf32, #tpu.memory_space<hbm>> -> memref<10240x64xf32, #tpu.memory_space<hbm>>
    %dma_start3A_572 = arith.constant 0 : i32
    %dma_start3A_573 = arith.constant 0 : i32
    %dma_start3A_574 = tpu.memref_slice %dma_start3A_571[%dma_start3A_572, %dma_start3A_573] : memref<10240x64xf32, #tpu.memory_space<hbm>> -> memref<10240x64xf32, #tpu.memory_space<hbm>>
    %dma_start3A_575 = tpu.memref_slice %arg10[%dma_start3A_560] : memref<5x!tpu.dma_semaphore, #tpu.memory_space<semaphore_mem>> -> memref<1x!tpu.dma_semaphore, #tpu.memory_space<semaphore_mem>>
    %dma_start3A_576 = tpu.memref_squeeze %dma_start3A_575 : memref<1x!tpu.dma_semaphore, #tpu.memory_space<semaphore_mem>> -> memref<!tpu.dma_semaphore, #tpu.memory_space<semaphore_mem>>
    tpu.enqueue_indirect_dma source(%dma_start3A_574 : memref<10240x64xf32, #tpu.memory_space<hbm>>) target(%dma_start3A_564 : memref<128x64xf32, #tpu.memory_space<vmem>>) offsets(%dma_start3A_567 : memref<128xi32, #tpu.memory_space<vmem>>) semaphore(%dma_start3A_576 : memref<!tpu.dma_semaphore, #tpu.memory_space<semaphore_mem>>)
    %dma_start3A_577 = arith.constant 3 : i32
    %dma_start3A_578 = arith.constant 3 : i32
    %dma_start3A_579 = arith.constant 3 : i32
    %dma_start3A_580 = arith.constant 0 : i32
    %dma_start3A_581 = arith.constant 0 : i32
    %dma_start3A_582 = tpu.memref_slice %arg8[%dma_start3A_578, %dma_start3A_580, %dma_start3A_581] : memref<5x128x64xf32, #tpu.memory_space<vmem>> -> memref<1x128x64xf32, #tpu.memory_space<vmem>>
    %dma_start3A_583 = tpu.memref_squeeze %dma_start3A_582 : memref<1x128x64xf32, #tpu.memory_space<vmem>> -> memref<128x64xf32, #tpu.memory_space<vmem>>
    %dma_start3A_584 = arith.constant 0 : i32
    %dma_start3A_585 = tpu.memref_slice %arg6[%dma_start3A_577, %dma_start3A_584] : memref<160x128xi32, #tpu.memory_space<vmem>> -> memref<1x128xi32, #tpu.memory_space<vmem>>
    %dma_start3A_586 = tpu.memref_squeeze %dma_start3A_585 : memref<1x128xi32, #tpu.memory_space<vmem>> -> memref<128xi32, #tpu.memory_space<vmem>>
    %dma_start3A_587 = arith.constant 0 : i32
    %dma_start3A_588 = arith.constant 0 : i32
    %dma_start3A_589 = tpu.memref_slice %arg2[%arg0, %dma_start3A_587, %dma_start3A_588] : memref<2x10240x64xf32, #tpu.memory_space<hbm>> -> memref<1x10240x64xf32, #tpu.memory_space<hbm>>
    %dma_start3A_590 = tpu.memref_squeeze %dma_start3A_589 : memref<1x10240x64xf32, #tpu.memory_space<hbm>> -> memref<10240x64xf32, #tpu.memory_space<hbm>>
    %dma_start3A_591 = arith.constant 0 : i32
    %dma_start3A_592 = arith.constant 0 : i32
    %dma_start3A_593 = tpu.memref_slice %dma_start3A_590[%dma_start3A_591, %dma_start3A_592] : memref<10240x64xf32, #tpu.memory_space<hbm>> -> memref<10240x64xf32, #tpu.memory_space<hbm>>
    %dma_start3A_594 = tpu.memref_slice %arg10[%dma_start3A_579] : memref<5x!tpu.dma_semaphore, #tpu.memory_space<semaphore_mem>> -> memref<1x!tpu.dma_semaphore, #tpu.memory_space<semaphore_mem>>
    %dma_start3A_595 = tpu.memref_squeeze %dma_start3A_594 : memref<1x!tpu.dma_semaphore, #tpu.memory_space<semaphore_mem>> -> memref<!tpu.dma_semaphore, #tpu.memory_space<semaphore_mem>>
    tpu.enqueue_indirect_dma source(%dma_start3A_593 : memref<10240x64xf32, #tpu.memory_space<hbm>>) target(%dma_start3A_583 : memref<128x64xf32, #tpu.memory_space<vmem>>) offsets(%dma_start3A_586 : memref<128xi32, #tpu.memory_space<vmem>>) semaphore(%dma_start3A_595 : memref<!tpu.dma_semaphore, #tpu.memory_space<semaphore_mem>>)
    %dma_start3A_596 = arith.constant 4 : i32
    %dma_start3A_597 = arith.constant 4 : i32
    %dma_start3A_598 = arith.constant 4 : i32
    %dma_start3A_599 = arith.constant 0 : i32
    %dma_start3A_600 = arith.constant 0 : i32
    %dma_start3A_601 = tpu.memref_slice %arg8[%dma_start3A_597, %dma_start3A_599, %dma_start3A_600] : memref<5x128x64xf32, #tpu.memory_space<vmem>> -> memref<1x128x64xf32, #tpu.memory_space<vmem>>
    %dma_start3A_602 = tpu.memref_squeeze %dma_start3A_601 : memref<1x128x64xf32, #tpu.memory_space<vmem>> -> memref<128x64xf32, #tpu.memory_space<vmem>>
    %dma_start3A_603 = arith.constant 0 : i32
    %dma_start3A_604 = tpu.memref_slice %arg6[%dma_start3A_596, %dma_start3A_603] : memref<160x128xi32, #tpu.memory_space<vmem>> -> memref<1x128xi32, #tpu.memory_space<vmem>>
    %dma_start3A_605 = tpu.memref_squeeze %dma_start3A_604 : memref<1x128xi32, #tpu.memory_space<vmem>> -> memref<128xi32, #tpu.memory_space<vmem>>
    %dma_start3A_606 = arith.constant 0 : i32
    %dma_start3A_607 = arith.constant 0 : i32
    %dma_start3A_608 = tpu.memref_slice %arg2[%arg0, %dma_start3A_606, %dma_start3A_607] : memref<2x10240x64xf32, #tpu.memory_space<hbm>> -> memref<1x10240x64xf32, #tpu.memory_space<hbm>>
    %dma_start3A_609 = tpu.memref_squeeze %dma_start3A_608 : memref<1x10240x64xf32, #tpu.memory_space<hbm>> -> memref<10240x64xf32, #tpu.memory_space<hbm>>
    %dma_start3A_610 = arith.constant 0 : i32
    %dma_start3A_611 = arith.constant 0 : i32
    %dma_start3A_612 = tpu.memref_slice %dma_start3A_609[%dma_start3A_610, %dma_start3A_611] : memref<10240x64xf32, #tpu.memory_space<hbm>> -> memref<10240x64xf32, #tpu.memory_space<hbm>>
    %dma_start3A_613 = tpu.memref_slice %arg10[%dma_start3A_598] : memref<5x!tpu.dma_semaphore, #tpu.memory_space<semaphore_mem>> -> memref<1x!tpu.dma_semaphore, #tpu.memory_space<semaphore_mem>>
    %dma_start3A_614 = tpu.memref_squeeze %dma_start3A_613 : memref<1x!tpu.dma_semaphore, #tpu.memory_space<semaphore_mem>> -> memref<!tpu.dma_semaphore, #tpu.memory_space<semaphore_mem>>
    tpu.enqueue_indirect_dma source(%dma_start3A_612 : memref<10240x64xf32, #tpu.memory_space<hbm>>) target(%dma_start3A_602 : memref<128x64xf32, #tpu.memory_space<vmem>>) offsets(%dma_start3A_605 : memref<128xi32, #tpu.memory_space<vmem>>) semaphore(%dma_start3A_614 : memref<!tpu.dma_semaphore, #tpu.memory_space<semaphore_mem>>)
    %scan3A = arith.constant 0 : i32
    %scan3A_615 = arith.constant 0 : i32
    %scan3A_616 = arith.constant 32 : i32
    %scan3A_617 = arith.addi %scan3A_615, %scan3A_616 : i32
    %scan3A_618 = arith.constant 1 : i32
    scf.for %scan3A_1101 = %scan3A_615 to %scan3A_617 step %scan3A_618  : i32 {
      %mul3A_1102 = arith.constant 5 : i32
      %mul3A_1103 = arith.muli %scan3A_1101, %mul3A_1102 : i32
      %add3A_1104 = arith.constant 0 : i32
      %add3A_1105 = arith.addi %mul3A_1103, %add3A_1104 : i32
      %dma_wait3A_1106 = arith.constant 0 : i32
      %dma_wait3A_1107 = arith.constant 0 : i32
      %dma_wait3A_1108 = arith.constant 0 : i32
      %dma_wait3A_1109 = arith.constant 0 : i32
      %dma_wait3A_1110 = tpu.memref_slice %arg8[%dma_wait3A_1106, %dma_wait3A_1108, %dma_wait3A_1109] : memref<5x128x64xf32, #tpu.memory_space<vmem>> -> memref<1x128x64xf32, #tpu.memory_space<vmem>>
      %dma_wait3A_1111 = tpu.memref_squeeze %dma_wait3A_1110 : memref<1x128x64xf32, #tpu.memory_space<vmem>> -> memref<128x64xf32, #tpu.memory_space<vmem>>
      %dma_wait3A_1112 = arith.constant 0 : i32
      %dma_wait3A_1113 = tpu.memref_slice %arg6[%add3A_1105, %dma_wait3A_1112] : memref<160x128xi32, #tpu.memory_space<vmem>> -> memref<1x128xi32, #tpu.memory_space<vmem>>
      %dma_wait3A_1114 = tpu.memref_squeeze %dma_wait3A_1113 : memref<1x128xi32, #tpu.memory_space<vmem>> -> memref<128xi32, #tpu.memory_space<vmem>>
      %dma_wait3A_1115 = arith.constant 0 : i32
      %dma_wait3A_1116 = arith.constant 0 : i32
      %dma_wait3A_1117 = tpu.memref_slice %arg2[%arg0, %dma_wait3A_1115, %dma_wait3A_1116] : memref<2x10240x64xf32, #tpu.memory_space<hbm>> -> memref<1x10240x64xf32, #tpu.memory_space<hbm>>
      %dma_wait3A_1118 = tpu.memref_squeeze %dma_wait3A_1117 : memref<1x10240x64xf32, #tpu.memory_space<hbm>> -> memref<10240x64xf32, #tpu.memory_space<hbm>>
      %dma_wait3A_1119 = arith.constant 0 : i32
      %dma_wait3A_1120 = arith.constant 0 : i32
      %dma_wait3A_1121 = tpu.memref_slice %dma_wait3A_1118[%dma_wait3A_1119, %dma_wait3A_1120] : memref<10240x64xf32, #tpu.memory_space<hbm>> -> memref<10240x64xf32, #tpu.memory_space<hbm>>
      %dma_wait3A_1122 = tpu.memref_slice %arg10[%dma_wait3A_1107] : memref<5x!tpu.dma_semaphore, #tpu.memory_space<semaphore_mem>> -> memref<1x!tpu.dma_semaphore, #tpu.memory_space<semaphore_mem>>
      %dma_wait3A_1123 = tpu.memref_squeeze %dma_wait3A_1122 : memref<1x!tpu.dma_semaphore, #tpu.memory_space<semaphore_mem>> -> memref<!tpu.dma_semaphore, #tpu.memory_space<semaphore_mem>>
      tpu.wait_indirect_dma semaphore(%dma_wait3A_1123 : memref<!tpu.dma_semaphore, #tpu.memory_space<semaphore_mem>>) src(%dma_wait3A_1121 : memref<10240x64xf32, #tpu.memory_space<hbm>>) dst(%dma_wait3A_1111 : memref<128x64xf32, #tpu.memory_space<vmem>>)
      %dma_start3A_1124 = arith.constant 0 : i32
      %dma_start3A_1125 = arith.constant 0 : i32
      %dma_start3A_1126 = arith.constant 0 : i32
      %dma_start3A_1127 = arith.constant 0 : i32
      %dma_start3A_1128 = tpu.memref_slice %arg8[%dma_start3A_1124, %dma_start3A_1126, %dma_start3A_1127] : memref<5x128x64xf32, #tpu.memory_space<vmem>> -> memref<1x128x64xf32, #tpu.memory_space<vmem>>
      %dma_start3A_1129 = tpu.memref_squeeze %dma_start3A_1128 : memref<1x128x64xf32, #tpu.memory_space<vmem>> -> memref<128x64xf32, #tpu.memory_space<vmem>>
      %dma_start3A_1130 = arith.constant 0 : i32
      %dma_start3A_1131 = tpu.memref_slice %arg7[%add3A_1105, %dma_start3A_1130] : memref<160x128xi32, #tpu.memory_space<vmem>> -> memref<1x128xi32, #tpu.memory_space<vmem>>
      %dma_start3A_1132 = tpu.memref_squeeze %dma_start3A_1131 : memref<1x128xi32, #tpu.memory_space<vmem>> -> memref<128xi32, #tpu.memory_space<vmem>>
      %dma_start3A_1133 = arith.constant 0 : i32
      %dma_start3A_1134 = arith.constant 0 : i32
      %dma_start3A_1135 = tpu.memref_slice %arg9[%dma_start3A_1133, %dma_start3A_1134] : memref<10240x64xf32, #tpu.memory_space<vmem_shared>> -> memref<10240x64xf32, #tpu.memory_space<vmem_shared>>
      %dma_start3A_1136 = tpu.memref_slice %arg11[%dma_start3A_1125] : memref<5x!tpu.dma_semaphore, #tpu.memory_space<semaphore_mem>> -> memref<1x!tpu.dma_semaphore, #tpu.memory_space<semaphore_mem>>
      %dma_start3A_1137 = tpu.memref_squeeze %dma_start3A_1136 : memref<1x!tpu.dma_semaphore, #tpu.memory_space<semaphore_mem>> -> memref<!tpu.dma_semaphore, #tpu.memory_space<semaphore_mem>>
      tpu.enqueue_indirect_dma source(%dma_start3A_1129 : memref<128x64xf32, #tpu.memory_space<vmem>>) target(%dma_start3A_1135 : memref<10240x64xf32, #tpu.memory_space<vmem_shared>>) offsets(%dma_start3A_1132 : memref<128xi32, #tpu.memory_space<vmem>>) semaphore(%dma_start3A_1137 : memref<!tpu.dma_semaphore, #tpu.memory_space<semaphore_mem>>) {add = true}
      %add3A_1138 = arith.constant 1 : i32
      %add3A_1139 = arith.addi %mul3A_1103, %add3A_1138 : i32
      %dma_wait3A_1140 = arith.constant 1 : i32
      %dma_wait3A_1141 = arith.constant 1 : i32
      %dma_wait3A_1142 = arith.constant 0 : i32
      %dma_wait3A_1143 = arith.constant 0 : i32
      %dma_wait3A_1144 = tpu.memref_slice %arg8[%dma_wait3A_1140, %dma_wait3A_1142, %dma_wait3A_1143] : memref<5x128x64xf32, #tpu.memory_space<vmem>> -> memref<1x128x64xf32, #tpu.memory_space<vmem>>
      %dma_wait3A_1145 = tpu.memref_squeeze %dma_wait3A_1144 : memref<1x128x64xf32, #tpu.memory_space<vmem>> -> memref<128x64xf32, #tpu.memory_space<vmem>>
      %dma_wait3A_1146 = arith.constant 0 : i32
      %dma_wait3A_1147 = tpu.memref_slice %arg6[%add3A_1139, %dma_wait3A_1146] : memref<160x128xi32, #tpu.memory_space<vmem>> -> memref<1x128xi32, #tpu.memory_space<vmem>>
      %dma_wait3A_1148 = tpu.memref_squeeze %dma_wait3A_1147 : memref<1x128xi32, #tpu.memory_space<vmem>> -> memref<128xi32, #tpu.memory_space<vmem>>
      %dma_wait3A_1149 = arith.constant 0 : i32
      %dma_wait3A_1150 = arith.constant 0 : i32
      %dma_wait3A_1151 = tpu.memref_slice %arg2[%arg0, %dma_wait3A_1149, %dma_wait3A_1150] : memref<2x10240x64xf32, #tpu.memory_space<hbm>> -> memref<1x10240x64xf32, #tpu.memory_space<hbm>>
      %dma_wait3A_1152 = tpu.memref_squeeze %dma_wait3A_1151 : memref<1x10240x64xf32, #tpu.memory_space<hbm>> -> memref<10240x64xf32, #tpu.memory_space<hbm>>
      %dma_wait3A_1153 = arith.constant 0 : i32
      %dma_wait3A_1154 = arith.constant 0 : i32
      %dma_wait3A_1155 = tpu.memref_slice %dma_wait3A_1152[%dma_wait3A_1153, %dma_wait3A_1154] : memref<10240x64xf32, #tpu.memory_space<hbm>> -> memref<10240x64xf32, #tpu.memory_space<hbm>>
      %dma_wait3A_1156 = tpu.memref_slice %arg10[%dma_wait3A_1141] : memref<5x!tpu.dma_semaphore, #tpu.memory_space<semaphore_mem>> -> memref<1x!tpu.dma_semaphore, #tpu.memory_space<semaphore_mem>>
      %dma_wait3A_1157 = tpu.memref_squeeze %dma_wait3A_1156 : memref<1x!tpu.dma_semaphore, #tpu.memory_space<semaphore_mem>> -> memref<!tpu.dma_semaphore, #tpu.memory_space<semaphore_mem>>
      tpu.wait_indirect_dma semaphore(%dma_wait3A_1157 : memref<!tpu.dma_semaphore, #tpu.memory_space<semaphore_mem>>) src(%dma_wait3A_1155 : memref<10240x64xf32, #tpu.memory_space<hbm>>) dst(%dma_wait3A_1145 : memref<128x64xf32, #tpu.memory_space<vmem>>)
      %dma_start3A_1158 = arith.constant 1 : i32
      %dma_start3A_1159 = arith.constant 1 : i32
      %dma_start3A_1160 = arith.constant 0 : i32
      %dma_start3A_1161 = arith.constant 0 : i32
      %dma_start3A_1162 = tpu.memref_slice %arg8[%dma_start3A_1158, %dma_start3A_1160, %dma_start3A_1161] : memref<5x128x64xf32, #tpu.memory_space<vmem>> -> memref<1x128x64xf32, #tpu.memory_space<vmem>>
      %dma_start3A_1163 = tpu.memref_squeeze %dma_start3A_1162 : memref<1x128x64xf32, #tpu.memory_space<vmem>> -> memref<128x64xf32, #tpu.memory_space<vmem>>
      %dma_start3A_1164 = arith.constant 0 : i32
      %dma_start3A_1165 = tpu.memref_slice %arg7[%add3A_1139, %dma_start3A_1164] : memref<160x128xi32, #tpu.memory_space<vmem>> -> memref<1x128xi32, #tpu.memory_space<vmem>>
      %dma_start3A_1166 = tpu.memref_squeeze %dma_start3A_1165 : memref<1x128xi32, #tpu.memory_space<vmem>> -> memref<128xi32, #tpu.memory_space<vmem>>
      %dma_start3A_1167 = arith.constant 0 : i32
      %dma_start3A_1168 = arith.constant 0 : i32
      %dma_start3A_1169 = tpu.memref_slice %arg9[%dma_start3A_1167, %dma_start3A_1168] : memref<10240x64xf32, #tpu.memory_space<vmem_shared>> -> memref<10240x64xf32, #tpu.memory_space<vmem_shared>>
      %dma_start3A_1170 = tpu.memref_slice %arg11[%dma_start3A_1159] : memref<5x!tpu.dma_semaphore, #tpu.memory_space<semaphore_mem>> -> memref<1x!tpu.dma_semaphore, #tpu.memory_space<semaphore_mem>>
      %dma_start3A_1171 = tpu.memref_squeeze %dma_start3A_1170 : memref<1x!tpu.dma_semaphore, #tpu.memory_space<semaphore_mem>> -> memref<!tpu.dma_semaphore, #tpu.memory_space<semaphore_mem>>
      tpu.enqueue_indirect_dma source(%dma_start3A_1163 : memref<128x64xf32, #tpu.memory_space<vmem>>) target(%dma_start3A_1169 : memref<10240x64xf32, #tpu.memory_space<vmem_shared>>) offsets(%dma_start3A_1166 : memref<128xi32, #tpu.memory_space<vmem>>) semaphore(%dma_start3A_1171 : memref<!tpu.dma_semaphore, #tpu.memory_space<semaphore_mem>>) {add = true}
      %add3A_1172 = arith.constant 2 : i32
      %add3A_1173 = arith.addi %mul3A_1103, %add3A_1172 : i32
      %dma_wait3A_1174 = arith.constant 2 : i32
      %dma_wait3A_1175 = arith.constant 2 : i32
      %dma_wait3A_1176 = arith.constant 0 : i32
      %dma_wait3A_1177 = arith.constant 0 : i32
      %dma_wait3A_1178 = tpu.memref_slice %arg8[%dma_wait3A_1174, %dma_wait3A_1176, %dma_wait3A_1177] : memref<5x128x64xf32, #tpu.memory_space<vmem>> -> memref<1x128x64xf32, #tpu.memory_space<vmem>>
      %dma_wait3A_1179 = tpu.memref_squeeze %dma_wait3A_1178 : memref<1x128x64xf32, #tpu.memory_space<vmem>> -> memref<128x64xf32, #tpu.memory_space<vmem>>
      %dma_wait3A_1180 = arith.constant 0 : i32
      %dma_wait3A_1181 = tpu.memref_slice %arg6[%add3A_1173, %dma_wait3A_1180] : memref<160x128xi32, #tpu.memory_space<vmem>> -> memref<1x128xi32, #tpu.memory_space<vmem>>
      %dma_wait3A_1182 = tpu.memref_squeeze %dma_wait3A_1181 : memref<1x128xi32, #tpu.memory_space<vmem>> -> memref<128xi32, #tpu.memory_space<vmem>>
      %dma_wait3A_1183 = arith.constant 0 : i32
      %dma_wait3A_1184 = arith.constant 0 : i32
      %dma_wait3A_1185 = tpu.memref_slice %arg2[%arg0, %dma_wait3A_1183, %dma_wait3A_1184] : memref<2x10240x64xf32, #tpu.memory_space<hbm>> -> memref<1x10240x64xf32, #tpu.memory_space<hbm>>
      %dma_wait3A_1186 = tpu.memref_squeeze %dma_wait3A_1185 : memref<1x10240x64xf32, #tpu.memory_space<hbm>> -> memref<10240x64xf32, #tpu.memory_space<hbm>>
      %dma_wait3A_1187 = arith.constant 0 : i32
      %dma_wait3A_1188 = arith.constant 0 : i32
      %dma_wait3A_1189 = tpu.memref_slice %dma_wait3A_1186[%dma_wait3A_1187, %dma_wait3A_1188] : memref<10240x64xf32, #tpu.memory_space<hbm>> -> memref<10240x64xf32, #tpu.memory_space<hbm>>
      %dma_wait3A_1190 = tpu.memref_slice %arg10[%dma_wait3A_1175] : memref<5x!tpu.dma_semaphore, #tpu.memory_space<semaphore_mem>> -> memref<1x!tpu.dma_semaphore, #tpu.memory_space<semaphore_mem>>
      %dma_wait3A_1191 = tpu.memref_squeeze %dma_wait3A_1190 : memref<1x!tpu.dma_semaphore, #tpu.memory_space<semaphore_mem>> -> memref<!tpu.dma_semaphore, #tpu.memory_space<semaphore_mem>>
      tpu.wait_indirect_dma semaphore(%dma_wait3A_1191 : memref<!tpu.dma_semaphore, #tpu.memory_space<semaphore_mem>>) src(%dma_wait3A_1189 : memref<10240x64xf32, #tpu.memory_space<hbm>>) dst(%dma_wait3A_1179 : memref<128x64xf32, #tpu.memory_space<vmem>>)
      %dma_start3A_1192 = arith.constant 2 : i32
      %dma_start3A_1193 = arith.constant 2 : i32
      %dma_start3A_1194 = arith.constant 0 : i32
      %dma_start3A_1195 = arith.constant 0 : i32
      %dma_start3A_1196 = tpu.memref_slice %arg8[%dma_start3A_1192, %dma_start3A_1194, %dma_start3A_1195] : memref<5x128x64xf32, #tpu.memory_space<vmem>> -> memref<1x128x64xf32, #tpu.memory_space<vmem>>
      %dma_start3A_1197 = tpu.memref_squeeze %dma_start3A_1196 : memref<1x128x64xf32, #tpu.memory_space<vmem>> -> memref<128x64xf32, #tpu.memory_space<vmem>>
      %dma_start3A_1198 = arith.constant 0 : i32
      %dma_start3A_1199 = tpu.memref_slice %arg7[%add3A_1173, %dma_start3A_1198] : memref<160x128xi32, #tpu.memory_space<vmem>> -> memref<1x128xi32, #tpu.memory_space<vmem>>
      %dma_start3A_1200 = tpu.memref_squeeze %dma_start3A_1199 : memref<1x128xi32, #tpu.memory_space<vmem>> -> memref<128xi32, #tpu.memory_space<vmem>>
      %dma_start3A_1201 = arith.constant 0 : i32
      %dma_start3A_1202 = arith.constant 0 : i32
      %dma_start3A_1203 = tpu.memref_slice %arg9[%dma_start3A_1201, %dma_start3A_1202] : memref<10240x64xf32, #tpu.memory_space<vmem_shared>> -> memref<10240x64xf32, #tpu.memory_space<vmem_shared>>
      %dma_start3A_1204 = tpu.memref_slice %arg11[%dma_start3A_1193] : memref<5x!tpu.dma_semaphore, #tpu.memory_space<semaphore_mem>> -> memref<1x!tpu.dma_semaphore, #tpu.memory_space<semaphore_mem>>
      %dma_start3A_1205 = tpu.memref_squeeze %dma_start3A_1204 : memref<1x!tpu.dma_semaphore, #tpu.memory_space<semaphore_mem>> -> memref<!tpu.dma_semaphore, #tpu.memory_space<semaphore_mem>>
      tpu.enqueue_indirect_dma source(%dma_start3A_1197 : memref<128x64xf32, #tpu.memory_space<vmem>>) target(%dma_start3A_1203 : memref<10240x64xf32, #tpu.memory_space<vmem_shared>>) offsets(%dma_start3A_1200 : memref<128xi32, #tpu.memory_space<vmem>>) semaphore(%dma_start3A_1205 : memref<!tpu.dma_semaphore, #tpu.memory_space<semaphore_mem>>) {add = true}
      %add3A_1206 = arith.constant 3 : i32
      %add3A_1207 = arith.addi %mul3A_1103, %add3A_1206 : i32
      %dma_wait3A_1208 = arith.constant 3 : i32
      %dma_wait3A_1209 = arith.constant 3 : i32
      %dma_wait3A_1210 = arith.constant 0 : i32
      %dma_wait3A_1211 = arith.constant 0 : i32
      %dma_wait3A_1212 = tpu.memref_slice %arg8[%dma_wait3A_1208, %dma_wait3A_1210, %dma_wait3A_1211] : memref<5x128x64xf32, #tpu.memory_space<vmem>> -> memref<1x128x64xf32, #tpu.memory_space<vmem>>
      %dma_wait3A_1213 = tpu.memref_squeeze %dma_wait3A_1212 : memref<1x128x64xf32, #tpu.memory_space<vmem>> -> memref<128x64xf32, #tpu.memory_space<vmem>>
      %dma_wait3A_1214 = arith.constant 0 : i32
      %dma_wait3A_1215 = tpu.memref_slice %arg6[%add3A_1207, %dma_wait3A_1214] : memref<160x128xi32, #tpu.memory_space<vmem>> -> memref<1x128xi32, #tpu.memory_space<vmem>>
      %dma_wait3A_1216 = tpu.memref_squeeze %dma_wait3A_1215 : memref<1x128xi32, #tpu.memory_space<vmem>> -> memref<128xi32, #tpu.memory_space<vmem>>
      %dma_wait3A_1217 = arith.constant 0 : i32
      %dma_wait3A_1218 = arith.constant 0 : i32
      %dma_wait3A_1219 = tpu.memref_slice %arg2[%arg0, %dma_wait3A_1217, %dma_wait3A_1218] : memref<2x10240x64xf32, #tpu.memory_space<hbm>> -> memref<1x10240x64xf32, #tpu.memory_space<hbm>>
      %dma_wait3A_1220 = tpu.memref_squeeze %dma_wait3A_1219 : memref<1x10240x64xf32, #tpu.memory_space<hbm>> -> memref<10240x64xf32, #tpu.memory_space<hbm>>
      %dma_wait3A_1221 = arith.constant 0 : i32
      %dma_wait3A_1222 = arith.constant 0 : i32
      %dma_wait3A_1223 = tpu.memref_slice %dma_wait3A_1220[%dma_wait3A_1221, %dma_wait3A_1222] : memref<10240x64xf32, #tpu.memory_space<hbm>> -> memref<10240x64xf32, #tpu.memory_space<hbm>>
      %dma_wait3A_1224 = tpu.memref_slice %arg10[%dma_wait3A_1209] : memref<5x!tpu.dma_semaphore, #tpu.memory_space<semaphore_mem>> -> memref<1x!tpu.dma_semaphore, #tpu.memory_space<semaphore_mem>>
      %dma_wait3A_1225 = tpu.memref_squeeze %dma_wait3A_1224 : memref<1x!tpu.dma_semaphore, #tpu.memory_space<semaphore_mem>> -> memref<!tpu.dma_semaphore, #tpu.memory_space<semaphore_mem>>
      tpu.wait_indirect_dma semaphore(%dma_wait3A_1225 : memref<!tpu.dma_semaphore, #tpu.memory_space<semaphore_mem>>) src(%dma_wait3A_1223 : memref<10240x64xf32, #tpu.memory_space<hbm>>) dst(%dma_wait3A_1213 : memref<128x64xf32, #tpu.memory_space<vmem>>)
      %dma_start3A_1226 = arith.constant 3 : i32
      %dma_start3A_1227 = arith.constant 3 : i32
      %dma_start3A_1228 = arith.constant 0 : i32
      %dma_start3A_1229 = arith.constant 0 : i32
      %dma_start3A_1230 = tpu.memref_slice %arg8[%dma_start3A_1226, %dma_start3A_1228, %dma_start3A_1229] : memref<5x128x64xf32, #tpu.memory_space<vmem>> -> memref<1x128x64xf32, #tpu.memory_space<vmem>>
      %dma_start3A_1231 = tpu.memref_squeeze %dma_start3A_1230 : memref<1x128x64xf32, #tpu.memory_space<vmem>> -> memref<128x64xf32, #tpu.memory_space<vmem>>
      %dma_start3A_1232 = arith.constant 0 : i32
      %dma_start3A_1233 = tpu.memref_slice %arg7[%add3A_1207, %dma_start3A_1232] : memref<160x128xi32, #tpu.memory_space<vmem>> -> memref<1x128xi32, #tpu.memory_space<vmem>>
      %dma_start3A_1234 = tpu.memref_squeeze %dma_start3A_1233 : memref<1x128xi32, #tpu.memory_space<vmem>> -> memref<128xi32, #tpu.memory_space<vmem>>
      %dma_start3A_1235 = arith.constant 0 : i32
      %dma_start3A_1236 = arith.constant 0 : i32
      %dma_start3A_1237 = tpu.memref_slice %arg9[%dma_start3A_1235, %dma_start3A_1236] : memref<10240x64xf32, #tpu.memory_space<vmem_shared>> -> memref<10240x64xf32, #tpu.memory_space<vmem_shared>>
      %dma_start3A_1238 = tpu.memref_slice %arg11[%dma_start3A_1227] : memref<5x!tpu.dma_semaphore, #tpu.memory_space<semaphore_mem>> -> memref<1x!tpu.dma_semaphore, #tpu.memory_space<semaphore_mem>>
      %dma_start3A_1239 = tpu.memref_squeeze %dma_start3A_1238 : memref<1x!tpu.dma_semaphore, #tpu.memory_space<semaphore_mem>> -> memref<!tpu.dma_semaphore, #tpu.memory_space<semaphore_mem>>
      tpu.enqueue_indirect_dma source(%dma_start3A_1231 : memref<128x64xf32, #tpu.memory_space<vmem>>) target(%dma_start3A_1237 : memref<10240x64xf32, #tpu.memory_space<vmem_shared>>) offsets(%dma_start3A_1234 : memref<128xi32, #tpu.memory_space<vmem>>) semaphore(%dma_start3A_1239 : memref<!tpu.dma_semaphore, #tpu.memory_space<semaphore_mem>>) {add = true}
      %add3A_1240 = arith.constant 4 : i32
      %add3A_1241 = arith.addi %mul3A_1103, %add3A_1240 : i32
      %dma_wait3A_1242 = arith.constant 4 : i32
      %dma_wait3A_1243 = arith.constant 4 : i32
      %dma_wait3A_1244 = arith.constant 0 : i32
      %dma_wait3A_1245 = arith.constant 0 : i32
      %dma_wait3A_1246 = tpu.memref_slice %arg8[%dma_wait3A_1242, %dma_wait3A_1244, %dma_wait3A_1245] : memref<5x128x64xf32, #tpu.memory_space<vmem>> -> memref<1x128x64xf32, #tpu.memory_space<vmem>>
      %dma_wait3A_1247 = tpu.memref_squeeze %dma_wait3A_1246 : memref<1x128x64xf32, #tpu.memory_space<vmem>> -> memref<128x64xf32, #tpu.memory_space<vmem>>
      %dma_wait3A_1248 = arith.constant 0 : i32
      %dma_wait3A_1249 = tpu.memref_slice %arg6[%add3A_1241, %dma_wait3A_1248] : memref<160x128xi32, #tpu.memory_space<vmem>> -> memref<1x128xi32, #tpu.memory_space<vmem>>
      %dma_wait3A_1250 = tpu.memref_squeeze %dma_wait3A_1249 : memref<1x128xi32, #tpu.memory_space<vmem>> -> memref<128xi32, #tpu.memory_space<vmem>>
      %dma_wait3A_1251 = arith.constant 0 : i32
      %dma_wait3A_1252 = arith.constant 0 : i32
      %dma_wait3A_1253 = tpu.memref_slice %arg2[%arg0, %dma_wait3A_1251, %dma_wait3A_1252] : memref<2x10240x64xf32, #tpu.memory_space<hbm>> -> memref<1x10240x64xf32, #tpu.memory_space<hbm>>
      %dma_wait3A_1254 = tpu.memref_squeeze %dma_wait3A_1253 : memref<1x10240x64xf32, #tpu.memory_space<hbm>> -> memref<10240x64xf32, #tpu.memory_space<hbm>>
      %dma_wait3A_1255 = arith.constant 0 : i32
      %dma_wait3A_1256 = arith.constant 0 : i32
      %dma_wait3A_1257 = tpu.memref_slice %dma_wait3A_1254[%dma_wait3A_1255, %dma_wait3A_1256] : memref<10240x64xf32, #tpu.memory_space<hbm>> -> memref<10240x64xf32, #tpu.memory_space<hbm>>
      %dma_wait3A_1258 = tpu.memref_slice %arg10[%dma_wait3A_1243] : memref<5x!tpu.dma_semaphore, #tpu.memory_space<semaphore_mem>> -> memref<1x!tpu.dma_semaphore, #tpu.memory_space<semaphore_mem>>
      %dma_wait3A_1259 = tpu.memref_squeeze %dma_wait3A_1258 : memref<1x!tpu.dma_semaphore, #tpu.memory_space<semaphore_mem>> -> memref<!tpu.dma_semaphore, #tpu.memory_space<semaphore_mem>>
      tpu.wait_indirect_dma semaphore(%dma_wait3A_1259 : memref<!tpu.dma_semaphore, #tpu.memory_space<semaphore_mem>>) src(%dma_wait3A_1257 : memref<10240x64xf32, #tpu.memory_space<hbm>>) dst(%dma_wait3A_1247 : memref<128x64xf32, #tpu.memory_space<vmem>>)
      %dma_start3A_1260 = arith.constant 4 : i32
      %dma_start3A_1261 = arith.constant 4 : i32
      %dma_start3A_1262 = arith.constant 0 : i32
      %dma_start3A_1263 = arith.constant 0 : i32
      %dma_start3A_1264 = tpu.memref_slice %arg8[%dma_start3A_1260, %dma_start3A_1262, %dma_start3A_1263] : memref<5x128x64xf32, #tpu.memory_space<vmem>> -> memref<1x128x64xf32, #tpu.memory_space<vmem>>
      %dma_start3A_1265 = tpu.memref_squeeze %dma_start3A_1264 : memref<1x128x64xf32, #tpu.memory_space<vmem>> -> memref<128x64xf32, #tpu.memory_space<vmem>>
      %dma_start3A_1266 = arith.constant 0 : i32
      %dma_start3A_1267 = tpu.memref_slice %arg7[%add3A_1241, %dma_start3A_1266] : memref<160x128xi32, #tpu.memory_space<vmem>> -> memref<1x128xi32, #tpu.memory_space<vmem>>
      %dma_start3A_1268 = tpu.memref_squeeze %dma_start3A_1267 : memref<1x128xi32, #tpu.memory_space<vmem>> -> memref<128xi32, #tpu.memory_space<vmem>>
      %dma_start3A_1269 = arith.constant 0 : i32
      %dma_start3A_1270 = arith.constant 0 : i32
      %dma_start3A_1271 = tpu.memref_slice %arg9[%dma_start3A_1269, %dma_start3A_1270] : memref<10240x64xf32, #tpu.memory_space<vmem_shared>> -> memref<10240x64xf32, #tpu.memory_space<vmem_shared>>
      %dma_start3A_1272 = tpu.memref_slice %arg11[%dma_start3A_1261] : memref<5x!tpu.dma_semaphore, #tpu.memory_space<semaphore_mem>> -> memref<1x!tpu.dma_semaphore, #tpu.memory_space<semaphore_mem>>
      %dma_start3A_1273 = tpu.memref_squeeze %dma_start3A_1272 : memref<1x!tpu.dma_semaphore, #tpu.memory_space<semaphore_mem>> -> memref<!tpu.dma_semaphore, #tpu.memory_space<semaphore_mem>>
      tpu.enqueue_indirect_dma source(%dma_start3A_1265 : memref<128x64xf32, #tpu.memory_space<vmem>>) target(%dma_start3A_1271 : memref<10240x64xf32, #tpu.memory_space<vmem_shared>>) offsets(%dma_start3A_1268 : memref<128xi32, #tpu.memory_space<vmem>>) semaphore(%dma_start3A_1273 : memref<!tpu.dma_semaphore, #tpu.memory_space<semaphore_mem>>) {add = true}
      %add3A_1274 = arith.constant 0 : i32
      %add3A_1275 = arith.addi %mul3A_1103, %add3A_1274 : i32
      %dma_wait3A_1276 = arith.constant 0 : i32
      %dma_wait3A_1277 = arith.constant 0 : i32
      %dma_wait3A_1278 = arith.constant 0 : i32
      %dma_wait3A_1279 = arith.constant 0 : i32
      %dma_wait3A_1280 = tpu.memref_slice %arg8[%dma_wait3A_1276, %dma_wait3A_1278, %dma_wait3A_1279] : memref<5x128x64xf32, #tpu.memory_space<vmem>> -> memref<1x128x64xf32, #tpu.memory_space<vmem>>
      %dma_wait3A_1281 = tpu.memref_squeeze %dma_wait3A_1280 : memref<1x128x64xf32, #tpu.memory_space<vmem>> -> memref<128x64xf32, #tpu.memory_space<vmem>>
      %dma_wait3A_1282 = arith.constant 0 : i32
      %dma_wait3A_1283 = tpu.memref_slice %arg7[%add3A_1275, %dma_wait3A_1282] : memref<160x128xi32, #tpu.memory_space<vmem>> -> memref<1x128xi32, #tpu.memory_space<vmem>>
      %dma_wait3A_1284 = tpu.memref_squeeze %dma_wait3A_1283 : memref<1x128xi32, #tpu.memory_space<vmem>> -> memref<128xi32, #tpu.memory_space<vmem>>
      %dma_wait3A_1285 = arith.constant 0 : i32
      %dma_wait3A_1286 = arith.constant 0 : i32
      %dma_wait3A_1287 = tpu.memref_slice %arg9[%dma_wait3A_1285, %dma_wait3A_1286] : memref<10240x64xf32, #tpu.memory_space<vmem_shared>> -> memref<10240x64xf32, #tpu.memory_space<vmem_shared>>
      %dma_wait3A_1288 = tpu.memref_slice %arg11[%dma_wait3A_1277] : memref<5x!tpu.dma_semaphore, #tpu.memory_space<semaphore_mem>> -> memref<1x!tpu.dma_semaphore, #tpu.memory_space<semaphore_mem>>
      %dma_wait3A_1289 = tpu.memref_squeeze %dma_wait3A_1288 : memref<1x!tpu.dma_semaphore, #tpu.memory_space<semaphore_mem>> -> memref<!tpu.dma_semaphore, #tpu.memory_space<semaphore_mem>>
      tpu.wait_indirect_dma semaphore(%dma_wait3A_1289 : memref<!tpu.dma_semaphore, #tpu.memory_space<semaphore_mem>>) src(%dma_wait3A_1281 : memref<128x64xf32, #tpu.memory_space<vmem>>) dst(%dma_wait3A_1287 : memref<10240x64xf32, #tpu.memory_space<vmem_shared>>)
      %add3A_1290 = arith.constant 5 : i32
      %add3A_1291 = arith.addi %add3A_1275, %add3A_1290 : i32
      %lt3A = arith.constant 160 : i32
      %lt3A_1292 = arith.cmpi slt, %add3A_1291, %lt3A : i32
      %convert_element_type3A = arith.extui %lt3A_1292 : i1 to i32
      %cond3A = arith.constant 0 : i32
      %cond3A_1293 = arith.cmpi ne, %convert_element_type3A, %cond3A : i32
      scf.if %cond3A_1293 {
        %add3A_1386 = arith.constant 5 : i32
        %add3A_1387 = arith.addi %add3A_1275, %add3A_1386 : i32
        %dma_start3A_1388 = arith.constant 0 : i32
        %dma_start3A_1389 = arith.constant 0 : i32
        %dma_start3A_1390 = arith.constant 0 : i32
        %dma_start3A_1391 = arith.constant 0 : i32
        %dma_start3A_1392 = tpu.memref_slice %arg8[%dma_start3A_1388, %dma_start3A_1390, %dma_start3A_1391] : memref<5x128x64xf32, #tpu.memory_space<vmem>> -> memref<1x128x64xf32, #tpu.memory_space<vmem>>
        %dma_start3A_1393 = tpu.memref_squeeze %dma_start3A_1392 : memref<1x128x64xf32, #tpu.memory_space<vmem>> -> memref<128x64xf32, #tpu.memory_space<vmem>>
        %dma_start3A_1394 = arith.constant 0 : i32
        %dma_start3A_1395 = tpu.memref_slice %arg6[%add3A_1387, %dma_start3A_1394] : memref<160x128xi32, #tpu.memory_space<vmem>> -> memref<1x128xi32, #tpu.memory_space<vmem>>
        %dma_start3A_1396 = tpu.memref_squeeze %dma_start3A_1395 : memref<1x128xi32, #tpu.memory_space<vmem>> -> memref<128xi32, #tpu.memory_space<vmem>>
        %dma_start3A_1397 = arith.constant 0 : i32
        %dma_start3A_1398 = arith.constant 0 : i32
        %dma_start3A_1399 = tpu.memref_slice %arg2[%arg0, %dma_start3A_1397, %dma_start3A_1398] : memref<2x10240x64xf32, #tpu.memory_space<hbm>> -> memref<1x10240x64xf32, #tpu.memory_space<hbm>>
        %dma_start3A_1400 = tpu.memref_squeeze %dma_start3A_1399 : memref<1x10240x64xf32, #tpu.memory_space<hbm>> -> memref<10240x64xf32, #tpu.memory_space<hbm>>
        %dma_start3A_1401 = arith.constant 0 : i32
        %dma_start3A_1402 = arith.constant 0 : i32
        %dma_start3A_1403 = tpu.memref_slice %dma_start3A_1400[%dma_start3A_1401, %dma_start3A_1402] : memref<10240x64xf32, #tpu.memory_space<hbm>> -> memref<10240x64xf32, #tpu.memory_space<hbm>>
        %dma_start3A_1404 = tpu.memref_slice %arg10[%dma_start3A_1389] : memref<5x!tpu.dma_semaphore, #tpu.memory_space<semaphore_mem>> -> memref<1x!tpu.dma_semaphore, #tpu.memory_space<semaphore_mem>>
        %dma_start3A_1405 = tpu.memref_squeeze %dma_start3A_1404 : memref<1x!tpu.dma_semaphore, #tpu.memory_space<semaphore_mem>> -> memref<!tpu.dma_semaphore, #tpu.memory_space<semaphore_mem>>
        tpu.enqueue_indirect_dma source(%dma_start3A_1403 : memref<10240x64xf32, #tpu.memory_space<hbm>>) target(%dma_start3A_1393 : memref<128x64xf32, #tpu.memory_space<vmem>>) offsets(%dma_start3A_1396 : memref<128xi32, #tpu.memory_space<vmem>>) semaphore(%dma_start3A_1405 : memref<!tpu.dma_semaphore, #tpu.memory_space<semaphore_mem>>)
      } else {
      }
      %add3A_1294 = arith.constant 1 : i32
      %add3A_1295 = arith.addi %mul3A_1103, %add3A_1294 : i32
      %dma_wait3A_1296 = arith.constant 1 : i32
      %dma_wait3A_1297 = arith.constant 1 : i32
      %dma_wait3A_1298 = arith.constant 0 : i32
      %dma_wait3A_1299 = arith.constant 0 : i32
      %dma_wait3A_1300 = tpu.memref_slice %arg8[%dma_wait3A_1296, %dma_wait3A_1298, %dma_wait3A_1299] : memref<5x128x64xf32, #tpu.memory_space<vmem>> -> memref<1x128x64xf32, #tpu.memory_space<vmem>>
      %dma_wait3A_1301 = tpu.memref_squeeze %dma_wait3A_1300 : memref<1x128x64xf32, #tpu.memory_space<vmem>> -> memref<128x64xf32, #tpu.memory_space<vmem>>
      %dma_wait3A_1302 = arith.constant 0 : i32
      %dma_wait3A_1303 = tpu.memref_slice %arg7[%add3A_1295, %dma_wait3A_1302] : memref<160x128xi32, #tpu.memory_space<vmem>> -> memref<1x128xi32, #tpu.memory_space<vmem>>
      %dma_wait3A_1304 = tpu.memref_squeeze %dma_wait3A_1303 : memref<1x128xi32, #tpu.memory_space<vmem>> -> memref<128xi32, #tpu.memory_space<vmem>>
      %dma_wait3A_1305 = arith.constant 0 : i32
      %dma_wait3A_1306 = arith.constant 0 : i32
      %dma_wait3A_1307 = tpu.memref_slice %arg9[%dma_wait3A_1305, %dma_wait3A_1306] : memref<10240x64xf32, #tpu.memory_space<vmem_shared>> -> memref<10240x64xf32, #tpu.memory_space<vmem_shared>>
      %dma_wait3A_1308 = tpu.memref_slice %arg11[%dma_wait3A_1297] : memref<5x!tpu.dma_semaphore, #tpu.memory_space<semaphore_mem>> -> memref<1x!tpu.dma_semaphore, #tpu.memory_space<semaphore_mem>>
      %dma_wait3A_1309 = tpu.memref_squeeze %dma_wait3A_1308 : memref<1x!tpu.dma_semaphore, #tpu.memory_space<semaphore_mem>> -> memref<!tpu.dma_semaphore, #tpu.memory_space<semaphore_mem>>
      tpu.wait_indirect_dma semaphore(%dma_wait3A_1309 : memref<!tpu.dma_semaphore, #tpu.memory_space<semaphore_mem>>) src(%dma_wait3A_1301 : memref<128x64xf32, #tpu.memory_space<vmem>>) dst(%dma_wait3A_1307 : memref<10240x64xf32, #tpu.memory_space<vmem_shared>>)
      %add3A_1310 = arith.constant 5 : i32
      %add3A_1311 = arith.addi %add3A_1295, %add3A_1310 : i32
      %lt3A_1312 = arith.constant 160 : i32
      %lt3A_1313 = arith.cmpi slt, %add3A_1311, %lt3A_1312 : i32
      %convert_element_type3A_1314 = arith.extui %lt3A_1313 : i1 to i32
      %cond3A_1315 = arith.constant 0 : i32
      %cond3A_1316 = arith.cmpi ne, %convert_element_type3A_1314, %cond3A_1315 : i32
      scf.if %cond3A_1316 {
        %add3A_1386 = arith.constant 5 : i32
        %add3A_1387 = arith.addi %add3A_1295, %add3A_1386 : i32
        %dma_start3A_1388 = arith.constant 1 : i32
        %dma_start3A_1389 = arith.constant 1 : i32
        %dma_start3A_1390 = arith.constant 0 : i32
        %dma_start3A_1391 = arith.constant 0 : i32
        %dma_start3A_1392 = tpu.memref_slice %arg8[%dma_start3A_1388, %dma_start3A_1390, %dma_start3A_1391] : memref<5x128x64xf32, #tpu.memory_space<vmem>> -> memref<1x128x64xf32, #tpu.memory_space<vmem>>
        %dma_start3A_1393 = tpu.memref_squeeze %dma_start3A_1392 : memref<1x128x64xf32, #tpu.memory_space<vmem>> -> memref<128x64xf32, #tpu.memory_space<vmem>>
        %dma_start3A_1394 = arith.constant 0 : i32
        %dma_start3A_1395 = tpu.memref_slice %arg6[%add3A_1387, %dma_start3A_1394] : memref<160x128xi32, #tpu.memory_space<vmem>> -> memref<1x128xi32, #tpu.memory_space<vmem>>
        %dma_start3A_1396 = tpu.memref_squeeze %dma_start3A_1395 : memref<1x128xi32, #tpu.memory_space<vmem>> -> memref<128xi32, #tpu.memory_space<vmem>>
        %dma_start3A_1397 = arith.constant 0 : i32
        %dma_start3A_1398 = arith.constant 0 : i32
        %dma_start3A_1399 = tpu.memref_slice %arg2[%arg0, %dma_start3A_1397, %dma_start3A_1398] : memref<2x10240x64xf32, #tpu.memory_space<hbm>> -> memref<1x10240x64xf32, #tpu.memory_space<hbm>>
        %dma_start3A_1400 = tpu.memref_squeeze %dma_start3A_1399 : memref<1x10240x64xf32, #tpu.memory_space<hbm>> -> memref<10240x64xf32, #tpu.memory_space<hbm>>
        %dma_start3A_1401 = arith.constant 0 : i32
        %dma_start3A_1402 = arith.constant 0 : i32
        %dma_start3A_1403 = tpu.memref_slice %dma_start3A_1400[%dma_start3A_1401, %dma_start3A_1402] : memref<10240x64xf32, #tpu.memory_space<hbm>> -> memref<10240x64xf32, #tpu.memory_space<hbm>>
        %dma_start3A_1404 = tpu.memref_slice %arg10[%dma_start3A_1389] : memref<5x!tpu.dma_semaphore, #tpu.memory_space<semaphore_mem>> -> memref<1x!tpu.dma_semaphore, #tpu.memory_space<semaphore_mem>>
        %dma_start3A_1405 = tpu.memref_squeeze %dma_start3A_1404 : memref<1x!tpu.dma_semaphore, #tpu.memory_space<semaphore_mem>> -> memref<!tpu.dma_semaphore, #tpu.memory_space<semaphore_mem>>
        tpu.enqueue_indirect_dma source(%dma_start3A_1403 : memref<10240x64xf32, #tpu.memory_space<hbm>>) target(%dma_start3A_1393 : memref<128x64xf32, #tpu.memory_space<vmem>>) offsets(%dma_start3A_1396 : memref<128xi32, #tpu.memory_space<vmem>>) semaphore(%dma_start3A_1405 : memref<!tpu.dma_semaphore, #tpu.memory_space<semaphore_mem>>)
      } else {
      }
      %add3A_1317 = arith.constant 2 : i32
      %add3A_1318 = arith.addi %mul3A_1103, %add3A_1317 : i32
      %dma_wait3A_1319 = arith.constant 2 : i32
      %dma_wait3A_1320 = arith.constant 2 : i32
      %dma_wait3A_1321 = arith.constant 0 : i32
      %dma_wait3A_1322 = arith.constant 0 : i32
      %dma_wait3A_1323 = tpu.memref_slice %arg8[%dma_wait3A_1319, %dma_wait3A_1321, %dma_wait3A_1322] : memref<5x128x64xf32, #tpu.memory_space<vmem>> -> memref<1x128x64xf32, #tpu.memory_space<vmem>>
      %dma_wait3A_1324 = tpu.memref_squeeze %dma_wait3A_1323 : memref<1x128x64xf32, #tpu.memory_space<vmem>> -> memref<128x64xf32, #tpu.memory_space<vmem>>
      %dma_wait3A_1325 = arith.constant 0 : i32
      %dma_wait3A_1326 = tpu.memref_slice %arg7[%add3A_1318, %dma_wait3A_1325] : memref<160x128xi32, #tpu.memory_space<vmem>> -> memref<1x128xi32, #tpu.memory_space<vmem>>
      %dma_wait3A_1327 = tpu.memref_squeeze %dma_wait3A_1326 : memref<1x128xi32, #tpu.memory_space<vmem>> -> memref<128xi32, #tpu.memory_space<vmem>>
      %dma_wait3A_1328 = arith.constant 0 : i32
      %dma_wait3A_1329 = arith.constant 0 : i32
      %dma_wait3A_1330 = tpu.memref_slice %arg9[%dma_wait3A_1328, %dma_wait3A_1329] : memref<10240x64xf32, #tpu.memory_space<vmem_shared>> -> memref<10240x64xf32, #tpu.memory_space<vmem_shared>>
      %dma_wait3A_1331 = tpu.memref_slice %arg11[%dma_wait3A_1320] : memref<5x!tpu.dma_semaphore, #tpu.memory_space<semaphore_mem>> -> memref<1x!tpu.dma_semaphore, #tpu.memory_space<semaphore_mem>>
      %dma_wait3A_1332 = tpu.memref_squeeze %dma_wait3A_1331 : memref<1x!tpu.dma_semaphore, #tpu.memory_space<semaphore_mem>> -> memref<!tpu.dma_semaphore, #tpu.memory_space<semaphore_mem>>
      tpu.wait_indirect_dma semaphore(%dma_wait3A_1332 : memref<!tpu.dma_semaphore, #tpu.memory_space<semaphore_mem>>) src(%dma_wait3A_1324 : memref<128x64xf32, #tpu.memory_space<vmem>>) dst(%dma_wait3A_1330 : memref<10240x64xf32, #tpu.memory_space<vmem_shared>>)
      %add3A_1333 = arith.constant 5 : i32
      %add3A_1334 = arith.addi %add3A_1318, %add3A_1333 : i32
      %lt3A_1335 = arith.constant 160 : i32
      %lt3A_1336 = arith.cmpi slt, %add3A_1334, %lt3A_1335 : i32
      %convert_element_type3A_1337 = arith.extui %lt3A_1336 : i1 to i32
      %cond3A_1338 = arith.constant 0 : i32
      %cond3A_1339 = arith.cmpi ne, %convert_element_type3A_1337, %cond3A_1338 : i32
      scf.if %cond3A_1339 {
        %add3A_1386 = arith.constant 5 : i32
        %add3A_1387 = arith.addi %add3A_1318, %add3A_1386 : i32
        %dma_start3A_1388 = arith.constant 2 : i32
        %dma_start3A_1389 = arith.constant 2 : i32
        %dma_start3A_1390 = arith.constant 0 : i32
        %dma_start3A_1391 = arith.constant 0 : i32
        %dma_start3A_1392 = tpu.memref_slice %arg8[%dma_start3A_1388, %dma_start3A_1390, %dma_start3A_1391] : memref<5x128x64xf32, #tpu.memory_space<vmem>> -> memref<1x128x64xf32, #tpu.memory_space<vmem>>
        %dma_start3A_1393 = tpu.memref_squeeze %dma_start3A_1392 : memref<1x128x64xf32, #tpu.memory_space<vmem>> -> memref<128x64xf32, #tpu.memory_space<vmem>>
        %dma_start3A_1394 = arith.constant 0 : i32
        %dma_start3A_1395 = tpu.memref_slice %arg6[%add3A_1387, %dma_start3A_1394] : memref<160x128xi32, #tpu.memory_space<vmem>> -> memref<1x128xi32, #tpu.memory_space<vmem>>
        %dma_start3A_1396 = tpu.memref_squeeze %dma_start3A_1395 : memref<1x128xi32, #tpu.memory_space<vmem>> -> memref<128xi32, #tpu.memory_space<vmem>>
        %dma_start3A_1397 = arith.constant 0 : i32
        %dma_start3A_1398 = arith.constant 0 : i32
        %dma_start3A_1399 = tpu.memref_slice %arg2[%arg0, %dma_start3A_1397, %dma_start3A_1398] : memref<2x10240x64xf32, #tpu.memory_space<hbm>> -> memref<1x10240x64xf32, #tpu.memory_space<hbm>>
        %dma_start3A_1400 = tpu.memref_squeeze %dma_start3A_1399 : memref<1x10240x64xf32, #tpu.memory_space<hbm>> -> memref<10240x64xf32, #tpu.memory_space<hbm>>
        %dma_start3A_1401 = arith.constant 0 : i32
        %dma_start3A_1402 = arith.constant 0 : i32
        %dma_start3A_1403 = tpu.memref_slice %dma_start3A_1400[%dma_start3A_1401, %dma_start3A_1402] : memref<10240x64xf32, #tpu.memory_space<hbm>> -> memref<10240x64xf32, #tpu.memory_space<hbm>>
        %dma_start3A_1404 = tpu.memref_slice %arg10[%dma_start3A_1389] : memref<5x!tpu.dma_semaphore, #tpu.memory_space<semaphore_mem>> -> memref<1x!tpu.dma_semaphore, #tpu.memory_space<semaphore_mem>>
        %dma_start3A_1405 = tpu.memref_squeeze %dma_start3A_1404 : memref<1x!tpu.dma_semaphore, #tpu.memory_space<semaphore_mem>> -> memref<!tpu.dma_semaphore, #tpu.memory_space<semaphore_mem>>
        tpu.enqueue_indirect_dma source(%dma_start3A_1403 : memref<10240x64xf32, #tpu.memory_space<hbm>>) target(%dma_start3A_1393 : memref<128x64xf32, #tpu.memory_space<vmem>>) offsets(%dma_start3A_1396 : memref<128xi32, #tpu.memory_space<vmem>>) semaphore(%dma_start3A_1405 : memref<!tpu.dma_semaphore, #tpu.memory_space<semaphore_mem>>)
      } else {
      }
      %add3A_1340 = arith.constant 3 : i32
      %add3A_1341 = arith.addi %mul3A_1103, %add3A_1340 : i32
      %dma_wait3A_1342 = arith.constant 3 : i32
      %dma_wait3A_1343 = arith.constant 3 : i32
      %dma_wait3A_1344 = arith.constant 0 : i32
      %dma_wait3A_1345 = arith.constant 0 : i32
      %dma_wait3A_1346 = tpu.memref_slice %arg8[%dma_wait3A_1342, %dma_wait3A_1344, %dma_wait3A_1345] : memref<5x128x64xf32, #tpu.memory_space<vmem>> -> memref<1x128x64xf32, #tpu.memory_space<vmem>>
      %dma_wait3A_1347 = tpu.memref_squeeze %dma_wait3A_1346 : memref<1x128x64xf32, #tpu.memory_space<vmem>> -> memref<128x64xf32, #tpu.memory_space<vmem>>
      %dma_wait3A_1348 = arith.constant 0 : i32
      %dma_wait3A_1349 = tpu.memref_slice %arg7[%add3A_1341, %dma_wait3A_1348] : memref<160x128xi32, #tpu.memory_space<vmem>> -> memref<1x128xi32, #tpu.memory_space<vmem>>
      %dma_wait3A_1350 = tpu.memref_squeeze %dma_wait3A_1349 : memref<1x128xi32, #tpu.memory_space<vmem>> -> memref<128xi32, #tpu.memory_space<vmem>>
      %dma_wait3A_1351 = arith.constant 0 : i32
      %dma_wait3A_1352 = arith.constant 0 : i32
      %dma_wait3A_1353 = tpu.memref_slice %arg9[%dma_wait3A_1351, %dma_wait3A_1352] : memref<10240x64xf32, #tpu.memory_space<vmem_shared>> -> memref<10240x64xf32, #tpu.memory_space<vmem_shared>>
      %dma_wait3A_1354 = tpu.memref_slice %arg11[%dma_wait3A_1343] : memref<5x!tpu.dma_semaphore, #tpu.memory_space<semaphore_mem>> -> memref<1x!tpu.dma_semaphore, #tpu.memory_space<semaphore_mem>>
      %dma_wait3A_1355 = tpu.memref_squeeze %dma_wait3A_1354 : memref<1x!tpu.dma_semaphore, #tpu.memory_space<semaphore_mem>> -> memref<!tpu.dma_semaphore, #tpu.memory_space<semaphore_mem>>
      tpu.wait_indirect_dma semaphore(%dma_wait3A_1355 : memref<!tpu.dma_semaphore, #tpu.memory_space<semaphore_mem>>) src(%dma_wait3A_1347 : memref<128x64xf32, #tpu.memory_space<vmem>>) dst(%dma_wait3A_1353 : memref<10240x64xf32, #tpu.memory_space<vmem_shared>>)
      %add3A_1356 = arith.constant 5 : i32
      %add3A_1357 = arith.addi %add3A_1341, %add3A_1356 : i32
      %lt3A_1358 = arith.constant 160 : i32
      %lt3A_1359 = arith.cmpi slt, %add3A_1357, %lt3A_1358 : i32
      %convert_element_type3A_1360 = arith.extui %lt3A_1359 : i1 to i32
      %cond3A_1361 = arith.constant 0 : i32
      %cond3A_1362 = arith.cmpi ne, %convert_element_type3A_1360, %cond3A_1361 : i32
      scf.if %cond3A_1362 {
        %add3A_1386 = arith.constant 5 : i32
        %add3A_1387 = arith.addi %add3A_1341, %add3A_1386 : i32
        %dma_start3A_1388 = arith.constant 3 : i32
        %dma_start3A_1389 = arith.constant 3 : i32
        %dma_start3A_1390 = arith.constant 0 : i32
        %dma_start3A_1391 = arith.constant 0 : i32
        %dma_start3A_1392 = tpu.memref_slice %arg8[%dma_start3A_1388, %dma_start3A_1390, %dma_start3A_1391] : memref<5x128x64xf32, #tpu.memory_space<vmem>> -> memref<1x128x64xf32, #tpu.memory_space<vmem>>
        %dma_start3A_1393 = tpu.memref_squeeze %dma_start3A_1392 : memref<1x128x64xf32, #tpu.memory_space<vmem>> -> memref<128x64xf32, #tpu.memory_space<vmem>>
        %dma_start3A_1394 = arith.constant 0 : i32
        %dma_start3A_1395 = tpu.memref_slice %arg6[%add3A_1387, %dma_start3A_1394] : memref<160x128xi32, #tpu.memory_space<vmem>> -> memref<1x128xi32, #tpu.memory_space<vmem>>
        %dma_start3A_1396 = tpu.memref_squeeze %dma_start3A_1395 : memref<1x128xi32, #tpu.memory_space<vmem>> -> memref<128xi32, #tpu.memory_space<vmem>>
        %dma_start3A_1397 = arith.constant 0 : i32
        %dma_start3A_1398 = arith.constant 0 : i32
        %dma_start3A_1399 = tpu.memref_slice %arg2[%arg0, %dma_start3A_1397, %dma_start3A_1398] : memref<2x10240x64xf32, #tpu.memory_space<hbm>> -> memref<1x10240x64xf32, #tpu.memory_space<hbm>>
        %dma_start3A_1400 = tpu.memref_squeeze %dma_start3A_1399 : memref<1x10240x64xf32, #tpu.memory_space<hbm>> -> memref<10240x64xf32, #tpu.memory_space<hbm>>
        %dma_start3A_1401 = arith.constant 0 : i32
        %dma_start3A_1402 = arith.constant 0 : i32
        %dma_start3A_1403 = tpu.memref_slice %dma_start3A_1400[%dma_start3A_1401, %dma_start3A_1402] : memref<10240x64xf32, #tpu.memory_space<hbm>> -> memref<10240x64xf32, #tpu.memory_space<hbm>>
        %dma_start3A_1404 = tpu.memref_slice %arg10[%dma_start3A_1389] : memref<5x!tpu.dma_semaphore, #tpu.memory_space<semaphore_mem>> -> memref<1x!tpu.dma_semaphore, #tpu.memory_space<semaphore_mem>>
        %dma_start3A_1405 = tpu.memref_squeeze %dma_start3A_1404 : memref<1x!tpu.dma_semaphore, #tpu.memory_space<semaphore_mem>> -> memref<!tpu.dma_semaphore, #tpu.memory_space<semaphore_mem>>
        tpu.enqueue_indirect_dma source(%dma_start3A_1403 : memref<10240x64xf32, #tpu.memory_space<hbm>>) target(%dma_start3A_1393 : memref<128x64xf32, #tpu.memory_space<vmem>>) offsets(%dma_start3A_1396 : memref<128xi32, #tpu.memory_space<vmem>>) semaphore(%dma_start3A_1405 : memref<!tpu.dma_semaphore, #tpu.memory_space<semaphore_mem>>)
      } else {
      }
      %add3A_1363 = arith.constant 4 : i32
      %add3A_1364 = arith.addi %mul3A_1103, %add3A_1363 : i32
      %dma_wait3A_1365 = arith.constant 4 : i32
      %dma_wait3A_1366 = arith.constant 4 : i32
      %dma_wait3A_1367 = arith.constant 0 : i32
      %dma_wait3A_1368 = arith.constant 0 : i32
      %dma_wait3A_1369 = tpu.memref_slice %arg8[%dma_wait3A_1365, %dma_wait3A_1367, %dma_wait3A_1368] : memref<5x128x64xf32, #tpu.memory_space<vmem>> -> memref<1x128x64xf32, #tpu.memory_space<vmem>>
      %dma_wait3A_1370 = tpu.memref_squeeze %dma_wait3A_1369 : memref<1x128x64xf32, #tpu.memory_space<vmem>> -> memref<128x64xf32, #tpu.memory_space<vmem>>
      %dma_wait3A_1371 = arith.constant 0 : i32
      %dma_wait3A_1372 = tpu.memref_slice %arg7[%add3A_1364, %dma_wait3A_1371] : memref<160x128xi32, #tpu.memory_space<vmem>> -> memref<1x128xi32, #tpu.memory_space<vmem>>
      %dma_wait3A_1373 = tpu.memref_squeeze %dma_wait3A_1372 : memref<1x128xi32, #tpu.memory_space<vmem>> -> memref<128xi32, #tpu.memory_space<vmem>>
      %dma_wait3A_1374 = arith.constant 0 : i32
      %dma_wait3A_1375 = arith.constant 0 : i32
      %dma_wait3A_1376 = tpu.memref_slice %arg9[%dma_wait3A_1374, %dma_wait3A_1375] : memref<10240x64xf32, #tpu.memory_space<vmem_shared>> -> memref<10240x64xf32, #tpu.memory_space<vmem_shared>>
      %dma_wait3A_1377 = tpu.memref_slice %arg11[%dma_wait3A_1366] : memref<5x!tpu.dma_semaphore, #tpu.memory_space<semaphore_mem>> -> memref<1x!tpu.dma_semaphore, #tpu.memory_space<semaphore_mem>>
      %dma_wait3A_1378 = tpu.memref_squeeze %dma_wait3A_1377 : memref<1x!tpu.dma_semaphore, #tpu.memory_space<semaphore_mem>> -> memref<!tpu.dma_semaphore, #tpu.memory_space<semaphore_mem>>
      tpu.wait_indirect_dma semaphore(%dma_wait3A_1378 : memref<!tpu.dma_semaphore, #tpu.memory_space<semaphore_mem>>) src(%dma_wait3A_1370 : memref<128x64xf32, #tpu.memory_space<vmem>>) dst(%dma_wait3A_1376 : memref<10240x64xf32, #tpu.memory_space<vmem_shared>>)
      %add3A_1379 = arith.constant 5 : i32
      %add3A_1380 = arith.addi %add3A_1364, %add3A_1379 : i32
      %lt3A_1381 = arith.constant 160 : i32
      %lt3A_1382 = arith.cmpi slt, %add3A_1380, %lt3A_1381 : i32
      %convert_element_type3A_1383 = arith.extui %lt3A_1382 : i1 to i32
      %cond3A_1384 = arith.constant 0 : i32
      %cond3A_1385 = arith.cmpi ne, %convert_element_type3A_1383, %cond3A_1384 : i32
      scf.if %cond3A_1385 {
        %add3A_1386 = arith.constant 5 : i32
        %add3A_1387 = arith.addi %add3A_1364, %add3A_1386 : i32
        %dma_start3A_1388 = arith.constant 4 : i32
        %dma_start3A_1389 = arith.constant 4 : i32
        %dma_start3A_1390 = arith.constant 0 : i32
        %dma_start3A_1391 = arith.constant 0 : i32
        %dma_start3A_1392 = tpu.memref_slice %arg8[%dma_start3A_1388, %dma_start3A_1390, %dma_start3A_1391] : memref<5x128x64xf32, #tpu.memory_space<vmem>> -> memref<1x128x64xf32, #tpu.memory_space<vmem>>
        %dma_start3A_1393 = tpu.memref_squeeze %dma_start3A_1392 : memref<1x128x64xf32, #tpu.memory_space<vmem>> -> memref<128x64xf32, #tpu.memory_space<vmem>>
        %dma_start3A_1394 = arith.constant 0 : i32
        %dma_start3A_1395 = tpu.memref_slice %arg6[%add3A_1387, %dma_start3A_1394] : memref<160x128xi32, #tpu.memory_space<vmem>> -> memref<1x128xi32, #tpu.memory_space<vmem>>
        %dma_start3A_1396 = tpu.memref_squeeze %dma_start3A_1395 : memref<1x128xi32, #tpu.memory_space<vmem>> -> memref<128xi32, #tpu.memory_space<vmem>>
        %dma_start3A_1397 = arith.constant 0 : i32
        %dma_start3A_1398 = arith.constant 0 : i32
        %dma_start3A_1399 = tpu.memref_slice %arg2[%arg0, %dma_start3A_1397, %dma_start3A_1398] : memref<2x10240x64xf32, #tpu.memory_space<hbm>> -> memref<1x10240x64xf32, #tpu.memory_space<hbm>>
        %dma_start3A_1400 = tpu.memref_squeeze %dma_start3A_1399 : memref<1x10240x64xf32, #tpu.memory_space<hbm>> -> memref<10240x64xf32, #tpu.memory_space<hbm>>
        %dma_start3A_1401 = arith.constant 0 : i32
        %dma_start3A_1402 = arith.constant 0 : i32
        %dma_start3A_1403 = tpu.memref_slice %dma_start3A_1400[%dma_start3A_1401, %dma_start3A_1402] : memref<10240x64xf32, #tpu.memory_space<hbm>> -> memref<10240x64xf32, #tpu.memory_space<hbm>>
        %dma_start3A_1404 = tpu.memref_slice %arg10[%dma_start3A_1389] : memref<5x!tpu.dma_semaphore, #tpu.memory_space<semaphore_mem>> -> memref<1x!tpu.dma_semaphore, #tpu.memory_space<semaphore_mem>>
        %dma_start3A_1405 = tpu.memref_squeeze %dma_start3A_1404 : memref<1x!tpu.dma_semaphore, #tpu.memory_space<semaphore_mem>> -> memref<!tpu.dma_semaphore, #tpu.memory_space<semaphore_mem>>
        tpu.enqueue_indirect_dma source(%dma_start3A_1403 : memref<10240x64xf32, #tpu.memory_space<hbm>>) target(%dma_start3A_1393 : memref<128x64xf32, #tpu.memory_space<vmem>>) offsets(%dma_start3A_1396 : memref<128xi32, #tpu.memory_space<vmem>>) semaphore(%dma_start3A_1405 : memref<!tpu.dma_semaphore, #tpu.memory_space<semaphore_mem>>)
      } else {
      }
    }
    %scan3A_619 = arith.constant 32 : i32
    %barrier3A_620 = arith.constant 0 : index
    tpu.barrier barrier_id(%barrier3A_620)
    %mul3A_621 = arith.constant 640 : i32
    %mul3A_622 = arith.muli %arg1, %mul3A_621 : i32
    %add3A_623 = arith.constant 0 : i32
    %add3A_624 = arith.addi %mul3A_622, %add3A_623 : i32
    %dma_start3A_625 = arith.constant 0 : i32
    %dma_start3A_626 = arith.constant 0 : i32
    %dma_start3A_627 = arith.constant 0 : i32
    %dma_start3A_628 = arith.constant 0 : i32
    %dma_start3A_629 = tpu.memref_slice %arg8[%dma_start3A_625, %dma_start3A_627, %dma_start3A_628] : memref<5x128x64xf32, #tpu.memory_space<vmem>> -> memref<1x128x64xf32, #tpu.memory_space<vmem>>
    %dma_start3A_630 = tpu.memref_squeeze %dma_start3A_629 : memref<1x128x64xf32, #tpu.memory_space<vmem>> -> memref<128x64xf32, #tpu.memory_space<vmem>>
    %dma_start3A_631 = arith.constant 0 : i32
    %dma_start3A_632 = tpu.memref_slice %arg9[%add3A_624, %dma_start3A_631] : memref<10240x64xf32, #tpu.memory_space<vmem_shared>> -> memref<128x64xf32, #tpu.memory_space<vmem_shared>>
    %dma_start3A_633 = tpu.memref_slice %arg10[%dma_start3A_626] : memref<5x!tpu.dma_semaphore, #tpu.memory_space<semaphore_mem>> -> memref<1x!tpu.dma_semaphore, #tpu.memory_space<semaphore_mem>>
    %dma_start3A_634 = tpu.memref_squeeze %dma_start3A_633 : memref<1x!tpu.dma_semaphore, #tpu.memory_space<semaphore_mem>> -> memref<!tpu.dma_semaphore, #tpu.memory_space<semaphore_mem>>
    %dma_start3A_635 = arith.constant 0 : i32
    %dma_start3A_636 = arith.constant 0 : i32
    %dma_start3A_637 = tpu.memref_slice %arg8[%dma_start3A_625, %dma_start3A_635, %dma_start3A_636] : memref<5x128x64xf32, #tpu.memory_space<vmem>> -> memref<1x128x64xf32, #tpu.memory_space<vmem>>
    %dma_start3A_638 = tpu.memref_squeeze %dma_start3A_637 : memref<1x128x64xf32, #tpu.memory_space<vmem>> -> memref<128x64xf32, #tpu.memory_space<vmem>>
    %dma_start3A_639 = arith.constant 0 : i32
    %dma_start3A_640 = tpu.memref_slice %arg9[%add3A_624, %dma_start3A_639] : memref<10240x64xf32, #tpu.memory_space<vmem_shared>> -> memref<128x64xf32, #tpu.memory_space<vmem_shared>>
    tpu.enqueue_dma source(%dma_start3A_640 : memref<128x64xf32, #tpu.memory_space<vmem_shared>>) target(%dma_start3A_638 : memref<128x64xf32, #tpu.memory_space<vmem>>) target_semaphore(%dma_start3A_634 : memref<!tpu.dma_semaphore, #tpu.memory_space<semaphore_mem>>)
    %mul3A_641 = arith.constant 640 : i32
    %mul3A_642 = arith.muli %arg1, %mul3A_641 : i32
    %add3A_643 = arith.constant 128 : i32
    %add3A_644 = arith.addi %mul3A_642, %add3A_643 : i32
    %dma_start3A_645 = arith.constant 1 : i32
    %dma_start3A_646 = arith.constant 1 : i32
    %dma_start3A_647 = arith.constant 0 : i32
    %dma_start3A_648 = arith.constant 0 : i32
    %dma_start3A_649 = tpu.memref_slice %arg8[%dma_start3A_645, %dma_start3A_647, %dma_start3A_648] : memref<5x128x64xf32, #tpu.memory_space<vmem>> -> memref<1x128x64xf32, #tpu.memory_space<vmem>>
    %dma_start3A_650 = tpu.memref_squeeze %dma_start3A_649 : memref<1x128x64xf32, #tpu.memory_space<vmem>> -> memref<128x64xf32, #tpu.memory_space<vmem>>
    %dma_start3A_651 = arith.constant 0 : i32
    %dma_start3A_652 = tpu.memref_slice %arg9[%add3A_644, %dma_start3A_651] : memref<10240x64xf32, #tpu.memory_space<vmem_shared>> -> memref<128x64xf32, #tpu.memory_space<vmem_shared>>
    %dma_start3A_653 = tpu.memref_slice %arg10[%dma_start3A_646] : memref<5x!tpu.dma_semaphore, #tpu.memory_space<semaphore_mem>> -> memref<1x!tpu.dma_semaphore, #tpu.memory_space<semaphore_mem>>
    %dma_start3A_654 = tpu.memref_squeeze %dma_start3A_653 : memref<1x!tpu.dma_semaphore, #tpu.memory_space<semaphore_mem>> -> memref<!tpu.dma_semaphore, #tpu.memory_space<semaphore_mem>>
    %dma_start3A_655 = arith.constant 0 : i32
    %dma_start3A_656 = arith.constant 0 : i32
    %dma_start3A_657 = tpu.memref_slice %arg8[%dma_start3A_645, %dma_start3A_655, %dma_start3A_656] : memref<5x128x64xf32, #tpu.memory_space<vmem>> -> memref<1x128x64xf32, #tpu.memory_space<vmem>>
    %dma_start3A_658 = tpu.memref_squeeze %dma_start3A_657 : memref<1x128x64xf32, #tpu.memory_space<vmem>> -> memref<128x64xf32, #tpu.memory_space<vmem>>
    %dma_start3A_659 = arith.constant 0 : i32
    %dma_start3A_660 = tpu.memref_slice %arg9[%add3A_644, %dma_start3A_659] : memref<10240x64xf32, #tpu.memory_space<vmem_shared>> -> memref<128x64xf32, #tpu.memory_space<vmem_shared>>
    tpu.enqueue_dma source(%dma_start3A_660 : memref<128x64xf32, #tpu.memory_space<vmem_shared>>) target(%dma_start3A_658 : memref<128x64xf32, #tpu.memory_space<vmem>>) target_semaphore(%dma_start3A_654 : memref<!tpu.dma_semaphore, #tpu.memory_space<semaphore_mem>>)
    %mul3A_661 = arith.constant 640 : i32
    %mul3A_662 = arith.muli %arg1, %mul3A_661 : i32
    %add3A_663 = arith.constant 256 : i32
    %add3A_664 = arith.addi %mul3A_662, %add3A_663 : i32
    %dma_start3A_665 = arith.constant 2 : i32
    %dma_start3A_666 = arith.constant 2 : i32
    %dma_start3A_667 = arith.constant 0 : i32
    %dma_start3A_668 = arith.constant 0 : i32
    %dma_start3A_669 = tpu.memref_slice %arg8[%dma_start3A_665, %dma_start3A_667, %dma_start3A_668] : memref<5x128x64xf32, #tpu.memory_space<vmem>> -> memref<1x128x64xf32, #tpu.memory_space<vmem>>
    %dma_start3A_670 = tpu.memref_squeeze %dma_start3A_669 : memref<1x128x64xf32, #tpu.memory_space<vmem>> -> memref<128x64xf32, #tpu.memory_space<vmem>>
    %dma_start3A_671 = arith.constant 0 : i32
    %dma_start3A_672 = tpu.memref_slice %arg9[%add3A_664, %dma_start3A_671] : memref<10240x64xf32, #tpu.memory_space<vmem_shared>> -> memref<128x64xf32, #tpu.memory_space<vmem_shared>>
    %dma_start3A_673 = tpu.memref_slice %arg10[%dma_start3A_666] : memref<5x!tpu.dma_semaphore, #tpu.memory_space<semaphore_mem>> -> memref<1x!tpu.dma_semaphore, #tpu.memory_space<semaphore_mem>>
    %dma_start3A_674 = tpu.memref_squeeze %dma_start3A_673 : memref<1x!tpu.dma_semaphore, #tpu.memory_space<semaphore_mem>> -> memref<!tpu.dma_semaphore, #tpu.memory_space<semaphore_mem>>
    %dma_start3A_675 = arith.constant 0 : i32
    %dma_start3A_676 = arith.constant 0 : i32
    %dma_start3A_677 = tpu.memref_slice %arg8[%dma_start3A_665, %dma_start3A_675, %dma_start3A_676] : memref<5x128x64xf32, #tpu.memory_space<vmem>> -> memref<1x128x64xf32, #tpu.memory_space<vmem>>
    %dma_start3A_678 = tpu.memref_squeeze %dma_start3A_677 : memref<1x128x64xf32, #tpu.memory_space<vmem>> -> memref<128x64xf32, #tpu.memory_space<vmem>>
    %dma_start3A_679 = arith.constant 0 : i32
    %dma_start3A_680 = tpu.memref_slice %arg9[%add3A_664, %dma_start3A_679] : memref<10240x64xf32, #tpu.memory_space<vmem_shared>> -> memref<128x64xf32, #tpu.memory_space<vmem_shared>>
    tpu.enqueue_dma source(%dma_start3A_680 : memref<128x64xf32, #tpu.memory_space<vmem_shared>>) target(%dma_start3A_678 : memref<128x64xf32, #tpu.memory_space<vmem>>) target_semaphore(%dma_start3A_674 : memref<!tpu.dma_semaphore, #tpu.memory_space<semaphore_mem>>)
    %mul3A_681 = arith.constant 640 : i32
    %mul3A_682 = arith.muli %arg1, %mul3A_681 : i32
    %add3A_683 = arith.constant 384 : i32
    %add3A_684 = arith.addi %mul3A_682, %add3A_683 : i32
    %dma_start3A_685 = arith.constant 3 : i32
    %dma_start3A_686 = arith.constant 3 : i32
    %dma_start3A_687 = arith.constant 0 : i32
    %dma_start3A_688 = arith.constant 0 : i32
    %dma_start3A_689 = tpu.memref_slice %arg8[%dma_start3A_685, %dma_start3A_687, %dma_start3A_688] : memref<5x128x64xf32, #tpu.memory_space<vmem>> -> memref<1x128x64xf32, #tpu.memory_space<vmem>>
    %dma_start3A_690 = tpu.memref_squeeze %dma_start3A_689 : memref<1x128x64xf32, #tpu.memory_space<vmem>> -> memref<128x64xf32, #tpu.memory_space<vmem>>
    %dma_start3A_691 = arith.constant 0 : i32
    %dma_start3A_692 = tpu.memref_slice %arg9[%add3A_684, %dma_start3A_691] : memref<10240x64xf32, #tpu.memory_space<vmem_shared>> -> memref<128x64xf32, #tpu.memory_space<vmem_shared>>
    %dma_start3A_693 = tpu.memref_slice %arg10[%dma_start3A_686] : memref<5x!tpu.dma_semaphore, #tpu.memory_space<semaphore_mem>> -> memref<1x!tpu.dma_semaphore, #tpu.memory_space<semaphore_mem>>
    %dma_start3A_694 = tpu.memref_squeeze %dma_start3A_693 : memref<1x!tpu.dma_semaphore, #tpu.memory_space<semaphore_mem>> -> memref<!tpu.dma_semaphore, #tpu.memory_space<semaphore_mem>>
    %dma_start3A_695 = arith.constant 0 : i32
    %dma_start3A_696 = arith.constant 0 : i32
    %dma_start3A_697 = tpu.memref_slice %arg8[%dma_start3A_685, %dma_start3A_695, %dma_start3A_696] : memref<5x128x64xf32, #tpu.memory_space<vmem>> -> memref<1x128x64xf32, #tpu.memory_space<vmem>>
    %dma_start3A_698 = tpu.memref_squeeze %dma_start3A_697 : memref<1x128x64xf32, #tpu.memory_space<vmem>> -> memref<128x64xf32, #tpu.memory_space<vmem>>
    %dma_start3A_699 = arith.constant 0 : i32
    %dma_start3A_700 = tpu.memref_slice %arg9[%add3A_684, %dma_start3A_699] : memref<10240x64xf32, #tpu.memory_space<vmem_shared>> -> memref<128x64xf32, #tpu.memory_space<vmem_shared>>
    tpu.enqueue_dma source(%dma_start3A_700 : memref<128x64xf32, #tpu.memory_space<vmem_shared>>) target(%dma_start3A_698 : memref<128x64xf32, #tpu.memory_space<vmem>>) target_semaphore(%dma_start3A_694 : memref<!tpu.dma_semaphore, #tpu.memory_space<semaphore_mem>>)
    %mul3A_701 = arith.constant 640 : i32
    %mul3A_702 = arith.muli %arg1, %mul3A_701 : i32
    %add3A_703 = arith.constant 512 : i32
    %add3A_704 = arith.addi %mul3A_702, %add3A_703 : i32
    %dma_start3A_705 = arith.constant 4 : i32
    %dma_start3A_706 = arith.constant 4 : i32
    %dma_start3A_707 = arith.constant 0 : i32
    %dma_start3A_708 = arith.constant 0 : i32
    %dma_start3A_709 = tpu.memref_slice %arg8[%dma_start3A_705, %dma_start3A_707, %dma_start3A_708] : memref<5x128x64xf32, #tpu.memory_space<vmem>> -> memref<1x128x64xf32, #tpu.memory_space<vmem>>
    %dma_start3A_710 = tpu.memref_squeeze %dma_start3A_709 : memref<1x128x64xf32, #tpu.memory_space<vmem>> -> memref<128x64xf32, #tpu.memory_space<vmem>>
    %dma_start3A_711 = arith.constant 0 : i32
    %dma_start3A_712 = tpu.memref_slice %arg9[%add3A_704, %dma_start3A_711] : memref<10240x64xf32, #tpu.memory_space<vmem_shared>> -> memref<128x64xf32, #tpu.memory_space<vmem_shared>>
    %dma_start3A_713 = tpu.memref_slice %arg10[%dma_start3A_706] : memref<5x!tpu.dma_semaphore, #tpu.memory_space<semaphore_mem>> -> memref<1x!tpu.dma_semaphore, #tpu.memory_space<semaphore_mem>>
    %dma_start3A_714 = tpu.memref_squeeze %dma_start3A_713 : memref<1x!tpu.dma_semaphore, #tpu.memory_space<semaphore_mem>> -> memref<!tpu.dma_semaphore, #tpu.memory_space<semaphore_mem>>
    %dma_start3A_715 = arith.constant 0 : i32
    %dma_start3A_716 = arith.constant 0 : i32
    %dma_start3A_717 = tpu.memref_slice %arg8[%dma_start3A_705, %dma_start3A_715, %dma_start3A_716] : memref<5x128x64xf32, #tpu.memory_space<vmem>> -> memref<1x128x64xf32, #tpu.memory_space<vmem>>
    %dma_start3A_718 = tpu.memref_squeeze %dma_start3A_717 : memref<1x128x64xf32, #tpu.memory_space<vmem>> -> memref<128x64xf32, #tpu.memory_space<vmem>>
    %dma_start3A_719 = arith.constant 0 : i32
    %dma_start3A_720 = tpu.memref_slice %arg9[%add3A_704, %dma_start3A_719] : memref<10240x64xf32, #tpu.memory_space<vmem_shared>> -> memref<128x64xf32, #tpu.memory_space<vmem_shared>>
    tpu.enqueue_dma source(%dma_start3A_720 : memref<128x64xf32, #tpu.memory_space<vmem_shared>>) target(%dma_start3A_718 : memref<128x64xf32, #tpu.memory_space<vmem>>) target_semaphore(%dma_start3A_714 : memref<!tpu.dma_semaphore, #tpu.memory_space<semaphore_mem>>)
    %mul3A_721 = arith.constant 640 : i32
    %mul3A_722 = arith.muli %arg1, %mul3A_721 : i32
    %add3A_723 = arith.constant 0 : i32
    %add3A_724 = arith.addi %mul3A_722, %add3A_723 : i32
    %dma_wait3A_725 = arith.constant 0 : i32
    %dma_wait3A_726 = arith.constant 0 : i32
    %dma_wait3A_727 = arith.constant 0 : i32
    %dma_wait3A_728 = arith.constant 0 : i32
    %dma_wait3A_729 = tpu.memref_slice %arg8[%dma_wait3A_725, %dma_wait3A_727, %dma_wait3A_728] : memref<5x128x64xf32, #tpu.memory_space<vmem>> -> memref<1x128x64xf32, #tpu.memory_space<vmem>>
    %dma_wait3A_730 = tpu.memref_squeeze %dma_wait3A_729 : memref<1x128x64xf32, #tpu.memory_space<vmem>> -> memref<128x64xf32, #tpu.memory_space<vmem>>
    %dma_wait3A_731 = arith.constant 0 : i32
    %dma_wait3A_732 = tpu.memref_slice %arg9[%add3A_724, %dma_wait3A_731] : memref<10240x64xf32, #tpu.memory_space<vmem_shared>> -> memref<128x64xf32, #tpu.memory_space<vmem_shared>>
    %dma_wait3A_733 = tpu.memref_slice %arg10[%dma_wait3A_726] : memref<5x!tpu.dma_semaphore, #tpu.memory_space<semaphore_mem>> -> memref<1x!tpu.dma_semaphore, #tpu.memory_space<semaphore_mem>>
    %dma_wait3A_734 = tpu.memref_squeeze %dma_wait3A_733 : memref<1x!tpu.dma_semaphore, #tpu.memory_space<semaphore_mem>> -> memref<!tpu.dma_semaphore, #tpu.memory_space<semaphore_mem>>
    %dma_wait3A_735 = arith.constant 0 : i32
    %dma_wait3A_736 = arith.constant 0 : i32
    %dma_wait3A_737 = tpu.memref_slice %arg8[%dma_wait3A_725, %dma_wait3A_735, %dma_wait3A_736] : memref<5x128x64xf32, #tpu.memory_space<vmem>> -> memref<1x128x64xf32, #tpu.memory_space<vmem>>
    %dma_wait3A_738 = tpu.memref_squeeze %dma_wait3A_737 : memref<1x128x64xf32, #tpu.memory_space<vmem>> -> memref<128x64xf32, #tpu.memory_space<vmem>>
    %dma_wait3A_739 = arith.constant 0 : i32
    %dma_wait3A_740 = tpu.memref_slice %arg9[%add3A_724, %dma_wait3A_739] : memref<10240x64xf32, #tpu.memory_space<vmem_shared>> -> memref<128x64xf32, #tpu.memory_space<vmem_shared>>
    tpu.wait_dma2 semaphore(%dma_wait3A_734 : memref<!tpu.dma_semaphore, #tpu.memory_space<semaphore_mem>>) src(%dma_wait3A_740 : memref<128x64xf32, #tpu.memory_space<vmem_shared>>) dst(%dma_wait3A_738 : memref<128x64xf32, #tpu.memory_space<vmem>>)
    %mul3A_741 = arith.constant 640 : i32
    %mul3A_742 = arith.muli %arg1, %mul3A_741 : i32
    %add3A_743 = arith.constant 0 : i32
    %add3A_744 = arith.addi %mul3A_742, %add3A_743 : i32
    %dma_start3A_745 = arith.constant 0 : i32
    %dma_start3A_746 = arith.constant 0 : i32
    %dma_start3A_747 = arith.constant 0 : i32
    %dma_start3A_748 = arith.constant 0 : i32
    %dma_start3A_749 = tpu.memref_slice %arg8[%dma_start3A_745, %dma_start3A_747, %dma_start3A_748] : memref<5x128x64xf32, #tpu.memory_space<vmem>> -> memref<1x128x64xf32, #tpu.memory_space<vmem>>
    %dma_start3A_750 = tpu.memref_squeeze %dma_start3A_749 : memref<1x128x64xf32, #tpu.memory_space<vmem>> -> memref<128x64xf32, #tpu.memory_space<vmem>>
    %dma_start3A_751 = arith.constant 0 : i32
    %dma_start3A_752 = arith.constant 0 : i32
    %dma_start3A_753 = tpu.memref_slice %arg5[%arg0, %dma_start3A_751, %dma_start3A_752] : memref<2x10240x64xf32, #tpu.memory_space<hbm>> -> memref<1x10240x64xf32, #tpu.memory_space<hbm>>
    %dma_start3A_754 = tpu.memref_squeeze %dma_start3A_753 : memref<1x10240x64xf32, #tpu.memory_space<hbm>> -> memref<10240x64xf32, #tpu.memory_space<hbm>>
    %dma_start3A_755 = arith.constant 0 : i32
    %dma_start3A_756 = tpu.memref_slice %dma_start3A_754[%add3A_744, %dma_start3A_755] : memref<10240x64xf32, #tpu.memory_space<hbm>> -> memref<128x64xf32, #tpu.memory_space<hbm>>
    %dma_start3A_757 = tpu.memref_slice %arg11[%dma_start3A_746] : memref<5x!tpu.dma_semaphore, #tpu.memory_space<semaphore_mem>> -> memref<1x!tpu.dma_semaphore, #tpu.memory_space<semaphore_mem>>
    %dma_start3A_758 = tpu.memref_squeeze %dma_start3A_757 : memref<1x!tpu.dma_semaphore, #tpu.memory_space<semaphore_mem>> -> memref<!tpu.dma_semaphore, #tpu.memory_space<semaphore_mem>>
    %dma_start3A_759 = arith.constant 0 : i32
    %dma_start3A_760 = arith.constant 0 : i32
    %dma_start3A_761 = tpu.memref_slice %arg5[%arg0, %dma_start3A_759, %dma_start3A_760] : memref<2x10240x64xf32, #tpu.memory_space<hbm>> -> memref<1x10240x64xf32, #tpu.memory_space<hbm>>
    %dma_start3A_762 = tpu.memref_squeeze %dma_start3A_761 : memref<1x10240x64xf32, #tpu.memory_space<hbm>> -> memref<10240x64xf32, #tpu.memory_space<hbm>>
    %dma_start3A_763 = arith.constant 0 : i32
    %dma_start3A_764 = tpu.memref_slice %dma_start3A_762[%add3A_744, %dma_start3A_763] : memref<10240x64xf32, #tpu.memory_space<hbm>> -> memref<128x64xf32, #tpu.memory_space<hbm>>
    %dma_start3A_765 = arith.constant 0 : i32
    %dma_start3A_766 = arith.constant 0 : i32
    %dma_start3A_767 = tpu.memref_slice %arg8[%dma_start3A_745, %dma_start3A_765, %dma_start3A_766] : memref<5x128x64xf32, #tpu.memory_space<vmem>> -> memref<1x128x64xf32, #tpu.memory_space<vmem>>
    %dma_start3A_768 = tpu.memref_squeeze %dma_start3A_767 : memref<1x128x64xf32, #tpu.memory_space<vmem>> -> memref<128x64xf32, #tpu.memory_space<vmem>>
    tpu.enqueue_dma source(%dma_start3A_768 : memref<128x64xf32, #tpu.memory_space<vmem>>) target(%dma_start3A_764 : memref<128x64xf32, #tpu.memory_space<hbm>>) target_semaphore(%dma_start3A_758 : memref<!tpu.dma_semaphore, #tpu.memory_space<semaphore_mem>>)
    %mul3A_769 = arith.constant 640 : i32
    %mul3A_770 = arith.muli %arg1, %mul3A_769 : i32
    %add3A_771 = arith.constant 128 : i32
    %add3A_772 = arith.addi %mul3A_770, %add3A_771 : i32
    %dma_wait3A_773 = arith.constant 1 : i32
    %dma_wait3A_774 = arith.constant 1 : i32
    %dma_wait3A_775 = arith.constant 0 : i32
    %dma_wait3A_776 = arith.constant 0 : i32
    %dma_wait3A_777 = tpu.memref_slice %arg8[%dma_wait3A_773, %dma_wait3A_775, %dma_wait3A_776] : memref<5x128x64xf32, #tpu.memory_space<vmem>> -> memref<1x128x64xf32, #tpu.memory_space<vmem>>
    %dma_wait3A_778 = tpu.memref_squeeze %dma_wait3A_777 : memref<1x128x64xf32, #tpu.memory_space<vmem>> -> memref<128x64xf32, #tpu.memory_space<vmem>>
    %dma_wait3A_779 = arith.constant 0 : i32
    %dma_wait3A_780 = tpu.memref_slice %arg9[%add3A_772, %dma_wait3A_779] : memref<10240x64xf32, #tpu.memory_space<vmem_shared>> -> memref<128x64xf32, #tpu.memory_space<vmem_shared>>
    %dma_wait3A_781 = tpu.memref_slice %arg10[%dma_wait3A_774] : memref<5x!tpu.dma_semaphore, #tpu.memory_space<semaphore_mem>> -> memref<1x!tpu.dma_semaphore, #tpu.memory_space<semaphore_mem>>
    %dma_wait3A_782 = tpu.memref_squeeze %dma_wait3A_781 : memref<1x!tpu.dma_semaphore, #tpu.memory_space<semaphore_mem>> -> memref<!tpu.dma_semaphore, #tpu.memory_space<semaphore_mem>>
    %dma_wait3A_783 = arith.constant 0 : i32
    %dma_wait3A_784 = arith.constant 0 : i32
    %dma_wait3A_785 = tpu.memref_slice %arg8[%dma_wait3A_773, %dma_wait3A_783, %dma_wait3A_784] : memref<5x128x64xf32, #tpu.memory_space<vmem>> -> memref<1x128x64xf32, #tpu.memory_space<vmem>>
    %dma_wait3A_786 = tpu.memref_squeeze %dma_wait3A_785 : memref<1x128x64xf32, #tpu.memory_space<vmem>> -> memref<128x64xf32, #tpu.memory_space<vmem>>
    %dma_wait3A_787 = arith.constant 0 : i32
    %dma_wait3A_788 = tpu.memref_slice %arg9[%add3A_772, %dma_wait3A_787] : memref<10240x64xf32, #tpu.memory_space<vmem_shared>> -> memref<128x64xf32, #tpu.memory_space<vmem_shared>>
    tpu.wait_dma2 semaphore(%dma_wait3A_782 : memref<!tpu.dma_semaphore, #tpu.memory_space<semaphore_mem>>) src(%dma_wait3A_788 : memref<128x64xf32, #tpu.memory_space<vmem_shared>>) dst(%dma_wait3A_786 : memref<128x64xf32, #tpu.memory_space<vmem>>)
    %mul3A_789 = arith.constant 640 : i32
    %mul3A_790 = arith.muli %arg1, %mul3A_789 : i32
    %add3A_791 = arith.constant 128 : i32
    %add3A_792 = arith.addi %mul3A_790, %add3A_791 : i32
    %dma_start3A_793 = arith.constant 1 : i32
    %dma_start3A_794 = arith.constant 1 : i32
    %dma_start3A_795 = arith.constant 0 : i32
    %dma_start3A_796 = arith.constant 0 : i32
    %dma_start3A_797 = tpu.memref_slice %arg8[%dma_start3A_793, %dma_start3A_795, %dma_start3A_796] : memref<5x128x64xf32, #tpu.memory_space<vmem>> -> memref<1x128x64xf32, #tpu.memory_space<vmem>>
    %dma_start3A_798 = tpu.memref_squeeze %dma_start3A_797 : memref<1x128x64xf32, #tpu.memory_space<vmem>> -> memref<128x64xf32, #tpu.memory_space<vmem>>
    %dma_start3A_799 = arith.constant 0 : i32
    %dma_start3A_800 = arith.constant 0 : i32
    %dma_start3A_801 = tpu.memref_slice %arg5[%arg0, %dma_start3A_799, %dma_start3A_800] : memref<2x10240x64xf32, #tpu.memory_space<hbm>> -> memref<1x10240x64xf32, #tpu.memory_space<hbm>>
    %dma_start3A_802 = tpu.memref_squeeze %dma_start3A_801 : memref<1x10240x64xf32, #tpu.memory_space<hbm>> -> memref<10240x64xf32, #tpu.memory_space<hbm>>
    %dma_start3A_803 = arith.constant 0 : i32
    %dma_start3A_804 = tpu.memref_slice %dma_start3A_802[%add3A_792, %dma_start3A_803] : memref<10240x64xf32, #tpu.memory_space<hbm>> -> memref<128x64xf32, #tpu.memory_space<hbm>>
    %dma_start3A_805 = tpu.memref_slice %arg11[%dma_start3A_794] : memref<5x!tpu.dma_semaphore, #tpu.memory_space<semaphore_mem>> -> memref<1x!tpu.dma_semaphore, #tpu.memory_space<semaphore_mem>>
    %dma_start3A_806 = tpu.memref_squeeze %dma_start3A_805 : memref<1x!tpu.dma_semaphore, #tpu.memory_space<semaphore_mem>> -> memref<!tpu.dma_semaphore, #tpu.memory_space<semaphore_mem>>
    %dma_start3A_807 = arith.constant 0 : i32
    %dma_start3A_808 = arith.constant 0 : i32
    %dma_start3A_809 = tpu.memref_slice %arg5[%arg0, %dma_start3A_807, %dma_start3A_808] : memref<2x10240x64xf32, #tpu.memory_space<hbm>> -> memref<1x10240x64xf32, #tpu.memory_space<hbm>>
    %dma_start3A_810 = tpu.memref_squeeze %dma_start3A_809 : memref<1x10240x64xf32, #tpu.memory_space<hbm>> -> memref<10240x64xf32, #tpu.memory_space<hbm>>
    %dma_start3A_811 = arith.constant 0 : i32
    %dma_start3A_812 = tpu.memref_slice %dma_start3A_810[%add3A_792, %dma_start3A_811] : memref<10240x64xf32, #tpu.memory_space<hbm>> -> memref<128x64xf32, #tpu.memory_space<hbm>>
    %dma_start3A_813 = arith.constant 0 : i32
    %dma_start3A_814 = arith.constant 0 : i32
    %dma_start3A_815 = tpu.memref_slice %arg8[%dma_start3A_793, %dma_start3A_813, %dma_start3A_814] : memref<5x128x64xf32, #tpu.memory_space<vmem>> -> memref<1x128x64xf32, #tpu.memory_space<vmem>>
    %dma_start3A_816 = tpu.memref_squeeze %dma_start3A_815 : memref<1x128x64xf32, #tpu.memory_space<vmem>> -> memref<128x64xf32, #tpu.memory_space<vmem>>
    tpu.enqueue_dma source(%dma_start3A_816 : memref<128x64xf32, #tpu.memory_space<vmem>>) target(%dma_start3A_812 : memref<128x64xf32, #tpu.memory_space<hbm>>) target_semaphore(%dma_start3A_806 : memref<!tpu.dma_semaphore, #tpu.memory_space<semaphore_mem>>)
    %mul3A_817 = arith.constant 640 : i32
    %mul3A_818 = arith.muli %arg1, %mul3A_817 : i32
    %add3A_819 = arith.constant 256 : i32
    %add3A_820 = arith.addi %mul3A_818, %add3A_819 : i32
    %dma_wait3A_821 = arith.constant 2 : i32
    %dma_wait3A_822 = arith.constant 2 : i32
    %dma_wait3A_823 = arith.constant 0 : i32
    %dma_wait3A_824 = arith.constant 0 : i32
    %dma_wait3A_825 = tpu.memref_slice %arg8[%dma_wait3A_821, %dma_wait3A_823, %dma_wait3A_824] : memref<5x128x64xf32, #tpu.memory_space<vmem>> -> memref<1x128x64xf32, #tpu.memory_space<vmem>>
    %dma_wait3A_826 = tpu.memref_squeeze %dma_wait3A_825 : memref<1x128x64xf32, #tpu.memory_space<vmem>> -> memref<128x64xf32, #tpu.memory_space<vmem>>
    %dma_wait3A_827 = arith.constant 0 : i32
    %dma_wait3A_828 = tpu.memref_slice %arg9[%add3A_820, %dma_wait3A_827] : memref<10240x64xf32, #tpu.memory_space<vmem_shared>> -> memref<128x64xf32, #tpu.memory_space<vmem_shared>>
    %dma_wait3A_829 = tpu.memref_slice %arg10[%dma_wait3A_822] : memref<5x!tpu.dma_semaphore, #tpu.memory_space<semaphore_mem>> -> memref<1x!tpu.dma_semaphore, #tpu.memory_space<semaphore_mem>>
    %dma_wait3A_830 = tpu.memref_squeeze %dma_wait3A_829 : memref<1x!tpu.dma_semaphore, #tpu.memory_space<semaphore_mem>> -> memref<!tpu.dma_semaphore, #tpu.memory_space<semaphore_mem>>
    %dma_wait3A_831 = arith.constant 0 : i32
    %dma_wait3A_832 = arith.constant 0 : i32
    %dma_wait3A_833 = tpu.memref_slice %arg8[%dma_wait3A_821, %dma_wait3A_831, %dma_wait3A_832] : memref<5x128x64xf32, #tpu.memory_space<vmem>> -> memref<1x128x64xf32, #tpu.memory_space<vmem>>
    %dma_wait3A_834 = tpu.memref_squeeze %dma_wait3A_833 : memref<1x128x64xf32, #tpu.memory_space<vmem>> -> memref<128x64xf32, #tpu.memory_space<vmem>>
    %dma_wait3A_835 = arith.constant 0 : i32
    %dma_wait3A_836 = tpu.memref_slice %arg9[%add3A_820, %dma_wait3A_835] : memref<10240x64xf32, #tpu.memory_space<vmem_shared>> -> memref<128x64xf32, #tpu.memory_space<vmem_shared>>
    tpu.wait_dma2 semaphore(%dma_wait3A_830 : memref<!tpu.dma_semaphore, #tpu.memory_space<semaphore_mem>>) src(%dma_wait3A_836 : memref<128x64xf32, #tpu.memory_space<vmem_shared>>) dst(%dma_wait3A_834 : memref<128x64xf32, #tpu.memory_space<vmem>>)
    %mul3A_837 = arith.constant 640 : i32
    %mul3A_838 = arith.muli %arg1, %mul3A_837 : i32
    %add3A_839 = arith.constant 256 : i32
    %add3A_840 = arith.addi %mul3A_838, %add3A_839 : i32
    %dma_start3A_841 = arith.constant 2 : i32
    %dma_start3A_842 = arith.constant 2 : i32
    %dma_start3A_843 = arith.constant 0 : i32
    %dma_start3A_844 = arith.constant 0 : i32
    %dma_start3A_845 = tpu.memref_slice %arg8[%dma_start3A_841, %dma_start3A_843, %dma_start3A_844] : memref<5x128x64xf32, #tpu.memory_space<vmem>> -> memref<1x128x64xf32, #tpu.memory_space<vmem>>
    %dma_start3A_846 = tpu.memref_squeeze %dma_start3A_845 : memref<1x128x64xf32, #tpu.memory_space<vmem>> -> memref<128x64xf32, #tpu.memory_space<vmem>>
    %dma_start3A_847 = arith.constant 0 : i32
    %dma_start3A_848 = arith.constant 0 : i32
    %dma_start3A_849 = tpu.memref_slice %arg5[%arg0, %dma_start3A_847, %dma_start3A_848] : memref<2x10240x64xf32, #tpu.memory_space<hbm>> -> memref<1x10240x64xf32, #tpu.memory_space<hbm>>
    %dma_start3A_850 = tpu.memref_squeeze %dma_start3A_849 : memref<1x10240x64xf32, #tpu.memory_space<hbm>> -> memref<10240x64xf32, #tpu.memory_space<hbm>>
    %dma_start3A_851 = arith.constant 0 : i32
    %dma_start3A_852 = tpu.memref_slice %dma_start3A_850[%add3A_840, %dma_start3A_851] : memref<10240x64xf32, #tpu.memory_space<hbm>> -> memref<128x64xf32, #tpu.memory_space<hbm>>
    %dma_start3A_853 = tpu.memref_slice %arg11[%dma_start3A_842] : memref<5x!tpu.dma_semaphore, #tpu.memory_space<semaphore_mem>> -> memref<1x!tpu.dma_semaphore, #tpu.memory_space<semaphore_mem>>
    %dma_start3A_854 = tpu.memref_squeeze %dma_start3A_853 : memref<1x!tpu.dma_semaphore, #tpu.memory_space<semaphore_mem>> -> memref<!tpu.dma_semaphore, #tpu.memory_space<semaphore_mem>>
    %dma_start3A_855 = arith.constant 0 : i32
    %dma_start3A_856 = arith.constant 0 : i32
    %dma_start3A_857 = tpu.memref_slice %arg5[%arg0, %dma_start3A_855, %dma_start3A_856] : memref<2x10240x64xf32, #tpu.memory_space<hbm>> -> memref<1x10240x64xf32, #tpu.memory_space<hbm>>
    %dma_start3A_858 = tpu.memref_squeeze %dma_start3A_857 : memref<1x10240x64xf32, #tpu.memory_space<hbm>> -> memref<10240x64xf32, #tpu.memory_space<hbm>>
    %dma_start3A_859 = arith.constant 0 : i32
    %dma_start3A_860 = tpu.memref_slice %dma_start3A_858[%add3A_840, %dma_start3A_859] : memref<10240x64xf32, #tpu.memory_space<hbm>> -> memref<128x64xf32, #tpu.memory_space<hbm>>
    %dma_start3A_861 = arith.constant 0 : i32
    %dma_start3A_862 = arith.constant 0 : i32
    %dma_start3A_863 = tpu.memref_slice %arg8[%dma_start3A_841, %dma_start3A_861, %dma_start3A_862] : memref<5x128x64xf32, #tpu.memory_space<vmem>> -> memref<1x128x64xf32, #tpu.memory_space<vmem>>
    %dma_start3A_864 = tpu.memref_squeeze %dma_start3A_863 : memref<1x128x64xf32, #tpu.memory_space<vmem>> -> memref<128x64xf32, #tpu.memory_space<vmem>>
    tpu.enqueue_dma source(%dma_start3A_864 : memref<128x64xf32, #tpu.memory_space<vmem>>) target(%dma_start3A_860 : memref<128x64xf32, #tpu.memory_space<hbm>>) target_semaphore(%dma_start3A_854 : memref<!tpu.dma_semaphore, #tpu.memory_space<semaphore_mem>>)
    %mul3A_865 = arith.constant 640 : i32
    %mul3A_866 = arith.muli %arg1, %mul3A_865 : i32
    %add3A_867 = arith.constant 384 : i32
    %add3A_868 = arith.addi %mul3A_866, %add3A_867 : i32
    %dma_wait3A_869 = arith.constant 3 : i32
    %dma_wait3A_870 = arith.constant 3 : i32
    %dma_wait3A_871 = arith.constant 0 : i32
    %dma_wait3A_872 = arith.constant 0 : i32
    %dma_wait3A_873 = tpu.memref_slice %arg8[%dma_wait3A_869, %dma_wait3A_871, %dma_wait3A_872] : memref<5x128x64xf32, #tpu.memory_space<vmem>> -> memref<1x128x64xf32, #tpu.memory_space<vmem>>
    %dma_wait3A_874 = tpu.memref_squeeze %dma_wait3A_873 : memref<1x128x64xf32, #tpu.memory_space<vmem>> -> memref<128x64xf32, #tpu.memory_space<vmem>>
    %dma_wait3A_875 = arith.constant 0 : i32
    %dma_wait3A_876 = tpu.memref_slice %arg9[%add3A_868, %dma_wait3A_875] : memref<10240x64xf32, #tpu.memory_space<vmem_shared>> -> memref<128x64xf32, #tpu.memory_space<vmem_shared>>
    %dma_wait3A_877 = tpu.memref_slice %arg10[%dma_wait3A_870] : memref<5x!tpu.dma_semaphore, #tpu.memory_space<semaphore_mem>> -> memref<1x!tpu.dma_semaphore, #tpu.memory_space<semaphore_mem>>
    %dma_wait3A_878 = tpu.memref_squeeze %dma_wait3A_877 : memref<1x!tpu.dma_semaphore, #tpu.memory_space<semaphore_mem>> -> memref<!tpu.dma_semaphore, #tpu.memory_space<semaphore_mem>>
    %dma_wait3A_879 = arith.constant 0 : i32
    %dma_wait3A_880 = arith.constant 0 : i32
    %dma_wait3A_881 = tpu.memref_slice %arg8[%dma_wait3A_869, %dma_wait3A_879, %dma_wait3A_880] : memref<5x128x64xf32, #tpu.memory_space<vmem>> -> memref<1x128x64xf32, #tpu.memory_space<vmem>>
    %dma_wait3A_882 = tpu.memref_squeeze %dma_wait3A_881 : memref<1x128x64xf32, #tpu.memory_space<vmem>> -> memref<128x64xf32, #tpu.memory_space<vmem>>
    %dma_wait3A_883 = arith.constant 0 : i32
    %dma_wait3A_884 = tpu.memref_slice %arg9[%add3A_868, %dma_wait3A_883] : memref<10240x64xf32, #tpu.memory_space<vmem_shared>> -> memref<128x64xf32, #tpu.memory_space<vmem_shared>>
    tpu.wait_dma2 semaphore(%dma_wait3A_878 : memref<!tpu.dma_semaphore, #tpu.memory_space<semaphore_mem>>) src(%dma_wait3A_884 : memref<128x64xf32, #tpu.memory_space<vmem_shared>>) dst(%dma_wait3A_882 : memref<128x64xf32, #tpu.memory_space<vmem>>)
    %mul3A_885 = arith.constant 640 : i32
    %mul3A_886 = arith.muli %arg1, %mul3A_885 : i32
    %add3A_887 = arith.constant 384 : i32
    %add3A_888 = arith.addi %mul3A_886, %add3A_887 : i32
    %dma_start3A_889 = arith.constant 3 : i32
    %dma_start3A_890 = arith.constant 3 : i32
    %dma_start3A_891 = arith.constant 0 : i32
    %dma_start3A_892 = arith.constant 0 : i32
    %dma_start3A_893 = tpu.memref_slice %arg8[%dma_start3A_889, %dma_start3A_891, %dma_start3A_892] : memref<5x128x64xf32, #tpu.memory_space<vmem>> -> memref<1x128x64xf32, #tpu.memory_space<vmem>>
    %dma_start3A_894 = tpu.memref_squeeze %dma_start3A_893 : memref<1x128x64xf32, #tpu.memory_space<vmem>> -> memref<128x64xf32, #tpu.memory_space<vmem>>
    %dma_start3A_895 = arith.constant 0 : i32
    %dma_start3A_896 = arith.constant 0 : i32
    %dma_start3A_897 = tpu.memref_slice %arg5[%arg0, %dma_start3A_895, %dma_start3A_896] : memref<2x10240x64xf32, #tpu.memory_space<hbm>> -> memref<1x10240x64xf32, #tpu.memory_space<hbm>>
    %dma_start3A_898 = tpu.memref_squeeze %dma_start3A_897 : memref<1x10240x64xf32, #tpu.memory_space<hbm>> -> memref<10240x64xf32, #tpu.memory_space<hbm>>
    %dma_start3A_899 = arith.constant 0 : i32
    %dma_start3A_900 = tpu.memref_slice %dma_start3A_898[%add3A_888, %dma_start3A_899] : memref<10240x64xf32, #tpu.memory_space<hbm>> -> memref<128x64xf32, #tpu.memory_space<hbm>>
    %dma_start3A_901 = tpu.memref_slice %arg11[%dma_start3A_890] : memref<5x!tpu.dma_semaphore, #tpu.memory_space<semaphore_mem>> -> memref<1x!tpu.dma_semaphore, #tpu.memory_space<semaphore_mem>>
    %dma_start3A_902 = tpu.memref_squeeze %dma_start3A_901 : memref<1x!tpu.dma_semaphore, #tpu.memory_space<semaphore_mem>> -> memref<!tpu.dma_semaphore, #tpu.memory_space<semaphore_mem>>
    %dma_start3A_903 = arith.constant 0 : i32
    %dma_start3A_904 = arith.constant 0 : i32
    %dma_start3A_905 = tpu.memref_slice %arg5[%arg0, %dma_start3A_903, %dma_start3A_904] : memref<2x10240x64xf32, #tpu.memory_space<hbm>> -> memref<1x10240x64xf32, #tpu.memory_space<hbm>>
    %dma_start3A_906 = tpu.memref_squeeze %dma_start3A_905 : memref<1x10240x64xf32, #tpu.memory_space<hbm>> -> memref<10240x64xf32, #tpu.memory_space<hbm>>
    %dma_start3A_907 = arith.constant 0 : i32
    %dma_start3A_908 = tpu.memref_slice %dma_start3A_906[%add3A_888, %dma_start3A_907] : memref<10240x64xf32, #tpu.memory_space<hbm>> -> memref<128x64xf32, #tpu.memory_space<hbm>>
    %dma_start3A_909 = arith.constant 0 : i32
    %dma_start3A_910 = arith.constant 0 : i32
    %dma_start3A_911 = tpu.memref_slice %arg8[%dma_start3A_889, %dma_start3A_909, %dma_start3A_910] : memref<5x128x64xf32, #tpu.memory_space<vmem>> -> memref<1x128x64xf32, #tpu.memory_space<vmem>>
    %dma_start3A_912 = tpu.memref_squeeze %dma_start3A_911 : memref<1x128x64xf32, #tpu.memory_space<vmem>> -> memref<128x64xf32, #tpu.memory_space<vmem>>
    tpu.enqueue_dma source(%dma_start3A_912 : memref<128x64xf32, #tpu.memory_space<vmem>>) target(%dma_start3A_908 : memref<128x64xf32, #tpu.memory_space<hbm>>) target_semaphore(%dma_start3A_902 : memref<!tpu.dma_semaphore, #tpu.memory_space<semaphore_mem>>)
    %mul3A_913 = arith.constant 640 : i32
    %mul3A_914 = arith.muli %arg1, %mul3A_913 : i32
    %add3A_915 = arith.constant 512 : i32
    %add3A_916 = arith.addi %mul3A_914, %add3A_915 : i32
    %dma_wait3A_917 = arith.constant 4 : i32
    %dma_wait3A_918 = arith.constant 4 : i32
    %dma_wait3A_919 = arith.constant 0 : i32
    %dma_wait3A_920 = arith.constant 0 : i32
    %dma_wait3A_921 = tpu.memref_slice %arg8[%dma_wait3A_917, %dma_wait3A_919, %dma_wait3A_920] : memref<5x128x64xf32, #tpu.memory_space<vmem>> -> memref<1x128x64xf32, #tpu.memory_space<vmem>>
    %dma_wait3A_922 = tpu.memref_squeeze %dma_wait3A_921 : memref<1x128x64xf32, #tpu.memory_space<vmem>> -> memref<128x64xf32, #tpu.memory_space<vmem>>
    %dma_wait3A_923 = arith.constant 0 : i32
    %dma_wait3A_924 = tpu.memref_slice %arg9[%add3A_916, %dma_wait3A_923] : memref<10240x64xf32, #tpu.memory_space<vmem_shared>> -> memref<128x64xf32, #tpu.memory_space<vmem_shared>>
    %dma_wait3A_925 = tpu.memref_slice %arg10[%dma_wait3A_918] : memref<5x!tpu.dma_semaphore, #tpu.memory_space<semaphore_mem>> -> memref<1x!tpu.dma_semaphore, #tpu.memory_space<semaphore_mem>>
    %dma_wait3A_926 = tpu.memref_squeeze %dma_wait3A_925 : memref<1x!tpu.dma_semaphore, #tpu.memory_space<semaphore_mem>> -> memref<!tpu.dma_semaphore, #tpu.memory_space<semaphore_mem>>
    %dma_wait3A_927 = arith.constant 0 : i32
    %dma_wait3A_928 = arith.constant 0 : i32
    %dma_wait3A_929 = tpu.memref_slice %arg8[%dma_wait3A_917, %dma_wait3A_927, %dma_wait3A_928] : memref<5x128x64xf32, #tpu.memory_space<vmem>> -> memref<1x128x64xf32, #tpu.memory_space<vmem>>
    %dma_wait3A_930 = tpu.memref_squeeze %dma_wait3A_929 : memref<1x128x64xf32, #tpu.memory_space<vmem>> -> memref<128x64xf32, #tpu.memory_space<vmem>>
    %dma_wait3A_931 = arith.constant 0 : i32
    %dma_wait3A_932 = tpu.memref_slice %arg9[%add3A_916, %dma_wait3A_931] : memref<10240x64xf32, #tpu.memory_space<vmem_shared>> -> memref<128x64xf32, #tpu.memory_space<vmem_shared>>
    tpu.wait_dma2 semaphore(%dma_wait3A_926 : memref<!tpu.dma_semaphore, #tpu.memory_space<semaphore_mem>>) src(%dma_wait3A_932 : memref<128x64xf32, #tpu.memory_space<vmem_shared>>) dst(%dma_wait3A_930 : memref<128x64xf32, #tpu.memory_space<vmem>>)
    %mul3A_933 = arith.constant 640 : i32
    %mul3A_934 = arith.muli %arg1, %mul3A_933 : i32
    %add3A_935 = arith.constant 512 : i32
    %add3A_936 = arith.addi %mul3A_934, %add3A_935 : i32
    %dma_start3A_937 = arith.constant 4 : i32
    %dma_start3A_938 = arith.constant 4 : i32
    %dma_start3A_939 = arith.constant 0 : i32
    %dma_start3A_940 = arith.constant 0 : i32
    %dma_start3A_941 = tpu.memref_slice %arg8[%dma_start3A_937, %dma_start3A_939, %dma_start3A_940] : memref<5x128x64xf32, #tpu.memory_space<vmem>> -> memref<1x128x64xf32, #tpu.memory_space<vmem>>
    %dma_start3A_942 = tpu.memref_squeeze %dma_start3A_941 : memref<1x128x64xf32, #tpu.memory_space<vmem>> -> memref<128x64xf32, #tpu.memory_space<vmem>>
    %dma_start3A_943 = arith.constant 0 : i32
    %dma_start3A_944 = arith.constant 0 : i32
    %dma_start3A_945 = tpu.memref_slice %arg5[%arg0, %dma_start3A_943, %dma_start3A_944] : memref<2x10240x64xf32, #tpu.memory_space<hbm>> -> memref<1x10240x64xf32, #tpu.memory_space<hbm>>
    %dma_start3A_946 = tpu.memref_squeeze %dma_start3A_945 : memref<1x10240x64xf32, #tpu.memory_space<hbm>> -> memref<10240x64xf32, #tpu.memory_space<hbm>>
    %dma_start3A_947 = arith.constant 0 : i32
    %dma_start3A_948 = tpu.memref_slice %dma_start3A_946[%add3A_936, %dma_start3A_947] : memref<10240x64xf32, #tpu.memory_space<hbm>> -> memref<128x64xf32, #tpu.memory_space<hbm>>
    %dma_start3A_949 = tpu.memref_slice %arg11[%dma_start3A_938] : memref<5x!tpu.dma_semaphore, #tpu.memory_space<semaphore_mem>> -> memref<1x!tpu.dma_semaphore, #tpu.memory_space<semaphore_mem>>
    %dma_start3A_950 = tpu.memref_squeeze %dma_start3A_949 : memref<1x!tpu.dma_semaphore, #tpu.memory_space<semaphore_mem>> -> memref<!tpu.dma_semaphore, #tpu.memory_space<semaphore_mem>>
    %dma_start3A_951 = arith.constant 0 : i32
    %dma_start3A_952 = arith.constant 0 : i32
    %dma_start3A_953 = tpu.memref_slice %arg5[%arg0, %dma_start3A_951, %dma_start3A_952] : memref<2x10240x64xf32, #tpu.memory_space<hbm>> -> memref<1x10240x64xf32, #tpu.memory_space<hbm>>
    %dma_start3A_954 = tpu.memref_squeeze %dma_start3A_953 : memref<1x10240x64xf32, #tpu.memory_space<hbm>> -> memref<10240x64xf32, #tpu.memory_space<hbm>>
    %dma_start3A_955 = arith.constant 0 : i32
    %dma_start3A_956 = tpu.memref_slice %dma_start3A_954[%add3A_936, %dma_start3A_955] : memref<10240x64xf32, #tpu.memory_space<hbm>> -> memref<128x64xf32, #tpu.memory_space<hbm>>
    %dma_start3A_957 = arith.constant 0 : i32
    %dma_start3A_958 = arith.constant 0 : i32
    %dma_start3A_959 = tpu.memref_slice %arg8[%dma_start3A_937, %dma_start3A_957, %dma_start3A_958] : memref<5x128x64xf32, #tpu.memory_space<vmem>> -> memref<1x128x64xf32, #tpu.memory_space<vmem>>
    %dma_start3A_960 = tpu.memref_squeeze %dma_start3A_959 : memref<1x128x64xf32, #tpu.memory_space<vmem>> -> memref<128x64xf32, #tpu.memory_space<vmem>>
    tpu.enqueue_dma source(%dma_start3A_960 : memref<128x64xf32, #tpu.memory_space<vmem>>) target(%dma_start3A_956 : memref<128x64xf32, #tpu.memory_space<hbm>>) target_semaphore(%dma_start3A_950 : memref<!tpu.dma_semaphore, #tpu.memory_space<semaphore_mem>>)
    %mul3A_961 = arith.constant 640 : i32
    %mul3A_962 = arith.muli %arg1, %mul3A_961 : i32
    %add3A_963 = arith.constant 0 : i32
    %add3A_964 = arith.addi %mul3A_962, %add3A_963 : i32
    %dma_wait3A_965 = arith.constant 0 : i32
    %dma_wait3A_966 = arith.constant 0 : i32
    %dma_wait3A_967 = arith.constant 0 : i32
    %dma_wait3A_968 = arith.constant 0 : i32
    %dma_wait3A_969 = tpu.memref_slice %arg8[%dma_wait3A_965, %dma_wait3A_967, %dma_wait3A_968] : memref<5x128x64xf32, #tpu.memory_space<vmem>> -> memref<1x128x64xf32, #tpu.memory_space<vmem>>
    %dma_wait3A_970 = tpu.memref_squeeze %dma_wait3A_969 : memref<1x128x64xf32, #tpu.memory_space<vmem>> -> memref<128x64xf32, #tpu.memory_space<vmem>>
    %dma_wait3A_971 = arith.constant 0 : i32
    %dma_wait3A_972 = arith.constant 0 : i32
    %dma_wait3A_973 = tpu.memref_slice %arg5[%arg0, %dma_wait3A_971, %dma_wait3A_972] : memref<2x10240x64xf32, #tpu.memory_space<hbm>> -> memref<1x10240x64xf32, #tpu.memory_space<hbm>>
    %dma_wait3A_974 = tpu.memref_squeeze %dma_wait3A_973 : memref<1x10240x64xf32, #tpu.memory_space<hbm>> -> memref<10240x64xf32, #tpu.memory_space<hbm>>
    %dma_wait3A_975 = arith.constant 0 : i32
    %dma_wait3A_976 = tpu.memref_slice %dma_wait3A_974[%add3A_964, %dma_wait3A_975] : memref<10240x64xf32, #tpu.memory_space<hbm>> -> memref<128x64xf32, #tpu.memory_space<hbm>>
    %dma_wait3A_977 = tpu.memref_slice %arg11[%dma_wait3A_966] : memref<5x!tpu.dma_semaphore, #tpu.memory_space<semaphore_mem>> -> memref<1x!tpu.dma_semaphore, #tpu.memory_space<semaphore_mem>>
    %dma_wait3A_978 = tpu.memref_squeeze %dma_wait3A_977 : memref<1x!tpu.dma_semaphore, #tpu.memory_space<semaphore_mem>> -> memref<!tpu.dma_semaphore, #tpu.memory_space<semaphore_mem>>
    %dma_wait3A_979 = arith.constant 0 : i32
    %dma_wait3A_980 = arith.constant 0 : i32
    %dma_wait3A_981 = tpu.memref_slice %arg5[%arg0, %dma_wait3A_979, %dma_wait3A_980] : memref<2x10240x64xf32, #tpu.memory_space<hbm>> -> memref<1x10240x64xf32, #tpu.memory_space<hbm>>
    %dma_wait3A_982 = tpu.memref_squeeze %dma_wait3A_981 : memref<1x10240x64xf32, #tpu.memory_space<hbm>> -> memref<10240x64xf32, #tpu.memory_space<hbm>>
    %dma_wait3A_983 = arith.constant 0 : i32
    %dma_wait3A_984 = tpu.memref_slice %dma_wait3A_982[%add3A_964, %dma_wait3A_983] : memref<10240x64xf32, #tpu.memory_space<hbm>> -> memref<128x64xf32, #tpu.memory_space<hbm>>
    %dma_wait3A_985 = arith.constant 0 : i32
    %dma_wait3A_986 = arith.constant 0 : i32
    %dma_wait3A_987 = tpu.memref_slice %arg8[%dma_wait3A_965, %dma_wait3A_985, %dma_wait3A_986] : memref<5x128x64xf32, #tpu.memory_space<vmem>> -> memref<1x128x64xf32, #tpu.memory_space<vmem>>
    %dma_wait3A_988 = tpu.memref_squeeze %dma_wait3A_987 : memref<1x128x64xf32, #tpu.memory_space<vmem>> -> memref<128x64xf32, #tpu.memory_space<vmem>>
    tpu.wait_dma2 semaphore(%dma_wait3A_978 : memref<!tpu.dma_semaphore, #tpu.memory_space<semaphore_mem>>) src(%dma_wait3A_988 : memref<128x64xf32, #tpu.memory_space<vmem>>) dst(%dma_wait3A_984 : memref<128x64xf32, #tpu.memory_space<hbm>>)
    %mul3A_989 = arith.constant 640 : i32
    %mul3A_990 = arith.muli %arg1, %mul3A_989 : i32
    %add3A_991 = arith.constant 128 : i32
    %add3A_992 = arith.addi %mul3A_990, %add3A_991 : i32
    %dma_wait3A_993 = arith.constant 1 : i32
    %dma_wait3A_994 = arith.constant 1 : i32
    %dma_wait3A_995 = arith.constant 0 : i32
    %dma_wait3A_996 = arith.constant 0 : i32
    %dma_wait3A_997 = tpu.memref_slice %arg8[%dma_wait3A_993, %dma_wait3A_995, %dma_wait3A_996] : memref<5x128x64xf32, #tpu.memory_space<vmem>> -> memref<1x128x64xf32, #tpu.memory_space<vmem>>
    %dma_wait3A_998 = tpu.memref_squeeze %dma_wait3A_997 : memref<1x128x64xf32, #tpu.memory_space<vmem>> -> memref<128x64xf32, #tpu.memory_space<vmem>>
    %dma_wait3A_999 = arith.constant 0 : i32
    %dma_wait3A_1000 = arith.constant 0 : i32
    %dma_wait3A_1001 = tpu.memref_slice %arg5[%arg0, %dma_wait3A_999, %dma_wait3A_1000] : memref<2x10240x64xf32, #tpu.memory_space<hbm>> -> memref<1x10240x64xf32, #tpu.memory_space<hbm>>
    %dma_wait3A_1002 = tpu.memref_squeeze %dma_wait3A_1001 : memref<1x10240x64xf32, #tpu.memory_space<hbm>> -> memref<10240x64xf32, #tpu.memory_space<hbm>>
    %dma_wait3A_1003 = arith.constant 0 : i32
    %dma_wait3A_1004 = tpu.memref_slice %dma_wait3A_1002[%add3A_992, %dma_wait3A_1003] : memref<10240x64xf32, #tpu.memory_space<hbm>> -> memref<128x64xf32, #tpu.memory_space<hbm>>
    %dma_wait3A_1005 = tpu.memref_slice %arg11[%dma_wait3A_994] : memref<5x!tpu.dma_semaphore, #tpu.memory_space<semaphore_mem>> -> memref<1x!tpu.dma_semaphore, #tpu.memory_space<semaphore_mem>>
    %dma_wait3A_1006 = tpu.memref_squeeze %dma_wait3A_1005 : memref<1x!tpu.dma_semaphore, #tpu.memory_space<semaphore_mem>> -> memref<!tpu.dma_semaphore, #tpu.memory_space<semaphore_mem>>
    %dma_wait3A_1007 = arith.constant 0 : i32
    %dma_wait3A_1008 = arith.constant 0 : i32
    %dma_wait3A_1009 = tpu.memref_slice %arg5[%arg0, %dma_wait3A_1007, %dma_wait3A_1008] : memref<2x10240x64xf32, #tpu.memory_space<hbm>> -> memref<1x10240x64xf32, #tpu.memory_space<hbm>>
    %dma_wait3A_1010 = tpu.memref_squeeze %dma_wait3A_1009 : memref<1x10240x64xf32, #tpu.memory_space<hbm>> -> memref<10240x64xf32, #tpu.memory_space<hbm>>
    %dma_wait3A_1011 = arith.constant 0 : i32
    %dma_wait3A_1012 = tpu.memref_slice %dma_wait3A_1010[%add3A_992, %dma_wait3A_1011] : memref<10240x64xf32, #tpu.memory_space<hbm>> -> memref<128x64xf32, #tpu.memory_space<hbm>>
    %dma_wait3A_1013 = arith.constant 0 : i32
    %dma_wait3A_1014 = arith.constant 0 : i32
    %dma_wait3A_1015 = tpu.memref_slice %arg8[%dma_wait3A_993, %dma_wait3A_1013, %dma_wait3A_1014] : memref<5x128x64xf32, #tpu.memory_space<vmem>> -> memref<1x128x64xf32, #tpu.memory_space<vmem>>
    %dma_wait3A_1016 = tpu.memref_squeeze %dma_wait3A_1015 : memref<1x128x64xf32, #tpu.memory_space<vmem>> -> memref<128x64xf32, #tpu.memory_space<vmem>>
    tpu.wait_dma2 semaphore(%dma_wait3A_1006 : memref<!tpu.dma_semaphore, #tpu.memory_space<semaphore_mem>>) src(%dma_wait3A_1016 : memref<128x64xf32, #tpu.memory_space<vmem>>) dst(%dma_wait3A_1012 : memref<128x64xf32, #tpu.memory_space<hbm>>)
    %mul3A_1017 = arith.constant 640 : i32
    %mul3A_1018 = arith.muli %arg1, %mul3A_1017 : i32
    %add3A_1019 = arith.constant 256 : i32
    %add3A_1020 = arith.addi %mul3A_1018, %add3A_1019 : i32
    %dma_wait3A_1021 = arith.constant 2 : i32
    %dma_wait3A_1022 = arith.constant 2 : i32
    %dma_wait3A_1023 = arith.constant 0 : i32
    %dma_wait3A_1024 = arith.constant 0 : i32
    %dma_wait3A_1025 = tpu.memref_slice %arg8[%dma_wait3A_1021, %dma_wait3A_1023, %dma_wait3A_1024] : memref<5x128x64xf32, #tpu.memory_space<vmem>> -> memref<1x128x64xf32, #tpu.memory_space<vmem>>
    %dma_wait3A_1026 = tpu.memref_squeeze %dma_wait3A_1025 : memref<1x128x64xf32, #tpu.memory_space<vmem>> -> memref<128x64xf32, #tpu.memory_space<vmem>>
    %dma_wait3A_1027 = arith.constant 0 : i32
    %dma_wait3A_1028 = arith.constant 0 : i32
    %dma_wait3A_1029 = tpu.memref_slice %arg5[%arg0, %dma_wait3A_1027, %dma_wait3A_1028] : memref<2x10240x64xf32, #tpu.memory_space<hbm>> -> memref<1x10240x64xf32, #tpu.memory_space<hbm>>
    %dma_wait3A_1030 = tpu.memref_squeeze %dma_wait3A_1029 : memref<1x10240x64xf32, #tpu.memory_space<hbm>> -> memref<10240x64xf32, #tpu.memory_space<hbm>>
    %dma_wait3A_1031 = arith.constant 0 : i32
    %dma_wait3A_1032 = tpu.memref_slice %dma_wait3A_1030[%add3A_1020, %dma_wait3A_1031] : memref<10240x64xf32, #tpu.memory_space<hbm>> -> memref<128x64xf32, #tpu.memory_space<hbm>>
    %dma_wait3A_1033 = tpu.memref_slice %arg11[%dma_wait3A_1022] : memref<5x!tpu.dma_semaphore, #tpu.memory_space<semaphore_mem>> -> memref<1x!tpu.dma_semaphore, #tpu.memory_space<semaphore_mem>>
    %dma_wait3A_1034 = tpu.memref_squeeze %dma_wait3A_1033 : memref<1x!tpu.dma_semaphore, #tpu.memory_space<semaphore_mem>> -> memref<!tpu.dma_semaphore, #tpu.memory_space<semaphore_mem>>
    %dma_wait3A_1035 = arith.constant 0 : i32
    %dma_wait3A_1036 = arith.constant 0 : i32
    %dma_wait3A_1037 = tpu.memref_slice %arg5[%arg0, %dma_wait3A_1035, %dma_wait3A_1036] : memref<2x10240x64xf32, #tpu.memory_space<hbm>> -> memref<1x10240x64xf32, #tpu.memory_space<hbm>>
    %dma_wait3A_1038 = tpu.memref_squeeze %dma_wait3A_1037 : memref<1x10240x64xf32, #tpu.memory_space<hbm>> -> memref<10240x64xf32, #tpu.memory_space<hbm>>
    %dma_wait3A_1039 = arith.constant 0 : i32
    %dma_wait3A_1040 = tpu.memref_slice %dma_wait3A_1038[%add3A_1020, %dma_wait3A_1039] : memref<10240x64xf32, #tpu.memory_space<hbm>> -> memref<128x64xf32, #tpu.memory_space<hbm>>
    %dma_wait3A_1041 = arith.constant 0 : i32
    %dma_wait3A_1042 = arith.constant 0 : i32
    %dma_wait3A_1043 = tpu.memref_slice %arg8[%dma_wait3A_1021, %dma_wait3A_1041, %dma_wait3A_1042] : memref<5x128x64xf32, #tpu.memory_space<vmem>> -> memref<1x128x64xf32, #tpu.memory_space<vmem>>
    %dma_wait3A_1044 = tpu.memref_squeeze %dma_wait3A_1043 : memref<1x128x64xf32, #tpu.memory_space<vmem>> -> memref<128x64xf32, #tpu.memory_space<vmem>>
    tpu.wait_dma2 semaphore(%dma_wait3A_1034 : memref<!tpu.dma_semaphore, #tpu.memory_space<semaphore_mem>>) src(%dma_wait3A_1044 : memref<128x64xf32, #tpu.memory_space<vmem>>) dst(%dma_wait3A_1040 : memref<128x64xf32, #tpu.memory_space<hbm>>)
    %mul3A_1045 = arith.constant 640 : i32
    %mul3A_1046 = arith.muli %arg1, %mul3A_1045 : i32
    %add3A_1047 = arith.constant 384 : i32
    %add3A_1048 = arith.addi %mul3A_1046, %add3A_1047 : i32
    %dma_wait3A_1049 = arith.constant 3 : i32
    %dma_wait3A_1050 = arith.constant 3 : i32
    %dma_wait3A_1051 = arith.constant 0 : i32
    %dma_wait3A_1052 = arith.constant 0 : i32
    %dma_wait3A_1053 = tpu.memref_slice %arg8[%dma_wait3A_1049, %dma_wait3A_1051, %dma_wait3A_1052] : memref<5x128x64xf32, #tpu.memory_space<vmem>> -> memref<1x128x64xf32, #tpu.memory_space<vmem>>
    %dma_wait3A_1054 = tpu.memref_squeeze %dma_wait3A_1053 : memref<1x128x64xf32, #tpu.memory_space<vmem>> -> memref<128x64xf32, #tpu.memory_space<vmem>>
    %dma_wait3A_1055 = arith.constant 0 : i32
    %dma_wait3A_1056 = arith.constant 0 : i32
    %dma_wait3A_1057 = tpu.memref_slice %arg5[%arg0, %dma_wait3A_1055, %dma_wait3A_1056] : memref<2x10240x64xf32, #tpu.memory_space<hbm>> -> memref<1x10240x64xf32, #tpu.memory_space<hbm>>
    %dma_wait3A_1058 = tpu.memref_squeeze %dma_wait3A_1057 : memref<1x10240x64xf32, #tpu.memory_space<hbm>> -> memref<10240x64xf32, #tpu.memory_space<hbm>>
    %dma_wait3A_1059 = arith.constant 0 : i32
    %dma_wait3A_1060 = tpu.memref_slice %dma_wait3A_1058[%add3A_1048, %dma_wait3A_1059] : memref<10240x64xf32, #tpu.memory_space<hbm>> -> memref<128x64xf32, #tpu.memory_space<hbm>>
    %dma_wait3A_1061 = tpu.memref_slice %arg11[%dma_wait3A_1050] : memref<5x!tpu.dma_semaphore, #tpu.memory_space<semaphore_mem>> -> memref<1x!tpu.dma_semaphore, #tpu.memory_space<semaphore_mem>>
    %dma_wait3A_1062 = tpu.memref_squeeze %dma_wait3A_1061 : memref<1x!tpu.dma_semaphore, #tpu.memory_space<semaphore_mem>> -> memref<!tpu.dma_semaphore, #tpu.memory_space<semaphore_mem>>
    %dma_wait3A_1063 = arith.constant 0 : i32
    %dma_wait3A_1064 = arith.constant 0 : i32
    %dma_wait3A_1065 = tpu.memref_slice %arg5[%arg0, %dma_wait3A_1063, %dma_wait3A_1064] : memref<2x10240x64xf32, #tpu.memory_space<hbm>> -> memref<1x10240x64xf32, #tpu.memory_space<hbm>>
    %dma_wait3A_1066 = tpu.memref_squeeze %dma_wait3A_1065 : memref<1x10240x64xf32, #tpu.memory_space<hbm>> -> memref<10240x64xf32, #tpu.memory_space<hbm>>
    %dma_wait3A_1067 = arith.constant 0 : i32
    %dma_wait3A_1068 = tpu.memref_slice %dma_wait3A_1066[%add3A_1048, %dma_wait3A_1067] : memref<10240x64xf32, #tpu.memory_space<hbm>> -> memref<128x64xf32, #tpu.memory_space<hbm>>
    %dma_wait3A_1069 = arith.constant 0 : i32
    %dma_wait3A_1070 = arith.constant 0 : i32
    %dma_wait3A_1071 = tpu.memref_slice %arg8[%dma_wait3A_1049, %dma_wait3A_1069, %dma_wait3A_1070] : memref<5x128x64xf32, #tpu.memory_space<vmem>> -> memref<1x128x64xf32, #tpu.memory_space<vmem>>
    %dma_wait3A_1072 = tpu.memref_squeeze %dma_wait3A_1071 : memref<1x128x64xf32, #tpu.memory_space<vmem>> -> memref<128x64xf32, #tpu.memory_space<vmem>>
    tpu.wait_dma2 semaphore(%dma_wait3A_1062 : memref<!tpu.dma_semaphore, #tpu.memory_space<semaphore_mem>>) src(%dma_wait3A_1072 : memref<128x64xf32, #tpu.memory_space<vmem>>) dst(%dma_wait3A_1068 : memref<128x64xf32, #tpu.memory_space<hbm>>)
    %mul3A_1073 = arith.constant 640 : i32
    %mul3A_1074 = arith.muli %arg1, %mul3A_1073 : i32
    %add3A_1075 = arith.constant 512 : i32
    %add3A_1076 = arith.addi %mul3A_1074, %add3A_1075 : i32
    %dma_wait3A_1077 = arith.constant 4 : i32
    %dma_wait3A_1078 = arith.constant 4 : i32
    %dma_wait3A_1079 = arith.constant 0 : i32
    %dma_wait3A_1080 = arith.constant 0 : i32
    %dma_wait3A_1081 = tpu.memref_slice %arg8[%dma_wait3A_1077, %dma_wait3A_1079, %dma_wait3A_1080] : memref<5x128x64xf32, #tpu.memory_space<vmem>> -> memref<1x128x64xf32, #tpu.memory_space<vmem>>
    %dma_wait3A_1082 = tpu.memref_squeeze %dma_wait3A_1081 : memref<1x128x64xf32, #tpu.memory_space<vmem>> -> memref<128x64xf32, #tpu.memory_space<vmem>>
    %dma_wait3A_1083 = arith.constant 0 : i32
    %dma_wait3A_1084 = arith.constant 0 : i32
    %dma_wait3A_1085 = tpu.memref_slice %arg5[%arg0, %dma_wait3A_1083, %dma_wait3A_1084] : memref<2x10240x64xf32, #tpu.memory_space<hbm>> -> memref<1x10240x64xf32, #tpu.memory_space<hbm>>
    %dma_wait3A_1086 = tpu.memref_squeeze %dma_wait3A_1085 : memref<1x10240x64xf32, #tpu.memory_space<hbm>> -> memref<10240x64xf32, #tpu.memory_space<hbm>>
    %dma_wait3A_1087 = arith.constant 0 : i32
    %dma_wait3A_1088 = tpu.memref_slice %dma_wait3A_1086[%add3A_1076, %dma_wait3A_1087] : memref<10240x64xf32, #tpu.memory_space<hbm>> -> memref<128x64xf32, #tpu.memory_space<hbm>>
    %dma_wait3A_1089 = tpu.memref_slice %arg11[%dma_wait3A_1078] : memref<5x!tpu.dma_semaphore, #tpu.memory_space<semaphore_mem>> -> memref<1x!tpu.dma_semaphore, #tpu.memory_space<semaphore_mem>>
    %dma_wait3A_1090 = tpu.memref_squeeze %dma_wait3A_1089 : memref<1x!tpu.dma_semaphore, #tpu.memory_space<semaphore_mem>> -> memref<!tpu.dma_semaphore, #tpu.memory_space<semaphore_mem>>
    %dma_wait3A_1091 = arith.constant 0 : i32
    %dma_wait3A_1092 = arith.constant 0 : i32
    %dma_wait3A_1093 = tpu.memref_slice %arg5[%arg0, %dma_wait3A_1091, %dma_wait3A_1092] : memref<2x10240x64xf32, #tpu.memory_space<hbm>> -> memref<1x10240x64xf32, #tpu.memory_space<hbm>>
    %dma_wait3A_1094 = tpu.memref_squeeze %dma_wait3A_1093 : memref<1x10240x64xf32, #tpu.memory_space<hbm>> -> memref<10240x64xf32, #tpu.memory_space<hbm>>
    %dma_wait3A_1095 = arith.constant 0 : i32
    %dma_wait3A_1096 = tpu.memref_slice %dma_wait3A_1094[%add3A_1076, %dma_wait3A_1095] : memref<10240x64xf32, #tpu.memory_space<hbm>> -> memref<128x64xf32, #tpu.memory_space<hbm>>
    %dma_wait3A_1097 = arith.constant 0 : i32
    %dma_wait3A_1098 = arith.constant 0 : i32
    %dma_wait3A_1099 = tpu.memref_slice %arg8[%dma_wait3A_1077, %dma_wait3A_1097, %dma_wait3A_1098] : memref<5x128x64xf32, #tpu.memory_space<vmem>> -> memref<1x128x64xf32, #tpu.memory_space<vmem>>
    %dma_wait3A_1100 = tpu.memref_squeeze %dma_wait3A_1099 : memref<1x128x64xf32, #tpu.memory_space<vmem>> -> memref<128x64xf32, #tpu.memory_space<vmem>>
    tpu.wait_dma2 semaphore(%dma_wait3A_1090 : memref<!tpu.dma_semaphore, #tpu.memory_space<semaphore_mem>>) src(%dma_wait3A_1100 : memref<128x64xf32, #tpu.memory_space<vmem>>) dst(%dma_wait3A_1096 : memref<128x64xf32, #tpu.memory_space<hbm>>)
    return
  }
}

#map = affine_map<(d0, d1) -> (0, 0, 0)>
#map1 = affine_map<(d0, d1) -> (0)>
module attributes {stable_mosaic.version = 14 : i64} {
  func.func @_deg_body(%arg0: i32, %arg1: i32, %arg2: memref<32x125x80xi32, #tpu.memory_space<hbm>>, %arg3: memref<80xf32, #tpu.memory_space<hbm>>, %arg4: memref<640xf32, #tpu.memory_space<hbm>>, %arg5: memref<20480xf32, #tpu.memory_space<hbm>>, %arg6: memref<125x80xi32, #tpu.memory_space<vmem>>, %arg7: memref<80xf32, #tpu.memory_space<vmem>>, %arg8: memref<640xf32, #tpu.memory_space<vmem>>, %arg9: memref<10240xf32, #tpu.memory_space<vmem_shared>>, %arg10: memref<5x!tpu.dma_semaphore, #tpu.memory_space<semaphore_mem>>) attributes {dimension_semantics = [#tpu.dimension_semantics<core_parallel>, #tpu.dimension_semantics<subcore_parallel>], iteration_bounds = array<i64: 2, 16>, scalar_prefetch = 0 : i64, scratch_operands = 5 : i64, tpu.core_type = #tpu.core_type<sc_vector_subcore>, window_params = [{transform_indices = #map}, {transform_indices = #map1}, {transform_indices = #map1}, {transform_indices = #map1}]} {
    %mul3A = arith.constant 16 : i32
    %mul3A_0 = arith.muli %arg0, %mul3A : i32
    %add3A = arith.addi %mul3A_0, %arg1 : i32
    "tpu.region"() ({
      %run_scoped3A = tpu.sem_alloc : memref<!tpu.dma_semaphore, #tpu.memory_space<semaphore_mem>>
      tpu.enqueue_dma source(%arg3 : memref<80xf32, #tpu.memory_space<hbm>>) target(%arg7 : memref<80xf32, #tpu.memory_space<vmem>>) target_semaphore(%run_scoped3A : memref<!tpu.dma_semaphore, #tpu.memory_space<semaphore_mem>>)
      tpu.wait_dma2 semaphore(%run_scoped3A : memref<!tpu.dma_semaphore, #tpu.memory_space<semaphore_mem>>) src(%arg3 : memref<80xf32, #tpu.memory_space<hbm>>) dst(%arg7 : memref<80xf32, #tpu.memory_space<vmem>>)
      tpu.yield
    }) : () -> ()
    "tpu.region"() ({
      %run_scoped3A = tpu.sem_alloc : memref<!tpu.dma_semaphore, #tpu.memory_space<semaphore_mem>>
      tpu.enqueue_dma source(%arg4 : memref<640xf32, #tpu.memory_space<hbm>>) target(%arg8 : memref<640xf32, #tpu.memory_space<vmem>>) target_semaphore(%run_scoped3A : memref<!tpu.dma_semaphore, #tpu.memory_space<semaphore_mem>>)
      tpu.wait_dma2 semaphore(%run_scoped3A : memref<!tpu.dma_semaphore, #tpu.memory_space<semaphore_mem>>) src(%arg4 : memref<640xf32, #tpu.memory_space<hbm>>) dst(%arg8 : memref<640xf32, #tpu.memory_space<vmem>>)
      tpu.yield
    }) : () -> ()
    "tpu.region"() ({
      %run_scoped3A = tpu.sem_alloc : memref<!tpu.dma_semaphore, #tpu.memory_space<semaphore_mem>>
      %dma_start3A_60 = arith.constant 0 : i32
      %dma_start3A_61 = arith.constant 0 : i32
      %dma_start3A_62 = tpu.memref_slice %arg2[%add3A, %dma_start3A_60, %dma_start3A_61] : memref<32x125x80xi32, #tpu.memory_space<hbm>> -> memref<1x125x80xi32, #tpu.memory_space<hbm>>
      %dma_start3A_63 = tpu.memref_squeeze %dma_start3A_62 : memref<1x125x80xi32, #tpu.memory_space<hbm>> -> memref<125x80xi32, #tpu.memory_space<hbm>>
      %dma_start3A_64 = arith.constant 0 : i32
      %dma_start3A_65 = arith.constant 0 : i32
      %dma_start3A_66 = tpu.memref_slice %arg2[%add3A, %dma_start3A_64, %dma_start3A_65] : memref<32x125x80xi32, #tpu.memory_space<hbm>> -> memref<1x125x80xi32, #tpu.memory_space<hbm>>
      %dma_start3A_67 = tpu.memref_squeeze %dma_start3A_66 : memref<1x125x80xi32, #tpu.memory_space<hbm>> -> memref<125x80xi32, #tpu.memory_space<hbm>>
      tpu.enqueue_dma source(%dma_start3A_67 : memref<125x80xi32, #tpu.memory_space<hbm>>) target(%arg6 : memref<125x80xi32, #tpu.memory_space<vmem>>) target_semaphore(%run_scoped3A : memref<!tpu.dma_semaphore, #tpu.memory_space<semaphore_mem>>)
      %dma_wait3A = arith.constant 0 : i32
      %dma_wait3A_68 = arith.constant 0 : i32
      %dma_wait3A_69 = tpu.memref_slice %arg2[%add3A, %dma_wait3A, %dma_wait3A_68] : memref<32x125x80xi32, #tpu.memory_space<hbm>> -> memref<1x125x80xi32, #tpu.memory_space<hbm>>
      %dma_wait3A_70 = tpu.memref_squeeze %dma_wait3A_69 : memref<1x125x80xi32, #tpu.memory_space<hbm>> -> memref<125x80xi32, #tpu.memory_space<hbm>>
      %dma_wait3A_71 = arith.constant 0 : i32
      %dma_wait3A_72 = arith.constant 0 : i32
      %dma_wait3A_73 = tpu.memref_slice %arg2[%add3A, %dma_wait3A_71, %dma_wait3A_72] : memref<32x125x80xi32, #tpu.memory_space<hbm>> -> memref<1x125x80xi32, #tpu.memory_space<hbm>>
      %dma_wait3A_74 = tpu.memref_squeeze %dma_wait3A_73 : memref<1x125x80xi32, #tpu.memory_space<hbm>> -> memref<125x80xi32, #tpu.memory_space<hbm>>
      tpu.wait_dma2 semaphore(%run_scoped3A : memref<!tpu.dma_semaphore, #tpu.memory_space<semaphore_mem>>) src(%dma_wait3A_74 : memref<125x80xi32, #tpu.memory_space<hbm>>) dst(%arg6 : memref<125x80xi32, #tpu.memory_space<vmem>>)
      tpu.yield
    }) : () -> ()
    %mul3A_1 = arith.constant 640 : i32
    %mul3A_2 = arith.muli %arg1, %mul3A_1 : i32
    "tpu.region"() ({
      %run_scoped3A = tpu.sem_alloc : memref<!tpu.dma_semaphore, #tpu.memory_space<semaphore_mem>>
      %dma_start3A_60 = tpu.memref_slice %arg9[%mul3A_2] : memref<10240xf32, #tpu.memory_space<vmem_shared>> -> memref<640xf32, #tpu.memory_space<vmem_shared>>
      %dma_start3A_61 = tpu.memref_slice %arg9[%mul3A_2] : memref<10240xf32, #tpu.memory_space<vmem_shared>> -> memref<640xf32, #tpu.memory_space<vmem_shared>>
      tpu.enqueue_dma source(%arg8 : memref<640xf32, #tpu.memory_space<vmem>>) target(%dma_start3A_61 : memref<640xf32, #tpu.memory_space<vmem_shared>>) target_semaphore(%run_scoped3A : memref<!tpu.dma_semaphore, #tpu.memory_space<semaphore_mem>>)
      %dma_wait3A = tpu.memref_slice %arg9[%mul3A_2] : memref<10240xf32, #tpu.memory_space<vmem_shared>> -> memref<640xf32, #tpu.memory_space<vmem_shared>>
      %dma_wait3A_62 = tpu.memref_slice %arg9[%mul3A_2] : memref<10240xf32, #tpu.memory_space<vmem_shared>> -> memref<640xf32, #tpu.memory_space<vmem_shared>>
      tpu.wait_dma2 semaphore(%run_scoped3A : memref<!tpu.dma_semaphore, #tpu.memory_space<semaphore_mem>>) src(%arg8 : memref<640xf32, #tpu.memory_space<vmem>>) dst(%dma_wait3A_62 : memref<640xf32, #tpu.memory_space<vmem_shared>>)
      tpu.yield
    }) : () -> ()
    %barrier3A = arith.constant 0 : index
    tpu.barrier barrier_id(%barrier3A)
    %dma_start3A = arith.constant 0 : i32
    %dma_start3A_3 = arith.constant 0 : i32
    %dma_start3A_4 = arith.constant 0 : i32
    %dma_start3A_5 = tpu.memref_slice %arg6[%dma_start3A, %dma_start3A_4] : memref<125x80xi32, #tpu.memory_space<vmem>> -> memref<1x80xi32, #tpu.memory_space<vmem>>
    %dma_start3A_6 = tpu.memref_squeeze %dma_start3A_5 : memref<1x80xi32, #tpu.memory_space<vmem>> -> memref<80xi32, #tpu.memory_space<vmem>>
    %dma_start3A_7 = arith.constant 0 : i32
    %dma_start3A_8 = tpu.memref_slice %arg9[%dma_start3A_7] : memref<10240xf32, #tpu.memory_space<vmem_shared>> -> memref<10240xf32, #tpu.memory_space<vmem_shared>>
    %dma_start3A_9 = tpu.memref_slice %arg10[%dma_start3A_3] : memref<5x!tpu.dma_semaphore, #tpu.memory_space<semaphore_mem>> -> memref<1x!tpu.dma_semaphore, #tpu.memory_space<semaphore_mem>>
    %dma_start3A_10 = tpu.memref_squeeze %dma_start3A_9 : memref<1x!tpu.dma_semaphore, #tpu.memory_space<semaphore_mem>> -> memref<!tpu.dma_semaphore, #tpu.memory_space<semaphore_mem>>
    tpu.enqueue_indirect_dma source(%arg7 : memref<80xf32, #tpu.memory_space<vmem>>) target(%dma_start3A_8 : memref<10240xf32, #tpu.memory_space<vmem_shared>>) offsets(%dma_start3A_6 : memref<80xi32, #tpu.memory_space<vmem>>) semaphore(%dma_start3A_10 : memref<!tpu.dma_semaphore, #tpu.memory_space<semaphore_mem>>) {add = true}
    %dma_start3A_11 = arith.constant 1 : i32
    %dma_start3A_12 = arith.constant 1 : i32
    %dma_start3A_13 = arith.constant 0 : i32
    %dma_start3A_14 = tpu.memref_slice %arg6[%dma_start3A_11, %dma_start3A_13] : memref<125x80xi32, #tpu.memory_space<vmem>> -> memref<1x80xi32, #tpu.memory_space<vmem>>
    %dma_start3A_15 = tpu.memref_squeeze %dma_start3A_14 : memref<1x80xi32, #tpu.memory_space<vmem>> -> memref<80xi32, #tpu.memory_space<vmem>>
    %dma_start3A_16 = arith.constant 0 : i32
    %dma_start3A_17 = tpu.memref_slice %arg9[%dma_start3A_16] : memref<10240xf32, #tpu.memory_space<vmem_shared>> -> memref<10240xf32, #tpu.memory_space<vmem_shared>>
    %dma_start3A_18 = tpu.memref_slice %arg10[%dma_start3A_12] : memref<5x!tpu.dma_semaphore, #tpu.memory_space<semaphore_mem>> -> memref<1x!tpu.dma_semaphore, #tpu.memory_space<semaphore_mem>>
    %dma_start3A_19 = tpu.memref_squeeze %dma_start3A_18 : memref<1x!tpu.dma_semaphore, #tpu.memory_space<semaphore_mem>> -> memref<!tpu.dma_semaphore, #tpu.memory_space<semaphore_mem>>
    tpu.enqueue_indirect_dma source(%arg7 : memref<80xf32, #tpu.memory_space<vmem>>) target(%dma_start3A_17 : memref<10240xf32, #tpu.memory_space<vmem_shared>>) offsets(%dma_start3A_15 : memref<80xi32, #tpu.memory_space<vmem>>) semaphore(%dma_start3A_19 : memref<!tpu.dma_semaphore, #tpu.memory_space<semaphore_mem>>) {add = true}
    %dma_start3A_20 = arith.constant 2 : i32
    %dma_start3A_21 = arith.constant 2 : i32
    %dma_start3A_22 = arith.constant 0 : i32
    %dma_start3A_23 = tpu.memref_slice %arg6[%dma_start3A_20, %dma_start3A_22] : memref<125x80xi32, #tpu.memory_space<vmem>> -> memref<1x80xi32, #tpu.memory_space<vmem>>
    %dma_start3A_24 = tpu.memref_squeeze %dma_start3A_23 : memref<1x80xi32, #tpu.memory_space<vmem>> -> memref<80xi32, #tpu.memory_space<vmem>>
    %dma_start3A_25 = arith.constant 0 : i32
    %dma_start3A_26 = tpu.memref_slice %arg9[%dma_start3A_25] : memref<10240xf32, #tpu.memory_space<vmem_shared>> -> memref<10240xf32, #tpu.memory_space<vmem_shared>>
    %dma_start3A_27 = tpu.memref_slice %arg10[%dma_start3A_21] : memref<5x!tpu.dma_semaphore, #tpu.memory_space<semaphore_mem>> -> memref<1x!tpu.dma_semaphore, #tpu.memory_space<semaphore_mem>>
    %dma_start3A_28 = tpu.memref_squeeze %dma_start3A_27 : memref<1x!tpu.dma_semaphore, #tpu.memory_space<semaphore_mem>> -> memref<!tpu.dma_semaphore, #tpu.memory_space<semaphore_mem>>
    tpu.enqueue_indirect_dma source(%arg7 : memref<80xf32, #tpu.memory_space<vmem>>) target(%dma_start3A_26 : memref<10240xf32, #tpu.memory_space<vmem_shared>>) offsets(%dma_start3A_24 : memref<80xi32, #tpu.memory_space<vmem>>) semaphore(%dma_start3A_28 : memref<!tpu.dma_semaphore, #tpu.memory_space<semaphore_mem>>) {add = true}
    %dma_start3A_29 = arith.constant 3 : i32
    %dma_start3A_30 = arith.constant 3 : i32
    %dma_start3A_31 = arith.constant 0 : i32
    %dma_start3A_32 = tpu.memref_slice %arg6[%dma_start3A_29, %dma_start3A_31] : memref<125x80xi32, #tpu.memory_space<vmem>> -> memref<1x80xi32, #tpu.memory_space<vmem>>
    %dma_start3A_33 = tpu.memref_squeeze %dma_start3A_32 : memref<1x80xi32, #tpu.memory_space<vmem>> -> memref<80xi32, #tpu.memory_space<vmem>>
    %dma_start3A_34 = arith.constant 0 : i32
    %dma_start3A_35 = tpu.memref_slice %arg9[%dma_start3A_34] : memref<10240xf32, #tpu.memory_space<vmem_shared>> -> memref<10240xf32, #tpu.memory_space<vmem_shared>>
    %dma_start3A_36 = tpu.memref_slice %arg10[%dma_start3A_30] : memref<5x!tpu.dma_semaphore, #tpu.memory_space<semaphore_mem>> -> memref<1x!tpu.dma_semaphore, #tpu.memory_space<semaphore_mem>>
    %dma_start3A_37 = tpu.memref_squeeze %dma_start3A_36 : memref<1x!tpu.dma_semaphore, #tpu.memory_space<semaphore_mem>> -> memref<!tpu.dma_semaphore, #tpu.memory_space<semaphore_mem>>
    tpu.enqueue_indirect_dma source(%arg7 : memref<80xf32, #tpu.memory_space<vmem>>) target(%dma_start3A_35 : memref<10240xf32, #tpu.memory_space<vmem_shared>>) offsets(%dma_start3A_33 : memref<80xi32, #tpu.memory_space<vmem>>) semaphore(%dma_start3A_37 : memref<!tpu.dma_semaphore, #tpu.memory_space<semaphore_mem>>) {add = true}
    %dma_start3A_38 = arith.constant 4 : i32
    %dma_start3A_39 = arith.constant 4 : i32
    %dma_start3A_40 = arith.constant 0 : i32
    %dma_start3A_41 = tpu.memref_slice %arg6[%dma_start3A_38, %dma_start3A_40] : memref<125x80xi32, #tpu.memory_space<vmem>> -> memref<1x80xi32, #tpu.memory_space<vmem>>
    %dma_start3A_42 = tpu.memref_squeeze %dma_start3A_41 : memref<1x80xi32, #tpu.memory_space<vmem>> -> memref<80xi32, #tpu.memory_space<vmem>>
    %dma_start3A_43 = arith.constant 0 : i32
    %dma_start3A_44 = tpu.memref_slice %arg9[%dma_start3A_43] : memref<10240xf32, #tpu.memory_space<vmem_shared>> -> memref<10240xf32, #tpu.memory_space<vmem_shared>>
    %dma_start3A_45 = tpu.memref_slice %arg10[%dma_start3A_39] : memref<5x!tpu.dma_semaphore, #tpu.memory_space<semaphore_mem>> -> memref<1x!tpu.dma_semaphore, #tpu.memory_space<semaphore_mem>>
    %dma_start3A_46 = tpu.memref_squeeze %dma_start3A_45 : memref<1x!tpu.dma_semaphore, #tpu.memory_space<semaphore_mem>> -> memref<!tpu.dma_semaphore, #tpu.memory_space<semaphore_mem>>
    tpu.enqueue_indirect_dma source(%arg7 : memref<80xf32, #tpu.memory_space<vmem>>) target(%dma_start3A_44 : memref<10240xf32, #tpu.memory_space<vmem_shared>>) offsets(%dma_start3A_42 : memref<80xi32, #tpu.memory_space<vmem>>) semaphore(%dma_start3A_46 : memref<!tpu.dma_semaphore, #tpu.memory_space<semaphore_mem>>) {add = true}
    %scan3A = arith.constant 0 : i32
    %scan3A_47 = arith.constant 0 : i32
    %scan3A_48 = arith.constant 25 : i32
    %scan3A_49 = arith.addi %scan3A_47, %scan3A_48 : i32
    %scan3A_50 = arith.constant 1 : i32
    scf.for %scan3A_60 = %scan3A_47 to %scan3A_49 step %scan3A_50  : i32 {
      %mul3A_61 = arith.constant 5 : i32
      %mul3A_62 = arith.muli %scan3A_60, %mul3A_61 : i32
      %add3A_63 = arith.constant 0 : i32
      %add3A_64 = arith.addi %mul3A_62, %add3A_63 : i32
      %dma_wait3A = arith.constant 0 : i32
      %dma_wait3A_65 = arith.constant 0 : i32
      %dma_wait3A_66 = tpu.memref_slice %arg6[%add3A_64, %dma_wait3A_65] : memref<125x80xi32, #tpu.memory_space<vmem>> -> memref<1x80xi32, #tpu.memory_space<vmem>>
      %dma_wait3A_67 = tpu.memref_squeeze %dma_wait3A_66 : memref<1x80xi32, #tpu.memory_space<vmem>> -> memref<80xi32, #tpu.memory_space<vmem>>
      %dma_wait3A_68 = arith.constant 0 : i32
      %dma_wait3A_69 = tpu.memref_slice %arg9[%dma_wait3A_68] : memref<10240xf32, #tpu.memory_space<vmem_shared>> -> memref<10240xf32, #tpu.memory_space<vmem_shared>>
      %dma_wait3A_70 = tpu.memref_slice %arg10[%dma_wait3A] : memref<5x!tpu.dma_semaphore, #tpu.memory_space<semaphore_mem>> -> memref<1x!tpu.dma_semaphore, #tpu.memory_space<semaphore_mem>>
      %dma_wait3A_71 = tpu.memref_squeeze %dma_wait3A_70 : memref<1x!tpu.dma_semaphore, #tpu.memory_space<semaphore_mem>> -> memref<!tpu.dma_semaphore, #tpu.memory_space<semaphore_mem>>
      tpu.wait_indirect_dma semaphore(%dma_wait3A_71 : memref<!tpu.dma_semaphore, #tpu.memory_space<semaphore_mem>>) src(%arg7 : memref<80xf32, #tpu.memory_space<vmem>>) dst(%dma_wait3A_69 : memref<10240xf32, #tpu.memory_space<vmem_shared>>)
      %add3A_72 = arith.constant 5 : i32
      %add3A_73 = arith.addi %add3A_64, %add3A_72 : i32
      %lt3A = arith.constant 125 : i32
      %lt3A_74 = arith.cmpi slt, %add3A_73, %lt3A : i32
      %convert_element_type3A = arith.extui %lt3A_74 : i1 to i32
      %cond3A = arith.constant 0 : i32
      %cond3A_75 = arith.cmpi ne, %convert_element_type3A, %cond3A : i32
      scf.if %cond3A_75 {
        %add3A_152 = arith.constant 5 : i32
        %add3A_153 = arith.addi %add3A_64, %add3A_152 : i32
        %dma_start3A_154 = arith.constant 0 : i32
        %dma_start3A_155 = arith.constant 0 : i32
        %dma_start3A_156 = tpu.memref_slice %arg6[%add3A_153, %dma_start3A_155] : memref<125x80xi32, #tpu.memory_space<vmem>> -> memref<1x80xi32, #tpu.memory_space<vmem>>
        %dma_start3A_157 = tpu.memref_squeeze %dma_start3A_156 : memref<1x80xi32, #tpu.memory_space<vmem>> -> memref<80xi32, #tpu.memory_space<vmem>>
        %dma_start3A_158 = arith.constant 0 : i32
        %dma_start3A_159 = tpu.memref_slice %arg9[%dma_start3A_158] : memref<10240xf32, #tpu.memory_space<vmem_shared>> -> memref<10240xf32, #tpu.memory_space<vmem_shared>>
        %dma_start3A_160 = tpu.memref_slice %arg10[%dma_start3A_154] : memref<5x!tpu.dma_semaphore, #tpu.memory_space<semaphore_mem>> -> memref<1x!tpu.dma_semaphore, #tpu.memory_space<semaphore_mem>>
        %dma_start3A_161 = tpu.memref_squeeze %dma_start3A_160 : memref<1x!tpu.dma_semaphore, #tpu.memory_space<semaphore_mem>> -> memref<!tpu.dma_semaphore, #tpu.memory_space<semaphore_mem>>
        tpu.enqueue_indirect_dma source(%arg7 : memref<80xf32, #tpu.memory_space<vmem>>) target(%dma_start3A_159 : memref<10240xf32, #tpu.memory_space<vmem_shared>>) offsets(%dma_start3A_157 : memref<80xi32, #tpu.memory_space<vmem>>) semaphore(%dma_start3A_161 : memref<!tpu.dma_semaphore, #tpu.memory_space<semaphore_mem>>) {add = true}
      } else {
      }
      %mul3A_76 = arith.constant 5 : i32
      %mul3A_77 = arith.muli %scan3A_60, %mul3A_76 : i32
      %add3A_78 = arith.constant 1 : i32
      %add3A_79 = arith.addi %mul3A_77, %add3A_78 : i32
      %dma_wait3A_80 = arith.constant 1 : i32
      %dma_wait3A_81 = arith.constant 0 : i32
      %dma_wait3A_82 = tpu.memref_slice %arg6[%add3A_79, %dma_wait3A_81] : memref<125x80xi32, #tpu.memory_space<vmem>> -> memref<1x80xi32, #tpu.memory_space<vmem>>
      %dma_wait3A_83 = tpu.memref_squeeze %dma_wait3A_82 : memref<1x80xi32, #tpu.memory_space<vmem>> -> memref<80xi32, #tpu.memory_space<vmem>>
      %dma_wait3A_84 = arith.constant 0 : i32
      %dma_wait3A_85 = tpu.memref_slice %arg9[%dma_wait3A_84] : memref<10240xf32, #tpu.memory_space<vmem_shared>> -> memref<10240xf32, #tpu.memory_space<vmem_shared>>
      %dma_wait3A_86 = tpu.memref_slice %arg10[%dma_wait3A_80] : memref<5x!tpu.dma_semaphore, #tpu.memory_space<semaphore_mem>> -> memref<1x!tpu.dma_semaphore, #tpu.memory_space<semaphore_mem>>
      %dma_wait3A_87 = tpu.memref_squeeze %dma_wait3A_86 : memref<1x!tpu.dma_semaphore, #tpu.memory_space<semaphore_mem>> -> memref<!tpu.dma_semaphore, #tpu.memory_space<semaphore_mem>>
      tpu.wait_indirect_dma semaphore(%dma_wait3A_87 : memref<!tpu.dma_semaphore, #tpu.memory_space<semaphore_mem>>) src(%arg7 : memref<80xf32, #tpu.memory_space<vmem>>) dst(%dma_wait3A_85 : memref<10240xf32, #tpu.memory_space<vmem_shared>>)
      %add3A_88 = arith.constant 5 : i32
      %add3A_89 = arith.addi %add3A_79, %add3A_88 : i32
      %lt3A_90 = arith.constant 125 : i32
      %lt3A_91 = arith.cmpi slt, %add3A_89, %lt3A_90 : i32
      %convert_element_type3A_92 = arith.extui %lt3A_91 : i1 to i32
      %cond3A_93 = arith.constant 0 : i32
      %cond3A_94 = arith.cmpi ne, %convert_element_type3A_92, %cond3A_93 : i32
      scf.if %cond3A_94 {
        %add3A_152 = arith.constant 5 : i32
        %add3A_153 = arith.addi %add3A_79, %add3A_152 : i32
        %dma_start3A_154 = arith.constant 1 : i32
        %dma_start3A_155 = arith.constant 0 : i32
        %dma_start3A_156 = tpu.memref_slice %arg6[%add3A_153, %dma_start3A_155] : memref<125x80xi32, #tpu.memory_space<vmem>> -> memref<1x80xi32, #tpu.memory_space<vmem>>
        %dma_start3A_157 = tpu.memref_squeeze %dma_start3A_156 : memref<1x80xi32, #tpu.memory_space<vmem>> -> memref<80xi32, #tpu.memory_space<vmem>>
        %dma_start3A_158 = arith.constant 0 : i32
        %dma_start3A_159 = tpu.memref_slice %arg9[%dma_start3A_158] : memref<10240xf32, #tpu.memory_space<vmem_shared>> -> memref<10240xf32, #tpu.memory_space<vmem_shared>>
        %dma_start3A_160 = tpu.memref_slice %arg10[%dma_start3A_154] : memref<5x!tpu.dma_semaphore, #tpu.memory_space<semaphore_mem>> -> memref<1x!tpu.dma_semaphore, #tpu.memory_space<semaphore_mem>>
        %dma_start3A_161 = tpu.memref_squeeze %dma_start3A_160 : memref<1x!tpu.dma_semaphore, #tpu.memory_space<semaphore_mem>> -> memref<!tpu.dma_semaphore, #tpu.memory_space<semaphore_mem>>
        tpu.enqueue_indirect_dma source(%arg7 : memref<80xf32, #tpu.memory_space<vmem>>) target(%dma_start3A_159 : memref<10240xf32, #tpu.memory_space<vmem_shared>>) offsets(%dma_start3A_157 : memref<80xi32, #tpu.memory_space<vmem>>) semaphore(%dma_start3A_161 : memref<!tpu.dma_semaphore, #tpu.memory_space<semaphore_mem>>) {add = true}
      } else {
      }
      %mul3A_95 = arith.constant 5 : i32
      %mul3A_96 = arith.muli %scan3A_60, %mul3A_95 : i32
      %add3A_97 = arith.constant 2 : i32
      %add3A_98 = arith.addi %mul3A_96, %add3A_97 : i32
      %dma_wait3A_99 = arith.constant 2 : i32
      %dma_wait3A_100 = arith.constant 0 : i32
      %dma_wait3A_101 = tpu.memref_slice %arg6[%add3A_98, %dma_wait3A_100] : memref<125x80xi32, #tpu.memory_space<vmem>> -> memref<1x80xi32, #tpu.memory_space<vmem>>
      %dma_wait3A_102 = tpu.memref_squeeze %dma_wait3A_101 : memref<1x80xi32, #tpu.memory_space<vmem>> -> memref<80xi32, #tpu.memory_space<vmem>>
      %dma_wait3A_103 = arith.constant 0 : i32
      %dma_wait3A_104 = tpu.memref_slice %arg9[%dma_wait3A_103] : memref<10240xf32, #tpu.memory_space<vmem_shared>> -> memref<10240xf32, #tpu.memory_space<vmem_shared>>
      %dma_wait3A_105 = tpu.memref_slice %arg10[%dma_wait3A_99] : memref<5x!tpu.dma_semaphore, #tpu.memory_space<semaphore_mem>> -> memref<1x!tpu.dma_semaphore, #tpu.memory_space<semaphore_mem>>
      %dma_wait3A_106 = tpu.memref_squeeze %dma_wait3A_105 : memref<1x!tpu.dma_semaphore, #tpu.memory_space<semaphore_mem>> -> memref<!tpu.dma_semaphore, #tpu.memory_space<semaphore_mem>>
      tpu.wait_indirect_dma semaphore(%dma_wait3A_106 : memref<!tpu.dma_semaphore, #tpu.memory_space<semaphore_mem>>) src(%arg7 : memref<80xf32, #tpu.memory_space<vmem>>) dst(%dma_wait3A_104 : memref<10240xf32, #tpu.memory_space<vmem_shared>>)
      %add3A_107 = arith.constant 5 : i32
      %add3A_108 = arith.addi %add3A_98, %add3A_107 : i32
      %lt3A_109 = arith.constant 125 : i32
      %lt3A_110 = arith.cmpi slt, %add3A_108, %lt3A_109 : i32
      %convert_element_type3A_111 = arith.extui %lt3A_110 : i1 to i32
      %cond3A_112 = arith.constant 0 : i32
      %cond3A_113 = arith.cmpi ne, %convert_element_type3A_111, %cond3A_112 : i32
      scf.if %cond3A_113 {
        %add3A_152 = arith.constant 5 : i32
        %add3A_153 = arith.addi %add3A_98, %add3A_152 : i32
        %dma_start3A_154 = arith.constant 2 : i32
        %dma_start3A_155 = arith.constant 0 : i32
        %dma_start3A_156 = tpu.memref_slice %arg6[%add3A_153, %dma_start3A_155] : memref<125x80xi32, #tpu.memory_space<vmem>> -> memref<1x80xi32, #tpu.memory_space<vmem>>
        %dma_start3A_157 = tpu.memref_squeeze %dma_start3A_156 : memref<1x80xi32, #tpu.memory_space<vmem>> -> memref<80xi32, #tpu.memory_space<vmem>>
        %dma_start3A_158 = arith.constant 0 : i32
        %dma_start3A_159 = tpu.memref_slice %arg9[%dma_start3A_158] : memref<10240xf32, #tpu.memory_space<vmem_shared>> -> memref<10240xf32, #tpu.memory_space<vmem_shared>>
        %dma_start3A_160 = tpu.memref_slice %arg10[%dma_start3A_154] : memref<5x!tpu.dma_semaphore, #tpu.memory_space<semaphore_mem>> -> memref<1x!tpu.dma_semaphore, #tpu.memory_space<semaphore_mem>>
        %dma_start3A_161 = tpu.memref_squeeze %dma_start3A_160 : memref<1x!tpu.dma_semaphore, #tpu.memory_space<semaphore_mem>> -> memref<!tpu.dma_semaphore, #tpu.memory_space<semaphore_mem>>
        tpu.enqueue_indirect_dma source(%arg7 : memref<80xf32, #tpu.memory_space<vmem>>) target(%dma_start3A_159 : memref<10240xf32, #tpu.memory_space<vmem_shared>>) offsets(%dma_start3A_157 : memref<80xi32, #tpu.memory_space<vmem>>) semaphore(%dma_start3A_161 : memref<!tpu.dma_semaphore, #tpu.memory_space<semaphore_mem>>) {add = true}
      } else {
      }
      %mul3A_114 = arith.constant 5 : i32
      %mul3A_115 = arith.muli %scan3A_60, %mul3A_114 : i32
      %add3A_116 = arith.constant 3 : i32
      %add3A_117 = arith.addi %mul3A_115, %add3A_116 : i32
      %dma_wait3A_118 = arith.constant 3 : i32
      %dma_wait3A_119 = arith.constant 0 : i32
      %dma_wait3A_120 = tpu.memref_slice %arg6[%add3A_117, %dma_wait3A_119] : memref<125x80xi32, #tpu.memory_space<vmem>> -> memref<1x80xi32, #tpu.memory_space<vmem>>
      %dma_wait3A_121 = tpu.memref_squeeze %dma_wait3A_120 : memref<1x80xi32, #tpu.memory_space<vmem>> -> memref<80xi32, #tpu.memory_space<vmem>>
      %dma_wait3A_122 = arith.constant 0 : i32
      %dma_wait3A_123 = tpu.memref_slice %arg9[%dma_wait3A_122] : memref<10240xf32, #tpu.memory_space<vmem_shared>> -> memref<10240xf32, #tpu.memory_space<vmem_shared>>
      %dma_wait3A_124 = tpu.memref_slice %arg10[%dma_wait3A_118] : memref<5x!tpu.dma_semaphore, #tpu.memory_space<semaphore_mem>> -> memref<1x!tpu.dma_semaphore, #tpu.memory_space<semaphore_mem>>
      %dma_wait3A_125 = tpu.memref_squeeze %dma_wait3A_124 : memref<1x!tpu.dma_semaphore, #tpu.memory_space<semaphore_mem>> -> memref<!tpu.dma_semaphore, #tpu.memory_space<semaphore_mem>>
      tpu.wait_indirect_dma semaphore(%dma_wait3A_125 : memref<!tpu.dma_semaphore, #tpu.memory_space<semaphore_mem>>) src(%arg7 : memref<80xf32, #tpu.memory_space<vmem>>) dst(%dma_wait3A_123 : memref<10240xf32, #tpu.memory_space<vmem_shared>>)
      %add3A_126 = arith.constant 5 : i32
      %add3A_127 = arith.addi %add3A_117, %add3A_126 : i32
      %lt3A_128 = arith.constant 125 : i32
      %lt3A_129 = arith.cmpi slt, %add3A_127, %lt3A_128 : i32
      %convert_element_type3A_130 = arith.extui %lt3A_129 : i1 to i32
      %cond3A_131 = arith.constant 0 : i32
      %cond3A_132 = arith.cmpi ne, %convert_element_type3A_130, %cond3A_131 : i32
      scf.if %cond3A_132 {
        %add3A_152 = arith.constant 5 : i32
        %add3A_153 = arith.addi %add3A_117, %add3A_152 : i32
        %dma_start3A_154 = arith.constant 3 : i32
        %dma_start3A_155 = arith.constant 0 : i32
        %dma_start3A_156 = tpu.memref_slice %arg6[%add3A_153, %dma_start3A_155] : memref<125x80xi32, #tpu.memory_space<vmem>> -> memref<1x80xi32, #tpu.memory_space<vmem>>
        %dma_start3A_157 = tpu.memref_squeeze %dma_start3A_156 : memref<1x80xi32, #tpu.memory_space<vmem>> -> memref<80xi32, #tpu.memory_space<vmem>>
        %dma_start3A_158 = arith.constant 0 : i32
        %dma_start3A_159 = tpu.memref_slice %arg9[%dma_start3A_158] : memref<10240xf32, #tpu.memory_space<vmem_shared>> -> memref<10240xf32, #tpu.memory_space<vmem_shared>>
        %dma_start3A_160 = tpu.memref_slice %arg10[%dma_start3A_154] : memref<5x!tpu.dma_semaphore, #tpu.memory_space<semaphore_mem>> -> memref<1x!tpu.dma_semaphore, #tpu.memory_space<semaphore_mem>>
        %dma_start3A_161 = tpu.memref_squeeze %dma_start3A_160 : memref<1x!tpu.dma_semaphore, #tpu.memory_space<semaphore_mem>> -> memref<!tpu.dma_semaphore, #tpu.memory_space<semaphore_mem>>
        tpu.enqueue_indirect_dma source(%arg7 : memref<80xf32, #tpu.memory_space<vmem>>) target(%dma_start3A_159 : memref<10240xf32, #tpu.memory_space<vmem_shared>>) offsets(%dma_start3A_157 : memref<80xi32, #tpu.memory_space<vmem>>) semaphore(%dma_start3A_161 : memref<!tpu.dma_semaphore, #tpu.memory_space<semaphore_mem>>) {add = true}
      } else {
      }
      %mul3A_133 = arith.constant 5 : i32
      %mul3A_134 = arith.muli %scan3A_60, %mul3A_133 : i32
      %add3A_135 = arith.constant 4 : i32
      %add3A_136 = arith.addi %mul3A_134, %add3A_135 : i32
      %dma_wait3A_137 = arith.constant 4 : i32
      %dma_wait3A_138 = arith.constant 0 : i32
      %dma_wait3A_139 = tpu.memref_slice %arg6[%add3A_136, %dma_wait3A_138] : memref<125x80xi32, #tpu.memory_space<vmem>> -> memref<1x80xi32, #tpu.memory_space<vmem>>
      %dma_wait3A_140 = tpu.memref_squeeze %dma_wait3A_139 : memref<1x80xi32, #tpu.memory_space<vmem>> -> memref<80xi32, #tpu.memory_space<vmem>>
      %dma_wait3A_141 = arith.constant 0 : i32
      %dma_wait3A_142 = tpu.memref_slice %arg9[%dma_wait3A_141] : memref<10240xf32, #tpu.memory_space<vmem_shared>> -> memref<10240xf32, #tpu.memory_space<vmem_shared>>
      %dma_wait3A_143 = tpu.memref_slice %arg10[%dma_wait3A_137] : memref<5x!tpu.dma_semaphore, #tpu.memory_space<semaphore_mem>> -> memref<1x!tpu.dma_semaphore, #tpu.memory_space<semaphore_mem>>
      %dma_wait3A_144 = tpu.memref_squeeze %dma_wait3A_143 : memref<1x!tpu.dma_semaphore, #tpu.memory_space<semaphore_mem>> -> memref<!tpu.dma_semaphore, #tpu.memory_space<semaphore_mem>>
      tpu.wait_indirect_dma semaphore(%dma_wait3A_144 : memref<!tpu.dma_semaphore, #tpu.memory_space<semaphore_mem>>) src(%arg7 : memref<80xf32, #tpu.memory_space<vmem>>) dst(%dma_wait3A_142 : memref<10240xf32, #tpu.memory_space<vmem_shared>>)
      %add3A_145 = arith.constant 5 : i32
      %add3A_146 = arith.addi %add3A_136, %add3A_145 : i32
      %lt3A_147 = arith.constant 125 : i32
      %lt3A_148 = arith.cmpi slt, %add3A_146, %lt3A_147 : i32
      %convert_element_type3A_149 = arith.extui %lt3A_148 : i1 to i32
      %cond3A_150 = arith.constant 0 : i32
      %cond3A_151 = arith.cmpi ne, %convert_element_type3A_149, %cond3A_150 : i32
      scf.if %cond3A_151 {
        %add3A_152 = arith.constant 5 : i32
        %add3A_153 = arith.addi %add3A_136, %add3A_152 : i32
        %dma_start3A_154 = arith.constant 4 : i32
        %dma_start3A_155 = arith.constant 0 : i32
        %dma_start3A_156 = tpu.memref_slice %arg6[%add3A_153, %dma_start3A_155] : memref<125x80xi32, #tpu.memory_space<vmem>> -> memref<1x80xi32, #tpu.memory_space<vmem>>
        %dma_start3A_157 = tpu.memref_squeeze %dma_start3A_156 : memref<1x80xi32, #tpu.memory_space<vmem>> -> memref<80xi32, #tpu.memory_space<vmem>>
        %dma_start3A_158 = arith.constant 0 : i32
        %dma_start3A_159 = tpu.memref_slice %arg9[%dma_start3A_158] : memref<10240xf32, #tpu.memory_space<vmem_shared>> -> memref<10240xf32, #tpu.memory_space<vmem_shared>>
        %dma_start3A_160 = tpu.memref_slice %arg10[%dma_start3A_154] : memref<5x!tpu.dma_semaphore, #tpu.memory_space<semaphore_mem>> -> memref<1x!tpu.dma_semaphore, #tpu.memory_space<semaphore_mem>>
        %dma_start3A_161 = tpu.memref_squeeze %dma_start3A_160 : memref<1x!tpu.dma_semaphore, #tpu.memory_space<semaphore_mem>> -> memref<!tpu.dma_semaphore, #tpu.memory_space<semaphore_mem>>
        tpu.enqueue_indirect_dma source(%arg7 : memref<80xf32, #tpu.memory_space<vmem>>) target(%dma_start3A_159 : memref<10240xf32, #tpu.memory_space<vmem_shared>>) offsets(%dma_start3A_157 : memref<80xi32, #tpu.memory_space<vmem>>) semaphore(%dma_start3A_161 : memref<!tpu.dma_semaphore, #tpu.memory_space<semaphore_mem>>) {add = true}
      } else {
      }
    }
    %scan3A_51 = arith.constant 25 : i32
    %barrier3A_52 = arith.constant 0 : index
    tpu.barrier barrier_id(%barrier3A_52)
    %mul3A_53 = arith.constant 640 : i32
    %mul3A_54 = arith.muli %arg1, %mul3A_53 : i32
    "tpu.region"() ({
      %run_scoped3A = tpu.sem_alloc : memref<!tpu.dma_semaphore, #tpu.memory_space<semaphore_mem>>
      %dma_start3A_60 = tpu.memref_slice %arg9[%mul3A_54] : memref<10240xf32, #tpu.memory_space<vmem_shared>> -> memref<640xf32, #tpu.memory_space<vmem_shared>>
      %dma_start3A_61 = tpu.memref_slice %arg9[%mul3A_54] : memref<10240xf32, #tpu.memory_space<vmem_shared>> -> memref<640xf32, #tpu.memory_space<vmem_shared>>
      tpu.enqueue_dma source(%dma_start3A_61 : memref<640xf32, #tpu.memory_space<vmem_shared>>) target(%arg8 : memref<640xf32, #tpu.memory_space<vmem>>) target_semaphore(%run_scoped3A : memref<!tpu.dma_semaphore, #tpu.memory_space<semaphore_mem>>)
      %dma_wait3A = tpu.memref_slice %arg9[%mul3A_54] : memref<10240xf32, #tpu.memory_space<vmem_shared>> -> memref<640xf32, #tpu.memory_space<vmem_shared>>
      %dma_wait3A_62 = tpu.memref_slice %arg9[%mul3A_54] : memref<10240xf32, #tpu.memory_space<vmem_shared>> -> memref<640xf32, #tpu.memory_space<vmem_shared>>
      tpu.wait_dma2 semaphore(%run_scoped3A : memref<!tpu.dma_semaphore, #tpu.memory_space<semaphore_mem>>) src(%dma_wait3A_62 : memref<640xf32, #tpu.memory_space<vmem_shared>>) dst(%arg8 : memref<640xf32, #tpu.memory_space<vmem>>)
      tpu.yield
    }) : () -> ()
    %mul3A_55 = arith.constant 10240 : i32
    %mul3A_56 = arith.muli %arg0, %mul3A_55 : i32
    %mul3A_57 = arith.constant 640 : i32
    %mul3A_58 = arith.muli %arg1, %mul3A_57 : i32
    %add3A_59 = arith.addi %mul3A_56, %mul3A_58 : i32
    "tpu.region"() ({
      %run_scoped3A = tpu.sem_alloc : memref<!tpu.dma_semaphore, #tpu.memory_space<semaphore_mem>>
      %dma_start3A_60 = tpu.memref_slice %arg5[%add3A_59] : memref<20480xf32, #tpu.memory_space<hbm>> -> memref<640xf32, #tpu.memory_space<hbm>>
      %dma_start3A_61 = tpu.memref_slice %arg5[%add3A_59] : memref<20480xf32, #tpu.memory_space<hbm>> -> memref<640xf32, #tpu.memory_space<hbm>>
      tpu.enqueue_dma source(%arg8 : memref<640xf32, #tpu.memory_space<vmem>>) target(%dma_start3A_61 : memref<640xf32, #tpu.memory_space<hbm>>) target_semaphore(%run_scoped3A : memref<!tpu.dma_semaphore, #tpu.memory_space<semaphore_mem>>)
      %dma_wait3A = tpu.memref_slice %arg5[%add3A_59] : memref<20480xf32, #tpu.memory_space<hbm>> -> memref<640xf32, #tpu.memory_space<hbm>>
      %dma_wait3A_62 = tpu.memref_slice %arg5[%add3A_59] : memref<20480xf32, #tpu.memory_space<hbm>> -> memref<640xf32, #tpu.memory_space<hbm>>
      tpu.wait_dma2 semaphore(%run_scoped3A : memref<!tpu.dma_semaphore, #tpu.memory_space<semaphore_mem>>) src(%arg8 : memref<640xf32, #tpu.memory_space<vmem>>) dst(%dma_wait3A_62 : memref<640xf32, #tpu.memory_space<hbm>>)
      tpu.yield
    }) : () -> ()
    return
  }
}

module attributes {stable_mosaic.version = 14 : i64} {
  func.func @_prep_body(%arg0: i32, %arg1: memref<1000x128xf32, #tpu.memory_space<vmem>>, %arg2: memref<128x128xf32, #tpu.memory_space<vmem>>, %arg3: memref<2x1000x1xf32, #tpu.memory_space<vmem>>, %arg4: memref<2x1000x64xf32, #tpu.memory_space<vmem>>) attributes {dimension_semantics = [#tpu.dimension_semantics<arbitrary>], iteration_bounds = array<i64: 10>, scalar_prefetch = 0 : i64, scratch_operands = 0 : i64, tpu.core_type = #tpu.core_type<tc>, window_params = [{transform_indices = @transform_0, window_bounds = array<i64: 1000, 128>}, {pipeline_mode = #tpu.pipeline_mode<synchronous>, transform_indices = @transform_1, window_bounds = array<i64: 128, 128>}, {transform_indices = @transform_2, window_bounds = array<i64: 2, 1000, 1>}, {transform_indices = @transform_3, window_bounds = array<i64: 2, 1000, 64>}]} {
    %get3A = arith.constant 0 : index
    %get3A_0 = arith.constant 0 : index
    %get3A_1 = vector.load %arg1[%get3A, %get3A_0] : memref<1000x128xf32, #tpu.memory_space<vmem>>, vector<1000x128xf32>
    %get3A_2 = arith.constant 0 : index
    %get3A_3 = arith.constant 0 : index
    %get3A_4 = vector.load %arg2[%get3A_2, %get3A_3] : memref<128x128xf32, #tpu.memory_space<vmem>>, vector<128x128xf32>
    %dot_general3A = arith.constant dense<0.000000e+00> : vector<1000x128xf32>
    %dot_general3A_5 = tpu.matmul %get3A_1, %get3A_4, %dot_general3A {dimension_numbers = #tpu.dot_dimension_numbers<[1], [0], [0], [1], [0, 0, 1, 1], [], []>, transpose_lhs_hint = false} : vector<1000x128xf32>, vector<128x128xf32>, vector<1000x128xf32> -> vector<1000x128xf32>
    %get3A_6 = arith.constant 0 : index
    %get3A_7 = arith.constant 0 : index
    %get3A_8 = arith.constant 0 : index
    %get3A_9 = vector.load %arg3[%get3A_6, %get3A_7, %get3A_8] : memref<2x1000x1xf32, #tpu.memory_space<vmem>>, vector<1x1000x1xf32>
    %get3A_10 = vector.shape_cast %get3A_9 : vector<1x1000x1xf32> to vector<1000x1xf32>
    %get3A_11 = arith.constant 1 : index
    %get3A_12 = arith.constant 0 : index
    %get3A_13 = arith.constant 0 : index
    %get3A_14 = vector.load %arg3[%get3A_11, %get3A_12, %get3A_13] : memref<2x1000x1xf32, #tpu.memory_space<vmem>>, vector<1x1000x1xf32>
    %get3A_15 = vector.shape_cast %get3A_14 : vector<1x1000x1xf32> to vector<1000x1xf32>
    %add3A = arith.addf %get3A_10, %get3A_15 : vector<1000x1xf32>
    %add3A_16 = arith.constant 1.000000e+00 : f32
    %add3A_17 = vector.broadcast %add3A_16 : f32 to vector<1000x1xf32>
    %add3A_18 = arith.addf %add3A, %add3A_17 : vector<1000x1xf32>
    %rsqrt3A = math.rsqrt %add3A_18 : vector<1000x1xf32>
    %mul3A = vector.broadcast %rsqrt3A : vector<1000x1xf32> to vector<1000x128xf32>
    %mul3A_19 = arith.mulf %dot_general3A_5, %mul3A : vector<1000x128xf32>
    %slice3A = vector.extract_strided_slice %mul3A_19 {offsets = [0, 0], sizes = [1000, 64], strides = [1, 1]} : vector<1000x128xf32> to vector<1000x64xf32>
    %swap3A = arith.constant 0 : index
    %swap3A_20 = arith.constant 0 : index
    %swap3A_21 = arith.constant 0 : index
    %swap3A_22 = vector.load %arg4[%swap3A, %swap3A_20, %swap3A_21] : memref<2x1000x64xf32, #tpu.memory_space<vmem>>, vector<1x1000x64xf32>
    %swap3A_23 = vector.shape_cast %swap3A_22 : vector<1x1000x64xf32> to vector<1000x64xf32>
    %swap3A_24 = vector.shape_cast %slice3A : vector<1000x64xf32> to vector<1x1000x64xf32>
    tpu.vector_store %arg4[%swap3A, %swap3A_20, %swap3A_21], %swap3A_24 {strides = array<i32>} : memref<2x1000x64xf32, #tpu.memory_space<vmem>>, vector<1x1000x64xf32>,
    %slice3A_25 = vector.extract_strided_slice %mul3A_19 {offsets = [0, 64], sizes = [1000, 64], strides = [1, 1]} : vector<1000x128xf32> to vector<1000x64xf32>
    %swap3A_26 = arith.constant 1 : index
    %swap3A_27 = arith.constant 0 : index
    %swap3A_28 = arith.constant 0 : index
    %swap3A_29 = vector.load %arg4[%swap3A_26, %swap3A_27, %swap3A_28] : memref<2x1000x64xf32, #tpu.memory_space<vmem>>, vector<1x1000x64xf32>
    %swap3A_30 = vector.shape_cast %swap3A_29 : vector<1x1000x64xf32> to vector<1000x64xf32>
    %swap3A_31 = vector.shape_cast %slice3A_25 : vector<1000x64xf32> to vector<1x1000x64xf32>
    tpu.vector_store %arg4[%swap3A_26, %swap3A_27, %swap3A_28], %swap3A_31 {strides = array<i32>} : memref<2x1000x64xf32, #tpu.memory_space<vmem>>, vector<1x1000x64xf32>,
    return
  }
  func.func @transform_0(%arg0: i32) -> (i32, i32) {
    %c0_i32 = arith.constant 0 : i32
    %c0_i32_0 = arith.constant 0 : i32
    return %arg0, %c0_i32 : i32, i32
  }
  func.func @transform_1(%arg0: i32) -> (i32, i32) {
    %c0_i32 = arith.constant 0 : i32
    %c0_i32_0 = arith.constant 0 : i32
    %c0_i32_1 = arith.constant 0 : i32
    return %c0_i32, %c0_i32_0 : i32, i32
  }
  func.func @transform_2(%arg0: i32) -> (i32, i32, i32) {
    %c0_i32 = arith.constant 0 : i32
    %c0_i32_0 = arith.constant 0 : i32
    %c0_i32_1 = arith.constant 0 : i32
    return %c0_i32, %arg0, %c0_i32_0 : i32, i32, i32
  }
  func.func @transform_3(%arg0: i32) -> (i32, i32, i32) {
    %c0_i32 = arith.constant 0 : i32
    %c0_i32_0 = arith.constant 0 : i32
    %c0_i32_1 = arith.constant 0 : i32
    return %c0_i32, %arg0, %c0_i32_0 : i32, i32, i32
  }
}

module attributes {stable_mosaic.version = 14 : i64} {
  func.func @_final_body(%arg0: i32, %arg1: memref<2x1000x64xf32, #tpu.memory_space<vmem>>, %arg2: memref<2x1000x1xf32, #tpu.memory_space<vmem>>, %arg3: memref<1x128xf32, #tpu.memory_space<vmem>>, %arg4: memref<1000x128xf32, #tpu.memory_space<vmem>>) attributes {dimension_semantics = [#tpu.dimension_semantics<arbitrary>], iteration_bounds = array<i64: 10>, scalar_prefetch = 0 : i64, scratch_operands = 0 : i64, tpu.core_type = #tpu.core_type<tc>, window_params = [{transform_indices = @transform_0, window_bounds = array<i64: 2, 1000, 64>}, {transform_indices = @transform_1, window_bounds = array<i64: 2, 1000, 1>}, {pipeline_mode = #tpu.pipeline_mode<synchronous>, transform_indices = @transform_2, window_bounds = array<i64: 1, 128>}, {transform_indices = @transform_3, window_bounds = array<i64: 1000, 128>}]} {
    %get3A = arith.constant 0 : index
    %get3A_0 = arith.constant 0 : index
    %get3A_1 = arith.constant 0 : index
    %get3A_2 = vector.load %arg2[%get3A, %get3A_0, %get3A_1] : memref<2x1000x1xf32, #tpu.memory_space<vmem>>, vector<1x1000x1xf32>
    %get3A_3 = vector.shape_cast %get3A_2 : vector<1x1000x1xf32> to vector<1000x1xf32>
    %get3A_4 = arith.constant 1 : index
    %get3A_5 = arith.constant 0 : index
    %get3A_6 = arith.constant 0 : index
    %get3A_7 = vector.load %arg2[%get3A_4, %get3A_5, %get3A_6] : memref<2x1000x1xf32, #tpu.memory_space<vmem>>, vector<1x1000x1xf32>
    %get3A_8 = vector.shape_cast %get3A_7 : vector<1x1000x1xf32> to vector<1000x1xf32>
    %add3A = arith.addf %get3A_3, %get3A_8 : vector<1000x1xf32>
    %add3A_9 = arith.constant 1.000000e+00 : f32
    %add3A_10 = vector.broadcast %add3A_9 : f32 to vector<1000x1xf32>
    %add3A_11 = arith.addf %add3A, %add3A_10 : vector<1000x1xf32>
    %rsqrt3A = math.rsqrt %add3A_11 : vector<1000x1xf32>
    %get3A_12 = arith.constant 0 : index
    %get3A_13 = arith.constant 0 : index
    %get3A_14 = arith.constant 0 : index
    %get3A_15 = vector.load %arg1[%get3A_12, %get3A_13, %get3A_14] : memref<2x1000x64xf32, #tpu.memory_space<vmem>>, vector<1x1000x64xf32>
    %get3A_16 = vector.shape_cast %get3A_15 : vector<1x1000x64xf32> to vector<1000x64xf32>
    %get3A_17 = arith.constant 1 : index
    %get3A_18 = arith.constant 0 : index
    %get3A_19 = arith.constant 0 : index
    %get3A_20 = vector.load %arg1[%get3A_17, %get3A_18, %get3A_19] : memref<2x1000x64xf32, #tpu.memory_space<vmem>>, vector<1x1000x64xf32>
    %get3A_21 = vector.shape_cast %get3A_20 : vector<1x1000x64xf32> to vector<1000x64xf32>
    %concatenate3A = tpu.concatenate %get3A_16, %get3A_21 in 1 : vector<1000x64xf32>, vector<1000x64xf32> -> vector<1000x128xf32>
    %mul3A = vector.broadcast %rsqrt3A : vector<1000x1xf32> to vector<1000x128xf32>
    %mul3A_22 = arith.mulf %concatenate3A, %mul3A : vector<1000x128xf32>
    %get3A_23 = arith.constant 0 : index
    %get3A_24 = arith.constant 0 : index
    %get3A_25 = vector.load %arg3[%get3A_23, %get3A_24] : memref<1x128xf32, #tpu.memory_space<vmem>>, vector<1x128xf32>
    %add3A_26 = vector.broadcast %get3A_25 : vector<1x128xf32> to vector<1000x128xf32>
    %add3A_27 = arith.addf %mul3A_22, %add3A_26 : vector<1000x128xf32>
    %swap3A = arith.constant 0 : index
    %swap3A_28 = arith.constant 0 : index
    %swap3A_29 = vector.load %arg4[%swap3A, %swap3A_28] : memref<1000x128xf32, #tpu.memory_space<vmem>>, vector<1000x128xf32>
    tpu.vector_store %arg4[%swap3A, %swap3A_28], %add3A_27 {strides = array<i32>} : memref<1000x128xf32, #tpu.memory_space<vmem>>, vector<1000x128xf32>,
    return
  }
  func.func @transform_0(%arg0: i32) -> (i32, i32, i32) {
    %c0_i32 = arith.constant 0 : i32
    %c0_i32_0 = arith.constant 0 : i32
    %c0_i32_1 = arith.constant 0 : i32
    return %c0_i32, %arg0, %c0_i32_0 : i32, i32, i32
  }
  func.func @transform_1(%arg0: i32) -> (i32, i32, i32) {
    %c0_i32 = arith.constant 0 : i32
    %c0_i32_0 = arith.constant 0 : i32
    %c0_i32_1 = arith.constant 0 : i32
    return %c0_i32, %arg0, %c0_i32_0 : i32, i32, i32
  }
  func.func @transform_2(%arg0: i32) -> (i32, i32) {
    %c0_i32 = arith.constant 0 : i32
    %c0_i32_0 = arith.constant 0 : i32
    %c0_i32_1 = arith.constant 0 : i32
    return %c0_i32, %c0_i32_0 : i32, i32
  }
  func.func @transform_3(%arg0: i32) -> (i32, i32) {
    %c0_i32 = arith.constant 0 : i32
    %c0_i32_0 = arith.constant 0 : i32
    return %arg0, %c0_i32 : i32, i32
  }
}

</mosaic_0001>

<sc_bundles>
// kernel: kernel.6.cloned.1.call-start
scs
__scs_entry_jumppad:
0x0: {  	(pc) =	sbr.rel $0x88, $3  }
0x1: {  	(tag) =	ssettag $0x0;
	lr =	simm.s32 $0x1  }
0x2: {  	[smem:$0x3F9D] =	sst lr;
	_ =	strace $0xD0000000  }
0x3: {  	_ = 	snop  }
0x4: {  	_ = 	snop  }
0x5: {  	_ = 	snop  }
0x6: {  	_ = 	snop  }
0x7: {  	_ = 	snop  }
__scs_overlays_trampoline_lowered:
0x8: {  	[smem:$0x3FAC] =	sst s0  }
0x9: {  	[smem:$0x3FAD] =	sst s1  }
0xa: {  	[smem:$0x3FAE] =	sst s2  }
0xb: {  	[smem:$0x3FAF] =	sst s3  }
0xc: {  	[smem:$0x3FB0] =	sst s4  }
0xd: {  	[smem:$0x3FB1] =	sst s5  }
0xe: {  	[smem:$0x3FB2] =	sst s6  }
0xf: {  	[smem:$0x3FB3] =	sst s7  }
0x10: {  	[smem:$0x3FB4] =	sst s8  }
0x11: {  	[smem:$0x3FB5] =	sst s9;
	s0 =	simm.s32 @!p0 $0x0  }
0x12: {  	s1 =	sld [smem:$0x3F9B];
	s0 =	simm.s32 @p0 $0x1  }
0x13: {  	[smem:$0x3FB6] =	sst s0;
	s0 =	simm.s32 @!p1 $0x0  }
0x14: {  	s2 =	sld [smem:$0x3F9A];
	s0 =	simm.s32 @p1 $0x1  }
0x15: {  	[smem:$0x3FB7] =	sst s0;
	s0 =	simm.s32 @!p2 $0x0  }
0x16: {  	s3 =	sld [smem:$0x3FDB];
	s0 =	simm.s32 @p2 $0x1  }
0x17: {  	s4 =	simm.s32 $0x1BF5;
	[smem:$0x3FB9] =	sst s0  }
0x18: {  	s0 =	sld [smem:$0x3F9C];
	_ =	swait.ge [sflag:s4], $0x0  }
0x19: {  	s7 =	sld [smem:$0x3F9D]  }
0x1a: {  	s8 =	sadd.s32 $0xFFFFE003, lr  }
0x1b: {  	s9 =	sadd.s32 $0xFFFFFEF7, lr;
	s5 =	simm.s32 $0xFFFFFFFF;
	p2 =	slt.u32 s8, $0xFFFFF086  }
0x1c: {  	p1 =	slt.u32 s9, $0xF7A;
	s5 =	simm.s32 @!p2 $0x0  }
0x1d: {  	s5 =	simm.s32 @p1 $0x1;
	p0 =	seq.s32 s7, s2  }
0x1e: {  	s7 =	smul.u32 @!p0 $0xF7A, s2;
	p2 =	seq.s32 @!p0 s5, $0x0  }
0x1f: {  	s9 =	smul.u32 $0xF7A, s1;
	s8 =	simm.s32 @!p0 $0x1BF5;
	p2 =	por !p2, p0  }
0x20: {  	[sflag:s8] =	ssyncset.s32 @!p0 $0xFFFFF086;
	s6 =	sadd.s32 @!p0 s3, s7;
	s7 =	simm.s32 @!p0 $0x108  }
0x21: {  	s3 =	sadd.s32 s3, s9;
	s6 =	sadd.s32 @!p0 $0x88, s6;
	s7 =	simm.s32 @p2 $0x1082  }
0x22: {  	[simem:s7], [sflag:s8] =	dma.local @!p0 [hbm:s6], $0xF7A  }
0x23: {  	s9 =	sor.u32 $0xD0000000, s2;
	s6 =	simm.s32 $0x108;
	_ =	swait.ge @!p0 [sflag:s8], $0x0  }
0x24: {  	s3 =	sadd.s32 $0x88, s3;
	s6 =	simm.s32 @!p1 $0x1082;
	[sflag:s4] =	ssyncset.s32 $0xFFFFF086  }
0x25: {  	[simem:s6], [sflag:s4] =	dma.local [hbm:s3], $0xF7A  }
0x26: {  	[smem:$0x3F9D] =	sst s1;
	(tag) =	ssettag s2;
	_ =	strace s9  }
0x27: {  	s1 =	sld [smem:$0x3FAD]  }
0x28: {  	s2 =	sld [smem:$0x3FAE]  }
0x29: {  	s4 =	sld [smem:$0x3FB0]  }
0x2a: {  	p0 =	seq.s32 s5, $0x0;
	s5 =	sld [smem:$0x3FB1]  }
0x2b: {  	s6 =	sld [smem:$0x3FB2]  }
0x2c: {  	s7 =	sld [smem:$0x3FB3]  }
0x2d: {  	s3 =	simm.s32 $0x108;
	s8 =	sld [smem:$0x3FB4]  }
0x2e: {  	s3 =	simm.s32 @!p0 $0x1082;
	s9 =	sld [smem:$0x3FB5]  }
0x2f: {  	lr =	sadd.s32 s0, s3;
	s0 =	sld [smem:$0x3FAC]  }
0x30: {  	s3 =	sld [smem:$0x3FAF]  }
0x31: {  	[smem:$0x3FB8] =	sst s10  }
0x32: {  	s10 =	sld [smem:$0x3FB6];
	_ =	sdelay $0x3  }
0x33: {  	p0 =	seq.s32 s10, $0x1;
	s10 =	sld [smem:$0x3FB8];
	_ =	sdelay $0x3  }
0x34: {  	[smem:$0x3FB8] =	sst s10  }
0x35: {  	s10 =	sld [smem:$0x3FB7];
	_ =	sdelay $0x3  }
0x36: {  	p1 =	seq.s32 s10, $0x1;
	s10 =	sld [smem:$0x3FB8];
	_ =	sdelay $0x3  }
0x37: {  	[smem:$0x3FB8] =	sst s10  }
0x38: {  	s10 =	sld [smem:$0x3FB9]  }
0x39: {  	_ = 	snop;
	(pc) =	sbr.ind lr, $3  }
0x3a: {  	_ = 	snop  }
0x3b: {  	_ = 	snop  }
0x3c: {  	p2 =	seq.s32 s10, $0x1;
	s10 =	sld [smem:$0x3FB8]  }
0x3d: {  	_ =	shalt  }
0x3e: {  	_ =	shalt  }
0x3f: {  	_ =	shalt  }
0x40: {  	_ =	shalt  }
0x41: {  	_ =	shalt  }
0x42: {  	_ =	shalt  }
0x43: {  	_ =	shalt  }
0x44: {  	_ =	shalt  }
0x45: {  	_ =	shalt  }
0x46: {  	_ =	shalt  }
0x47: {  	_ =	shalt  }
0x48: {  	_ =	shalt  }
0x49: {  	_ =	shalt  }
0x4a: {  	_ =	shalt  }
0x4b: {  	_ =	shalt  }
0x4c: {  	_ =	shalt  }
0x4d: {  	_ =	shalt  }
0x4e: {  	_ =	shalt  }
0x4f: {  	_ =	shalt  }
0x50: {  	_ =	shalt  }
0x51: {  	_ =	shalt  }
0x52: {  	_ =	shalt  }
0x53: {  	_ =	shalt  }
0x54: {  	_ =	shalt  }
0x55: {  	_ =	shalt  }
0x56: {  	_ =	shalt  }
0x57: {  	_ =	shalt  }
0x58: {  	_ =	shalt  }
0x59: {  	_ =	shalt  }
0x5a: {  	_ =	shalt  }
0x5b: {  	_ =	shalt  }
0x5c: {  	_ =	shalt  }
0x5d: {  	_ =	shalt  }
0x5e: {  	_ =	shalt  }
0x5f: {  	_ =	shalt  }
0x60: {  	_ =	shalt  }
0x61: {  	_ =	shalt  }
0x62: {  	_ =	shalt  }
0x63: {  	_ =	shalt  }
0x64: {  	_ =	shalt  }
0x65: {  	_ =	shalt  }
0x66: {  	_ =	shalt  }
0x67: {  	_ =	shalt  }
0x68: {  	_ =	shalt  }
0x69: {  	_ =	shalt  }
0x6a: {  	_ =	shalt  }
0x6b: {  	_ =	shalt  }
0x6c: {  	_ =	shalt  }
0x6d: {  	_ =	shalt  }
0x6e: {  	_ =	shalt  }
0x6f: {  	_ =	shalt  }
0x70: {  	_ =	shalt  }
0x71: {  	_ =	shalt  }
0x72: {  	_ =	shalt  }
0x73: {  	_ =	shalt  }
0x74: {  	_ =	shalt  }
0x75: {  	_ =	shalt  }
0x76: {  	_ =	shalt  }
0x77: {  	_ =	shalt  }
0x78: {  	_ =	shalt  }
0x79: {  	_ =	shalt  }
0x7a: {  	_ =	shalt  }
0x7b: {  	_ =	shalt  }
0x7c: {  	_ =	shalt  }
0x7d: {  	_ =	shalt  }
0x7e: {  	_ =	shalt  }
0x7f: {  	_ =	shalt  }
0x80: {  	_ =	shalt  }
0x81: {  	_ =	shalt  }
0x82: {  	_ =	shalt  }
0x83: {  	_ =	shalt  }
0x84: {  	_ =	shalt  }
0x85: {  	_ =	shalt  }
0x86: {  	_ =	shalt  }
0x87: {  	_ =	shalt  }
.Lfunc_end0:
.L_simem_size_0:
called_computation_lowered:
.L_overlay_start_0:
0x88: {  	s2 =	sld [smem:$0x3FD9]  }
0x89: {  	s3 =	sld [smem:$0x3FFE];
	_ =	sdelay $0x1  }
0x8a: {  	s1 =	srdreg.scid  }
0x8b: {  	s0 =	sand.u32 $0x1, s1  }
0x8c: {  	s17 =	sshll.u32 s0, $0xA;
	s2 =	sadd.s32 s3, s2  }
0x8d: {  	s2 =	sadd.s32 s2, s17  }
0x8e: {  	[smem:$0x3FC4] =	sst s2  }
0x8f: {  	_ = 	snop  }
0x90: {  	s2 =	sld [smem:$0x3FD0];
	(tm) =	ssettm $0x1  }
0x91: {  	s18 =	sld [smem:$0x3FFB];
	_ =	sdelay $0x3  }
0x92: {  	_ =	strace s18  }
0x93: {  	s3 =	sld [smem:$0x3FFC];
	_ =	sdelay $0x3  }
0x94: {  	_ =	strace s3  }
0x95: {  	s3 =	sld [smem:$0x3FFD];
	_ =	sdelay $0x3  }
0x96: {  	_ =	strace s3  }
0x97: {  	_ =	strace $0x8FFFFFFF  }
0x98: {  	s19 =	sld [smem:$0x3FDB];
	_ =	sdelay $0x1  }
0x99: {  	s4 =	simm.s32 $_scs_section_size  }
0x9a: {  	s5 =	simm.s32 $_size__tile_overlayer_lowered;
	s6 =	simm.s32 $_tile_overlayer_lowered  }
0x9b: {  	s22 =	simm.s32 $0x1BFF;
	s21 =	sshll.u32 s6, $0x1;
	s3 =	sadd.s32 s4, s19  }
0x9c: {  	s7 =	simm.s32 $0x0;
	s20 =	sshll.u32 s5, $0x1;
	s5 =	sadd.s32 s21, s3  }
0x9d: {  	[timem:s7], [sflag:s22] =	dma.local [hbm:s5], s20  }
0x9e: {  	_ =	swait.ge [sflag:s22], s20  }
0x9f: {  	s4 =	ssub.s32 $0x0, s20;
	[sflag:s22] =	ssyncset.done $0x0  }
0xa0: {  	[sflag:s22] =	ssyncadd.s32 s4;
	_ =	sdelay $0x1  }
0xa1: {  	s23 =	simm.s32 $0x1B8B  }
0xa2: {  	_ =	swait.ge [sflag:s23], $0x1  }
0xa3: {  	[sflag:s23] =	ssyncset.done $0x0  }
0xa4: {  	s25 =	simm.s32 $0x1B8E;
	s24 =	sld [smem:$0x3FFE];
	[sflag:s23] =	ssyncadd.s32 $0xFFFFFFFF  }
0xa5: {  	s26 =	simm.s32 $execute0_lowered;
	[smem:$0x3FD2] =	sst s25  }
0xa6: {  	s5 =	sshll.u32 s26, $0x1;
	_ =	strace $0x80000046;
	[dreg:$0x1] =	wrdreg $0xFFFFFFFF  }
0xa7: {  	s28 =	simm.s32 $_size_execute0_lowered;
	s3 =	sadd.s32 s3, s5;
	[dreg:$0x0] =	wrdreg $0x0  }
0xa8: {  	s5 =	sshll.u32 s28, $0x1;
	[dreg:$0x2] =	wrdreg s3  }
0xa9: {  	[dreg:$0x3] =	wrdreg s5  }
0xaa: {  	[dreg:$0x4] =	wrdreg $0xC0  }
0xab: {  	_ =	task [dreg:s7], $0x5FFFF  }
0xac: {  	[dreg:$0x1] =	wrdreg $0xFFFFFFFF  }
0xad: {  	[dreg:$0x0] =	wrdreg $0x60  }
0xae: {  	[dreg:$0x2] =	wrdreg s2  }
0xaf: {  	[dreg:$0x3] =	wrdreg s24  }
0xb0: {  	[dreg:$0x4] =	wrdreg $0x43000  }
0xb1: {  	[dreg:$0x5] =	wrdreg $0x9  }
0xb2: {  	_ =	task.clear_ibuf [dreg:s7], $0x6FFFF;
	_ =	strace $0x90000046  }
0xb3: {  	s29 =	simm.s32 $0x9;
	_ =	strace $0x80000048  }
0xb4: {  	_ =	swait.ge [sflag:s29], $0x1  }
0xb5: {  	[sflag:s29] =	ssyncadd.s32 $0xFFFFFFFF  }
0xb6: {  	_ =	strace $0x90000048  }
0xb7: {  	_ =	sfence  }
0xb8: {  	s30 =	sld [smem:$0x0];
	_ =	sdelay $0x2  }
0xb9: {  	s31 =	sshll.u32 s1, $0xD;
	s1 =	sshrl.u32 s1, $0x2  }
0xba: {  	s3 =	sand.u32 $0x4000, s31;
	s1 =	sadd.s32 s1, s30  }
0xbb: {  	s0 =	sor.u32 s3, s0;
	s1 =	sshll.u32 s1, $0x11  }
0xbc: {  	s0 =	sor.u32 s1, s0  }
0xbd: {  	s0 =	sadd.s32 $0x8F2B, s0  }
0xbe: {  	[sflag:s0] =	ssyncadd.remote.s32 $0x1  }
0xbf: {  	_ =	sfence.sel $0xFFFF  }
0xc0: {  	[dreg:$0x0] =	wrdreg $0xFFFFFFFF;
	(pc) =	sbr.abs _section_cstart, $3  }
0xc1: {  	[dreg:$0x1] =	wrdreg $0xFFFFFFFF  }
0xc2: {  	_ =	task.clear_ibuf [dreg:s7], $0x2FFFF;
	_ =	strace $0x9FFFFFFF  }
0xc3: {  	(tm) =	ssettm $0x7FFFFFFF  }
tec
execute0_lowered:
.L_overlay_start_1:
0x0: {  	(tag) =	ssettag $0x1  }
0x1: {  	s6 =	rddreg [dreg:$0x0]  }
0x2: {  	s7 =	rddreg [dreg:$0x1];
	s1 =	srdreg.scid  }
0x3: {  	s0 =	stileid.u32;
	s2 =	rddreg [dreg:$0x2]  }
0x4: {  	s3 =	simm.s32 $0x0;
	s13 =	simm.s32 $0x50;
	s14 =	simm.s32 $0x80  }
0x5: {  	s15 =	simm.s32 $0x100;
	s16 =	simm.s32 $0x180;
	s17 =	simm.s32 $0x200  }
0x6: {  	s18 =	simm.s32 $0x1;
	s19 =	simm.s32 $0x2;
	s20 =	simm.s32 $0x3  }
0x7: {  	s21 =	simm.s32 $0x4;
	s22 =	simm.s32 $0x5;
	s23 =	simm.s32 $0x0  }
0x8: {  	s8 =	sand.u32 $0x1, s1;
	s9 =	smul.u32 $0x280, s0;
	s1 =	rddreg [dreg:$0x3]  }
0x9: {  	[smem:$0x7FF] =	sst s3;
	s4 =	sadd.s32 $0x1A00, s7;
	s12 =	sshll.u32 s0, $0xB  }
0xa: {  	s5 =	smul.u32 $0x2800, s8;
	_ =	strace $0x80000047;
	s11 =	ssub.s32 $0x2, s8  }
0xb: {  	s31 =	sshll.u32 s8, $0xF;
	s6 =	sadd.s32 s6, s12;
	s12 =	simm.s32 $0x4080  }
0xc: {  	s30 =	sshrl.u32 s11, $0x1;
	s6 =	sadd.s32 s31, s6;
	s10 =	sadd.s32 s9, s5  }
0xd: {  	s5 =	sadd.s32 $0x1C00, s7;
	s11 =	ssub.s32 s11, s30;
	s10 =	sshrl.u32 s10, $0x3  }
0xe: {  	s10 =	sadd.s32 s10, s7;
	s7 =	sadd.s32 s9, s2;
	s9 =	smax.u32 s11, $0x1  }
0xf: {  	s11 =	simm.s32 $0x6;
	s8 =	sadd.s32 $0x1E00, s10;
	s10 =	simm.s32 $0x4000  }
.LBB2_1:
0x10: {  	[tilespmem:s10], [sflag:$0x6] =	stream.linear.gather [hbm4b:s4+s3], $0x80, $0x38;
	[tilespmem:$0x4580] =	vst v63  }
0x11: {  	_ =	swait.ge [sflag:s11], $0x80  }
0x12: {  	[sflag:s11] =	ssyncset.done $0x0  }
0x13: {  	[sflag:s11] =	ssyncadd.s32 $0xFFFFFF80  }
0x14: {  	[tilespmem:s12], [sflag:$0x6] =	stream.linear.gather [hbm4b:s5+s3], $0x280, $0x38;
	[tilespmem:$0x4580] =	vst v63  }
0x15: {  	_ =	swait.ge [sflag:s11], $0x280  }
0x16: {  	[sflag:s11] =	ssyncset.done $0x0  }
0x17: {  	[sflag:s11] =	ssyncadd.s32 $0xFFFFFD80  }
0x18: {  	[tilespmem:s3], [sflag:$0x6] =	stream.linear.gather [hbm4b:s6+s3], $0x3E80, $0x38;
	[tilespmem:$0x4580] =	vst v63  }
0x19: {  	_ =	swait.ge [sflag:s11], $0x3E80  }
0x1a: {  	[sflag:s11] =	ssyncset.done $0x0  }
0x1b: {  	[sflag:s11] =	ssyncadd.s32 $0xFFFFC180  }
0x1c: {  	[spmem:s7] =	stream.linear.scatter [tilespmem:s12], [sflag:$0x6], $0x280, $0x38;
	[tilespmem:$0x4580] =	vst v63  }
0x1d: {  	_ =	swait.ge [sflag:s11], $0x280  }
0x1e: {  	[sflag:s11] =	ssyncset.done $0x0  }
0x1f: {  	[sflag:s11] =	ssyncadd.s32 $0xFFFFFD80  }
0x20: {  	[bflag:$0x0] =	sbarrier.arrive $0xFFFF  }
0x21: {  	[spmem:s2] =	stream.indirect.scatter.add.f32 [tilespmem:s10], [sflag:$0x1], $0x1, s3, s13, $0xb8;
	[tilespmem:$0x4580] =	vst v63  }
0x22: {  	_ = 	snop  }
0x23: {  	[spmem:s2] =	stream.indirect.scatter.add.f32 [tilespmem:s10], [sflag:$0x2], $0x1, s14, s13, $0xb8;
	[tilespmem:$0x4580] =	vst v63  }
0x24: {  	_ = 	snop  }
0x25: {  	[spmem:s2] =	stream.indirect.scatter.add.f32 [tilespmem:s10], [sflag:$0x3], $0x1, s15, s13, $0xb8;
	[tilespmem:$0x4580] =	vst v63  }
0x26: {  	_ = 	snop  }
0x27: {  	[spmem:s2] =	stream.indirect.scatter.add.f32 [tilespmem:s10], [sflag:$0x4], $0x1, s16, s13, $0xb8;
	[tilespmem:$0x4580] =	vst v63  }
0x28: {  	_ = 	snop  }
0x29: {  	[spmem:s2] =	stream.indirect.scatter.add.f32 [tilespmem:s10], [sflag:$0x5], $0x1, s17, s13, $0xb8;
	[tilespmem:$0x4580] =	vst v63  }
0x2a: {  	_ =	swait.ge [sflag:s18], $0x50  }
0x2b: {  	[sflag:s18] =	ssyncset.done $0x0  }
0x2c: {  	s24 =	simm.s32 $0x280;
	[sflag:s18] =	ssyncadd.s32 $0xFFFFFFB0  }
0x2d: {  	[spmem:s2] =	stream.indirect.scatter.add.f32 [tilespmem:s10], [sflag:$0x1], $0x1, s24, s13, $0xb8;
	[tilespmem:$0x4580] =	vst v63  }
0x2e: {  	_ =	swait.ge [sflag:s19], $0x50  }
0x2f: {  	[sflag:s19] =	ssyncset.done $0x0  }
0x30: {  	s29 =	simm.s32 $0x300;
	[sflag:s19] =	ssyncadd.s32 $0xFFFFFFB0  }
0x31: {  	[spmem:s2] =	stream.indirect.scatter.add.f32 [tilespmem:s10], [sflag:$0x2], $0x1, s29, s13, $0xb8;
	[tilespmem:$0x4580] =	vst v63  }
0x32: {  	_ =	swait.ge [sflag:s20], $0x50  }
0x33: {  	[sflag:s20] =	ssyncset.done $0x0  }
0x34: {  	s30 =	simm.s32 $0x380;
	[sflag:s20] =	ssyncadd.s32 $0xFFFFFFB0  }
0x35: {  	[spmem:s2] =	stream.indirect.scatter.add.f32 [tilespmem:s10], [sflag:$0x3], $0x1, s30, s13, $0xb8;
	[tilespmem:$0x4580] =	vst v63  }
0x36: {  	_ =	swait.ge [sflag:s21], $0x50  }
0x37: {  	[sflag:s21] =	ssyncset.done $0x0  }
0x38: {  	s31 =	simm.s32 $0x400;
	[sflag:s21] =	ssyncadd.s32 $0xFFFFFFB0  }
0x39: {  	[spmem:s2] =	stream.indirect.scatter.add.f32 [tilespmem:s10], [sflag:$0x4], $0x1, s31, s13, $0xb8;
	[tilespmem:$0x4580] =	vst v63  }
0x3a: {  	_ =	swait.ge [sflag:s22], $0x50  }
0x3b: {  	[sflag:s22] =	ssyncset.done $0x0  }
0x3c: {  	s25 =	simm.s32 $0x480;
	s24 =	simm.s32 $0xFFFF1A00;
	[sflag:s22] =	ssyncadd.s32 $0xFFFFFFB0  }
.LBB2_2:
0x3d: {  	[spmem:s2] =	stream.indirect.scatter.add.f32 [tilespmem:s10], [sflag:$0x5], $0x1, s25, s13, $0xb8;
	[tilespmem:$0x4580] =	vst v63  }
0x3e: {  	s25 =	smov.u32 s24  }
0x3f: {  	p0 =	sne.s32 s24, $0xFFFFF600;
	s24 =	sadd.s32 $0xA00, s24;
	_ =	swait.ge [sflag:s18], $0x50  }
0x40: {  	s25 =	sshra.s32 s25, $0x2;
	[sflag:s18] =	ssyncset.done $0x0  }
0x41: {  	s26 =	sadd.s32 $0x3E80, s25;
	[sflag:s18] =	ssyncadd.s32 $0xFFFFFFB0  }
0x42: {  	[spmem:s2] =	stream.indirect.scatter.add.f32 [tilespmem:s10], [sflag:$0x1], $0x1, s26, s13, $0xb8;
	[tilespmem:$0x4580] =	vst v63  }
0x43: {  	_ =	swait.ge [sflag:s19], $0x50  }
0x44: {  	[sflag:s19] =	ssyncset.done $0x0  }
0x45: {  	s26 =	sadd.s32 $0x3F00, s25;
	[sflag:s19] =	ssyncadd.s32 $0xFFFFFFB0  }
0x46: {  	[spmem:s2] =	stream.indirect.scatter.add.f32 [tilespmem:s10], [sflag:$0x2], $0x1, s26, s13, $0xb8;
	[tilespmem:$0x4580] =	vst v63  }
0x47: {  	_ =	swait.ge [sflag:s20], $0x50  }
0x48: {  	[sflag:s20] =	ssyncset.done $0x0  }
0x49: {  	s26 =	sadd.s32 $0x3F80, s25;
	[sflag:s20] =	ssyncadd.s32 $0xFFFFFFB0  }
0x4a: {  	[spmem:s2] =	stream.indirect.scatter.add.f32 [tilespmem:s10], [sflag:$0x3], $0x1, s26, s13, $0xb8;
	[tilespmem:$0x4580] =	vst v63  }
0x4b: {  	_ =	swait.ge [sflag:s21], $0x50  }
0x4c: {  	[sflag:s21] =	ssyncset.done $0x0  }
.Ltmp0:
0x4d: {  	s26 =	sadd.s32 $0x4000, s25;
	[sflag:s21] =	ssyncadd.s32 $0xFFFFFFB0;
	(pc) =	sbr.rel @p0 .LBB2_2-.Ltmp0, $4  }
0x4e: {  	[spmem:s2] =	stream.indirect.scatter.add.f32 [tilespmem:s10], [sflag:$0x4], $0x1, s26, s13, $0xb8;
	[tilespmem:$0x4580] =	vst v63  }
0x4f: {  	_ =	swait.ge [sflag:s22], $0x50  }
0x50: {  	[sflag:s22] =	ssyncset.done $0x0  }
0x51: {  	s25 =	sadd.s32 $0x4080, s25;
	[sflag:s22] =	ssyncadd.s32 $0xFFFFFFB0  }
0x52: {  	[spmem:s2] =	stream.indirect.scatter.add.f32 [tilespmem:s10], [sflag:$0x5], $0x1, s25, s13, $0xb8;
	[tilespmem:$0x4580] =	vst v63  }
0x53: {  	_ =	swait.ge [sflag:s18], $0x50  }
0x54: {  	[sflag:s18] =	ssyncset.done $0x0  }
0x55: {  	[sflag:s18] =	ssyncadd.s32 $0xFFFFFFB0  }
0x56: {  	_ =	swait.ge [sflag:s19], $0x50  }
0x57: {  	[sflag:s19] =	ssyncset.done $0x0  }
0x58: {  	[sflag:s19] =	ssyncadd.s32 $0xFFFFFFB0  }
0x59: {  	_ =	swait.ge [sflag:s20], $0x50  }
0x5a: {  	[sflag:s20] =	ssyncset.done $0x0  }
0x5b: {  	[sflag:s20] =	ssyncadd.s32 $0xFFFFFFB0  }
0x5c: {  	_ =	swait.ge [sflag:s21], $0x50  }
0x5d: {  	[sflag:s21] =	ssyncset.done $0x0  }
0x5e: {  	[sflag:s21] =	ssyncadd.s32 $0xFFFFFFB0  }
0x5f: {  	_ =	swait.ge [sflag:s22], $0x50  }
0x60: {  	[sflag:s22] =	ssyncset.done $0x0  }
0x61: {  	[sflag:s22] =	ssyncadd.s32 $0xFFFFFFB0  }
0x62: {  	[bflag:$0x0] =	sbarrier.arrive $0xFFFF  }
0x63: {  	[tilespmem:s12], [sflag:$0x6] =	stream.linear.gather [spmem:s7], $0x280, $0x38;
	[tilespmem:$0x4580] =	vst v63  }
0x64: {  	s23 =	sadd.s32 $0x1, s23;
	_ =	swait.ge [sflag:s11], $0x280  }
0x65: {  	p0 =	sne.s32 s23, s9;
	[sflag:s11] =	ssyncset.done $0x0  }
.Ltmp1:
0x66: {  	[sflag:s11] =	ssyncadd.s32 $0xFFFFFD80;
	(pc) =	sbr.rel @p0 .LBB2_1-.Ltmp1, $4  }
0x67: {  	[hbm4b:s8+s3] =	stream.linear.scatter [tilespmem:s12], [sflag:$0x6], $0x280, $0x38;
	[tilespmem:$0x4580] =	vst v63  }
0x68: {  	_ =	swait.ge [sflag:s11], $0x280  }
0x69: {  	[sflag:s11] =	ssyncset.done $0x0  }
0x6a: {  	[sflag:s11] =	ssyncadd.s32 $0xFFFFFD80  }
0x6b: {  	_ =	sfence.sel $0x180000  }
0x6c: {  	[bflag:$0x0] =	sbarrier.arrive $0xFFFF  }
0x6d: {  	p0 =	sne.s32 s0, $0x0;
	_ =	strace $0x90000047  }
0x6e: {  	s0 =	sadd.s32 @!p0 $0x100000, s1;
	[bflag:$0x2] =	sbarrier.arrive $0xFFFF  }
0x6f: {  	[sflag:s0] =	ssyncadd.tile.s32 @!p0 $0x1;
	_ =	shalt  }
.Lfunc_end2:
_tile_overlayer_lowered:
.L_overlay_start_2:
0x70: {  	(tag) =	ssettag $0x2  }
0x71: {  	s0 =	rddreg [dreg:$0x0];
	s2 =	stileid.u32  }
0x72: {  	s1 =	rddreg [dreg:$0x1];
	p0 =	sne.s32 s2, $0x0  }
0x73: {  	s3 =	rddreg [dreg:$0x2];
	[bflag:$0x3] =	sbarrier.arrive $0xFFFF;
	s2 =	simm.s32 @!p0 $0x1C06  }
0x74: {  	[timem:s3], [sflag:s2] =	dma.local @!p0 [hbm:s0], s1  }
0x75: {  	s0 =	simm.s32 @!p0 $0x6  }
0x76: {  	_ =	swait.ge @!p0 [sflag:s0], s1  }
0x77: {  	s1 =	ssub.s32 @!p0 $0x0, s1;
	[sflag:s0] =	ssyncset.done @!p0 $0x0  }
0x78: {  	[sflag:s0] =	ssyncadd.s32 @!p0 s1  }
0x79: {  	[bflag:$0x3] =	sbarrier.arrive $0xFFFF  }
0x7a: {  	_ =	shalt  }

// kernel: kernel.9.cloned.1.call-start
scs
__scs_entry_jumppad:
0x0: {  	(pc) =	sbr.rel $0x88, $3  }
0x1: {  	(tag) =	ssettag $0x0;
	lr =	simm.s32 $0x1  }
0x2: {  	[smem:$0x3F9D] =	sst lr;
	_ =	strace $0xD0000000  }
0x3: {  	_ = 	snop  }
0x4: {  	_ = 	snop  }
0x5: {  	_ = 	snop  }
0x6: {  	_ = 	snop  }
0x7: {  	_ = 	snop  }
__scs_overlays_trampoline_lowered:
0x8: {  	[smem:$0x3FAC] =	sst s0  }
0x9: {  	[smem:$0x3FAD] =	sst s1  }
0xa: {  	[smem:$0x3FAE] =	sst s2  }
0xb: {  	[smem:$0x3FAF] =	sst s3  }
0xc: {  	[smem:$0x3FB0] =	sst s4  }
0xd: {  	[smem:$0x3FB1] =	sst s5  }
0xe: {  	[smem:$0x3FB2] =	sst s6  }
0xf: {  	[smem:$0x3FB3] =	sst s7  }
0x10: {  	[smem:$0x3FB4] =	sst s8  }
0x11: {  	[smem:$0x3FB5] =	sst s9;
	s0 =	simm.s32 @!p0 $0x0  }
0x12: {  	s1 =	sld [smem:$0x3F9B];
	s0 =	simm.s32 @p0 $0x1  }
0x13: {  	[smem:$0x3FB6] =	sst s0;
	s0 =	simm.s32 @!p1 $0x0  }
0x14: {  	s2 =	sld [smem:$0x3F9A];
	s0 =	simm.s32 @p1 $0x1  }
0x15: {  	[smem:$0x3FB7] =	sst s0;
	s0 =	simm.s32 @!p2 $0x0  }
0x16: {  	s3 =	sld [smem:$0x3FDB];
	s0 =	simm.s32 @p2 $0x1  }
0x17: {  	s4 =	simm.s32 $0x1BF5;
	[smem:$0x3FB9] =	sst s0  }
0x18: {  	s0 =	sld [smem:$0x3F9C];
	_ =	swait.ge [sflag:s4], $0x0  }
0x19: {  	s7 =	sld [smem:$0x3F9D]  }
0x1a: {  	s8 =	sadd.s32 $0xFFFFE003, lr  }
0x1b: {  	s9 =	sadd.s32 $0xFFFFFEF7, lr;
	s5 =	simm.s32 $0xFFFFFFFF;
	p2 =	slt.u32 s8, $0xFFFFF086  }
0x1c: {  	p1 =	slt.u32 s9, $0xF7A;
	s5 =	simm.s32 @!p2 $0x0  }
0x1d: {  	s5 =	simm.s32 @p1 $0x1;
	p0 =	seq.s32 s7, s2  }
0x1e: {  	s7 =	smul.u32 @!p0 $0xF7A, s2;
	p2 =	seq.s32 @!p0 s5, $0x0  }
0x1f: {  	s9 =	smul.u32 $0xF7A, s1;
	s8 =	simm.s32 @!p0 $0x1BF5;
	p2 =	por !p2, p0  }
0x20: {  	[sflag:s8] =	ssyncset.s32 @!p0 $0xFFFFF086;
	s6 =	sadd.s32 @!p0 s3, s7;
	s7 =	simm.s32 @!p0 $0x108  }
0x21: {  	s3 =	sadd.s32 s3, s9;
	s6 =	sadd.s32 @!p0 $0x88, s6;
	s7 =	simm.s32 @p2 $0x1082  }
0x22: {  	[simem:s7], [sflag:s8] =	dma.local @!p0 [hbm:s6], $0xF7A  }
0x23: {  	s9 =	sor.u32 $0xD0000000, s2;
	s6 =	simm.s32 $0x108;
	_ =	swait.ge @!p0 [sflag:s8], $0x0  }
0x24: {  	s3 =	sadd.s32 $0x88, s3;
	s6 =	simm.s32 @!p1 $0x1082;
	[sflag:s4] =	ssyncset.s32 $0xFFFFF086  }
0x25: {  	[simem:s6], [sflag:s4] =	dma.local [hbm:s3], $0xF7A  }
0x26: {  	[smem:$0x3F9D] =	sst s1;
	(tag) =	ssettag s2;
	_ =	strace s9  }
0x27: {  	s1 =	sld [smem:$0x3FAD]  }
0x28: {  	s2 =	sld [smem:$0x3FAE]  }
0x29: {  	s4 =	sld [smem:$0x3FB0]  }
0x2a: {  	p0 =	seq.s32 s5, $0x0;
	s5 =	sld [smem:$0x3FB1]  }
0x2b: {  	s6 =	sld [smem:$0x3FB2]  }
0x2c: {  	s7 =	sld [smem:$0x3FB3]  }
0x2d: {  	s3 =	simm.s32 $0x108;
	s8 =	sld [smem:$0x3FB4]  }
0x2e: {  	s3 =	simm.s32 @!p0 $0x1082;
	s9 =	sld [smem:$0x3FB5]  }
0x2f: {  	lr =	sadd.s32 s0, s3;
	s0 =	sld [smem:$0x3FAC]  }
0x30: {  	s3 =	sld [smem:$0x3FAF]  }
0x31: {  	[smem:$0x3FB8] =	sst s10  }
0x32: {  	s10 =	sld [smem:$0x3FB6];
	_ =	sdelay $0x3  }
0x33: {  	p0 =	seq.s32 s10, $0x1;
	s10 =	sld [smem:$0x3FB8];
	_ =	sdelay $0x3  }
0x34: {  	[smem:$0x3FB8] =	sst s10  }
0x35: {  	s10 =	sld [smem:$0x3FB7];
	_ =	sdelay $0x3  }
0x36: {  	p1 =	seq.s32 s10, $0x1;
	s10 =	sld [smem:$0x3FB8];
	_ =	sdelay $0x3  }
0x37: {  	[smem:$0x3FB8] =	sst s10  }
0x38: {  	s10 =	sld [smem:$0x3FB9]  }
0x39: {  	_ = 	snop;
	(pc) =	sbr.ind lr, $3  }
0x3a: {  	_ = 	snop  }
0x3b: {  	_ = 	snop  }
0x3c: {  	p2 =	seq.s32 s10, $0x1;
	s10 =	sld [smem:$0x3FB8]  }
0x3d: {  	_ =	shalt  }
0x3e: {  	_ =	shalt  }
0x3f: {  	_ =	shalt  }
0x40: {  	_ =	shalt  }
0x41: {  	_ =	shalt  }
0x42: {  	_ =	shalt  }
0x43: {  	_ =	shalt  }
0x44: {  	_ =	shalt  }
0x45: {  	_ =	shalt  }
0x46: {  	_ =	shalt  }
0x47: {  	_ =	shalt  }
0x48: {  	_ =	shalt  }
0x49: {  	_ =	shalt  }
0x4a: {  	_ =	shalt  }
0x4b: {  	_ =	shalt  }
0x4c: {  	_ =	shalt  }
0x4d: {  	_ =	shalt  }
0x4e: {  	_ =	shalt  }
0x4f: {  	_ =	shalt  }
0x50: {  	_ =	shalt  }
0x51: {  	_ =	shalt  }
0x52: {  	_ =	shalt  }
0x53: {  	_ =	shalt  }
0x54: {  	_ =	shalt  }
0x55: {  	_ =	shalt  }
0x56: {  	_ =	shalt  }
0x57: {  	_ =	shalt  }
0x58: {  	_ =	shalt  }
0x59: {  	_ =	shalt  }
0x5a: {  	_ =	shalt  }
0x5b: {  	_ =	shalt  }
0x5c: {  	_ =	shalt  }
0x5d: {  	_ =	shalt  }
0x5e: {  	_ =	shalt  }
0x5f: {  	_ =	shalt  }
0x60: {  	_ =	shalt  }
0x61: {  	_ =	shalt  }
0x62: {  	_ =	shalt  }
0x63: {  	_ =	shalt  }
0x64: {  	_ =	shalt  }
0x65: {  	_ =	shalt  }
0x66: {  	_ =	shalt  }
0x67: {  	_ =	shalt  }
0x68: {  	_ =	shalt  }
0x69: {  	_ =	shalt  }
0x6a: {  	_ =	shalt  }
0x6b: {  	_ =	shalt  }
0x6c: {  	_ =	shalt  }
0x6d: {  	_ =	shalt  }
0x6e: {  	_ =	shalt  }
0x6f: {  	_ =	shalt  }
0x70: {  	_ =	shalt  }
0x71: {  	_ =	shalt  }
0x72: {  	_ =	shalt  }
0x73: {  	_ =	shalt  }
0x74: {  	_ =	shalt  }
0x75: {  	_ =	shalt  }
0x76: {  	_ =	shalt  }
0x77: {  	_ =	shalt  }
0x78: {  	_ =	shalt  }
0x79: {  	_ =	shalt  }
0x7a: {  	_ =	shalt  }
0x7b: {  	_ =	shalt  }
0x7c: {  	_ =	shalt  }
0x7d: {  	_ =	shalt  }
0x7e: {  	_ =	shalt  }
0x7f: {  	_ =	shalt  }
0x80: {  	_ =	shalt  }
0x81: {  	_ =	shalt  }
0x82: {  	_ =	shalt  }
0x83: {  	_ =	shalt  }
0x84: {  	_ =	shalt  }
0x85: {  	_ =	shalt  }
0x86: {  	_ =	shalt  }
0x87: {  	_ =	shalt  }
.Lfunc_end0:
.L_simem_size_0:
called_computation.1_lowered:
.L_overlay_start_0:
0x88: {  	s2 =	sld [smem:$0x3FD9]  }
0x89: {  	s3 =	sld [smem:$0x3FFE];
	_ =	sdelay $0x1  }
0x8a: {  	s1 =	srdreg.scid  }
0x8b: {  	s0 =	sand.u32 $0x1, s1  }
0x8c: {  	s16 =	sshll.u32 s0, $0xA;
	s2 =	sadd.s32 s3, s2  }
0x8d: {  	s2 =	sadd.s32 s2, s16  }
0x8e: {  	[smem:$0x3FC4] =	sst s2  }
0x8f: {  	_ = 	snop  }
0x90: {  	(tm) =	ssettm $0x1  }
0x91: {  	s17 =	sld [smem:$0x3FFB];
	_ =	sdelay $0x3  }
0x92: {  	_ =	strace s17  }
0x93: {  	s2 =	sld [smem:$0x3FFC];
	_ =	sdelay $0x3  }
0x94: {  	_ =	strace s2  }
0x95: {  	s2 =	sld [smem:$0x3FFD];
	_ =	sdelay $0x3  }
0x96: {  	_ =	strace s2  }
0x97: {  	_ =	strace $0x8FFFFFFF  }
0x98: {  	s18 =	sld [smem:$0x3FDB];
	_ =	sdelay $0x1  }
0x99: {  	s19 =	simm.s32 $_scs_section_size  }
0x9a: {  	s4 =	simm.s32 $_size__tile_overlayer_lowered;
	s5 =	simm.s32 $_tile_overlayer_lowered  }
0x9b: {  	s22 =	simm.s32 $0x1BFF;
	s21 =	sshll.u32 s5, $0x1;
	s2 =	sadd.s32 s19, s18  }
0x9c: {  	s6 =	simm.s32 $0x0;
	s20 =	sshll.u32 s4, $0x1;
	s4 =	sadd.s32 s21, s2  }
0x9d: {  	[timem:s6], [sflag:s22] =	dma.local [hbm:s4], s20  }
0x9e: {  	_ =	swait.ge [sflag:s22], s20  }
0x9f: {  	s3 =	ssub.s32 $0x0, s20;
	[sflag:s22] =	ssyncset.done $0x0  }
0xa0: {  	[sflag:s22] =	ssyncadd.s32 s3;
	_ =	sdelay $0x1  }
0xa1: {  	s23 =	simm.s32 $0x1B8B  }
0xa2: {  	_ =	swait.ge [sflag:s23], $0x1  }
0xa3: {  	[sflag:s23] =	ssyncset.done $0x0  }
0xa4: {  	s25 =	simm.s32 $0x1B8E;
	s24 =	sld [smem:$0x3FFE];
	[sflag:s23] =	ssyncadd.s32 $0xFFFFFFFF  }
0xa5: {  	s26 =	simm.s32 $execute0_lowered;
	[smem:$0x3FD2] =	sst s25  }
0xa6: {  	s4 =	sshll.u32 s26, $0x1;
	_ =	strace $0x80000049;
	[dreg:$0x1] =	wrdreg $0xFFFFFFFF  }
0xa7: {  	s28 =	simm.s32 $_size_execute0_lowered;
	s2 =	sadd.s32 s2, s4;
	[dreg:$0x0] =	wrdreg $0x0  }
0xa8: {  	s4 =	sshll.u32 s28, $0x1;
	[dreg:$0x2] =	wrdreg s2  }
0xa9: {  	[dreg:$0x3] =	wrdreg s4  }
0xaa: {  	[dreg:$0x4] =	wrdreg $0xC0  }
0xab: {  	_ =	task [dreg:s6], $0x5FFFF  }
0xac: {  	[dreg:$0x1] =	wrdreg $0xFFFFFFFF  }
0xad: {  	[dreg:$0x0] =	wrdreg $0x60  }
0xae: {  	[dreg:$0x2] =	wrdreg s24  }
0xaf: {  	[dreg:$0x3] =	wrdreg $0x140000  }
0xb0: {  	[dreg:$0x4] =	wrdreg $0x9  }
0xb1: {  	_ =	task.clear_ibuf [dreg:s6], $0x5FFFF;
	_ =	strace $0x90000049  }
0xb2: {  	s29 =	simm.s32 $0x9;
	_ =	strace $0x8000004B  }
0xb3: {  	_ =	swait.ge [sflag:s29], $0x1  }
0xb4: {  	[sflag:s29] =	ssyncadd.s32 $0xFFFFFFFF  }
0xb5: {  	_ =	strace $0x9000004B  }
0xb6: {  	_ =	sfence  }
0xb7: {  	s30 =	sld [smem:$0x0];
	_ =	sdelay $0x2  }
0xb8: {  	s31 =	sshll.u32 s1, $0xD;
	s1 =	sshrl.u32 s1, $0x2  }
0xb9: {  	s3 =	sand.u32 $0x4000, s31;
	s1 =	sadd.s32 s1, s30  }
0xba: {  	s0 =	sor.u32 s3, s0;
	s1 =	sshll.u32 s1, $0x11  }
0xbb: {  	s0 =	sor.u32 s1, s0  }
0xbc: {  	s0 =	sadd.s32 $0x8F2B, s0  }
0xbd: {  	[sflag:s0] =	ssyncadd.remote.s32 $0x1  }
0xbe: {  	_ =	sfence.sel $0xFFFF  }
0xbf: {  	[dreg:$0x0] =	wrdreg $0xFFFFFFFF;
	(pc) =	sbr.abs _section_cstart, $3  }
0xc0: {  	[dreg:$0x1] =	wrdreg $0xFFFFFFFF  }
0xc1: {  	_ =	task.clear_ibuf [dreg:s6], $0x2FFFF;
	_ =	strace $0x9FFFFFFF  }
0xc2: {  	(tm) =	ssettm $0x7FFFFFFF  }
0xc3: {  	_ =	shalt  }
tec
execute0_lowered:
.L_overlay_start_1:
0x0: {  	(tag) =	ssettag $0x1  }
0x1: {  	s0 =	rddreg [dreg:$0x0]  }
0x2: {  	s2 =	rddreg [dreg:$0x1];
	s3 =	simm.s32 $0x0  }
0x3: {  	s7 =	stileid.u32;
	s1 =	srdreg.scid;
	s28 =	simm.s32 $0xE000  }
0x4: {  	s29 =	simm.s32 $0x10000;
	s30 =	simm.s32 $0x12000;
	s31 =	simm.s32 $0x1  }
0x5: {  	s13 =	simm.s32 $0xA;
	s14 =	simm.s32 $0xB;
	s4 =	smul.u32 $0xA00, s7  }
0x6: {  	s16 =	simm.s32 $0xC;
	s1 =	sand.u32 $0x1, s1;
	s7 =	smul.u32 $0xA000, s7  }
0x7: {  	[smem:$0x7FF] =	sst s3;
	s5 =	smul.u32 $0x14000, s1;
	s1 =	ssub.s32 $0x2, s1  }
0x8: {  	_ =	strace $0x8000004A;
	s4 =	sadd.s32 s4, s0;
	s6 =	sshrl.u32 s1, $0x1  }
0x9: {  	s8 =	sshrl.u32 s7, $0x3;
	s19 =	sadd.s32 $0x2000, s7;
	s22 =	sadd.s32 $0x4000, s7  }
0xa: {  	s23 =	sadd.s32 $0x6000, s7;
	s18 =	sadd.s32 $0x2800, s4;
	[dreg:$0x4] =	wrdreg s8  }
0xb: {  	s9 =	sadd.s32 $0x8000, s7;
	s4 =	sadd.s32 $0xC800, s4;
	[dreg:$0x3] =	wrdreg s18  }
0xc: {  	s17 =	sadd.s32 s7, s2;
	s21 =	sshrl.u32 s19, $0x3;
	[dreg:$0x5] =	wrdreg s4  }
0xd: {  	s7 =	simm.s32 $0x6;
	s10 =	sshrl.u32 s22, $0x3;
	[dreg:$0x7] =	wrdreg s21  }
0xe: {  	s0 =	sadd.s32 s5, s0;
	s11 =	sshrl.u32 s23, $0x3;
	[dreg:$0x9] =	wrdreg s10  }
0xf: {  	s1 =	ssub.s32 s1, s6;
	s25 =	sshrl.u32 s9, $0x3;
	[dreg:$0xa] =	wrdreg s11  }
0x10: {  	s6 =	simm.s32 $0x9;
	s5 =	sadd.s32 $0x66800, s0;
	[dreg:$0xd] =	wrdreg s25  }
0x11: {  	s18 =	sadd.s32 s19, s2;
	s19 =	sadd.s32 s22, s2;
	s22 =	sadd.s32 $0x8E800, s0  }
0x12: {  	s26 =	smax.u32 s1, $0x1;
	s0 =	simm.s32 $0x2;
	s1 =	simm.s32 $0x3  }
0x13: {  	s20 =	sadd.s32 s8, s5;
	s4 =	sadd.s32 s21, s5;
	[dreg:$0xf] =	wrdreg s26  }
0x14: {  	s10 =	sadd.s32 s10, s5;
	s24 =	sadd.s32 s11, s5;
	[dreg:$0x6] =	wrdreg s20  }
0x15: {  	s21 =	sadd.s32 s9, s2;
	s26 =	simm.s32 $0xC000;
	[dreg:$0x8] =	wrdreg s4  }
0x16: {  	s8 =	simm.s32 $0x7;
	s9 =	simm.s32 $0x80;
	[dreg:$0xb] =	wrdreg s10  }
0x17: {  	s11 =	simm.s32 $0x0;
	[dreg:$0xc] =	wrdreg s24;
	s10 =	sadd.s32 s25, s5  }
0x18: {  	s20 =	sadd.s32 s23, s2;
	s25 =	simm.s32 $0xA000;
	s24 =	simm.s32 $0x4  }
0x19: {  	s4 =	simm.s32 $0x5;
	[dreg:$0xe] =	wrdreg s10;
	s10 =	simm.s32 $0x8  }
.LBB2_1:
0x1a: {  	s12 =	rddreg [dreg:$0x3]  }
0x1b: {  	[tilespmem:s3], [sflag:$0xB] =	stream.linear.gather [hbm4b:s12+s3], $0x5000, $0x38;
	[tilespmem:$0x1E000] =	vst v63  }
0x1c: {  	s23 =	rddreg [dreg:$0x5];
	s15 =	simm.s32 $0x5000  }
0x1d: {  	[tilespmem:s15], [sflag:$0xC] =	stream.linear.gather [hbm4b:s23+s3], $0x5000, $0x38;
	[tilespmem:$0x1E000] =	vst v63  }
0x1e: {  	s23 =	rddreg [dreg:$0x6]  }
0x1f: {  	[tilespmem:s25], [sflag:$0x1] =	stream.linear.gather [hbm4b:s23+s3], $0x2000, $0x38;
	[tilespmem:$0x1E000] =	vst v63  }
0x20: {  	s15 =	rddreg [dreg:$0x8]  }
0x21: {  	[tilespmem:s26], [sflag:$0x2] =	stream.linear.gather [hbm4b:s15+s3], $0x2000, $0x38;
	[tilespmem:$0x1E000] =	vst v63  }
0x22: {  	s23 =	rddreg [dreg:$0xb]  }
0x23: {  	[tilespmem:s28], [sflag:$0x3] =	stream.linear.gather [hbm4b:s23+s3], $0x2000, $0x38;
	[tilespmem:$0x1E000] =	vst v63  }
0x24: {  	s15 =	rddreg [dreg:$0xc]  }
0x25: {  	[tilespmem:s29], [sflag:$0x4] =	stream.linear.gather [hbm4b:s15+s3], $0x2000, $0x38;
	[tilespmem:$0x1E000] =	vst v63  }
0x26: {  	s23 =	rddreg [dreg:$0xe]  }
0x27: {  	[tilespmem:s30], [sflag:$0x5] =	stream.linear.gather [hbm4b:s23+s3], $0x2000, $0x38;
	[tilespmem:$0x1E000] =	vst v63  }
0x28: {  	_ =	swait.ge [sflag:s31], $0x2000  }
0x29: {  	[sflag:s31] =	ssyncset.done $0x0  }
0x2a: {  	[sflag:s31] =	ssyncadd.s32 $0xFFFFE000  }
0x2b: {  	[spmem:s17] =	stream.linear.scatter [tilespmem:s25], [sflag:$0x6], $0x2000, $0x38;
	[tilespmem:$0x1E000] =	vst v63  }
0x2c: {  	_ =	swait.ge [sflag:s0], $0x2000  }
0x2d: {  	[sflag:s0] =	ssyncset.done $0x0  }
0x2e: {  	[sflag:s0] =	ssyncadd.s32 $0xFFFFE000  }
0x2f: {  	[spmem:s18] =	stream.linear.scatter [tilespmem:s26], [sflag:$0x7], $0x2000, $0x38;
	[tilespmem:$0x1E000] =	vst v63  }
0x30: {  	_ =	swait.ge [sflag:s1], $0x2000  }
0x31: {  	[sflag:s1] =	ssyncset.done $0x0  }
0x32: {  	[sflag:s1] =	ssyncadd.s32 $0xFFFFE000  }
0x33: {  	[spmem:s19] =	stream.linear.scatter [tilespmem:s28], [sflag:$0x8], $0x2000, $0x38;
	[tilespmem:$0x1E000] =	vst v63  }
0x34: {  	_ =	swait.ge [sflag:s24], $0x2000  }
0x35: {  	[sflag:s24] =	ssyncset.done $0x0  }
0x36: {  	[sflag:s24] =	ssyncadd.s32 $0xFFFFE000  }
0x37: {  	[spmem:s20] =	stream.linear.scatter [tilespmem:s29], [sflag:$0x9], $0x2000, $0x38;
	[tilespmem:$0x1E000] =	vst v63  }
0x38: {  	_ =	swait.ge [sflag:s4], $0x2000  }
0x39: {  	[sflag:s4] =	ssyncset.done $0x0  }
0x3a: {  	[sflag:s4] =	ssyncadd.s32 $0xFFFFE000  }
0x3b: {  	[spmem:s21] =	stream.linear.scatter [tilespmem:s30], [sflag:$0xA], $0x2000, $0x38;
	[tilespmem:$0x1E000] =	vst v63  }
0x3c: {  	_ =	swait.ge [sflag:s7], $0x2000  }
0x3d: {  	[sflag:s7] =	ssyncset.done $0x0  }
0x3e: {  	[sflag:s7] =	ssyncadd.s32 $0xFFFFE000  }
0x3f: {  	_ =	swait.ge [sflag:s8], $0x2000  }
0x40: {  	[sflag:s8] =	ssyncset.done $0x0  }
0x41: {  	[sflag:s8] =	ssyncadd.s32 $0xFFFFE000  }
0x42: {  	_ =	swait.ge [sflag:s10], $0x2000  }
0x43: {  	[sflag:s10] =	ssyncset.done $0x0  }
0x44: {  	[sflag:s10] =	ssyncadd.s32 $0xFFFFE000  }
0x45: {  	_ =	swait.ge [sflag:s6], $0x2000  }
0x46: {  	[sflag:s6] =	ssyncset.done $0x0  }
0x47: {  	[sflag:s6] =	ssyncadd.s32 $0xFFFFE000  }
0x48: {  	_ =	swait.ge [sflag:s13], $0x2000  }
0x49: {  	[sflag:s13] =	ssyncset.done $0x0  }
0x4a: {  	[sflag:s13] =	ssyncadd.s32 $0xFFFFE000  }
0x4b: {  	_ =	swait.ge [sflag:s14], $0x5000  }
0x4c: {  	[sflag:s14] =	ssyncset.done $0x0  }
0x4d: {  	[sflag:s14] =	ssyncadd.s32 $0xFFFFB000  }
0x4e: {  	_ =	swait.ge [sflag:s16], $0x5000  }
0x4f: {  	[sflag:s16] =	ssyncset.done $0x0  }
0x50: {  	[sflag:s16] =	ssyncadd.s32 $0xFFFFB000  }
0x51: {  	[bflag:$0x0] =	sbarrier.arrive $0xFFFF  }
0x52: {  	[tilespmem:s25], [sflag:$0x1] =	stream.indirect.gather [hbm4b:s5+s9], $0x40, s3, s9, $0xb8;
	[tilespmem:$0x1E000] =	vst v63  }
0x53: {  	_ = 	snop  }
0x54: {  	[tilespmem:s26], [sflag:$0x2] =	stream.indirect.gather [hbm4b:s5+s9], $0x40, s9, s9, $0xb8;
	[tilespmem:$0x1E000] =	vst v63  }
0x55: {  	s15 =	simm.s32 $0x100  }
0x56: {  	[tilespmem:s28], [sflag:$0x3] =	stream.indirect.gather [hbm4b:s5+s9], $0x40, s15, s9, $0xb8;
	[tilespmem:$0x1E000] =	vst v63  }
0x57: {  	s23 =	simm.s32 $0x180  }
0x58: {  	[tilespmem:s29], [sflag:$0x4] =	stream.indirect.gather [hbm4b:s5+s9], $0x40, s23, s9, $0xb8;
	[tilespmem:$0x1E000] =	vst v63  }
0x59: {  	s15 =	simm.s32 $0x200  }
0x5a: {  	[tilespmem:s30], [sflag:$0x5] =	stream.indirect.gather [hbm4b:s5+s9], $0x40, s15, s9, $0xb8;
	[tilespmem:$0x1E000] =	vst v63  }
0x5b: {  	_ =	swait.ge [sflag:s31], $0x2000  }
0x5c: {  	[sflag:s31] =	ssyncset.done $0x0  }
0x5d: {  	s23 =	simm.s32 $0x5000;
	[sflag:s31] =	ssyncadd.s32 $0xFFFFE000  }
0x5e: {  	[spmem:s2] =	stream.indirect.scatter.add.f32 [tilespmem:s25], [sflag:$0x6], $0x40, s23, s9, $0xb8;
	[tilespmem:$0x1E000] =	vst v63  }
0x5f: {  	_ =	swait.ge [sflag:s0], $0x2000  }
0x60: {  	[sflag:s0] =	ssyncset.done $0x0  }
0x61: {  	s15 =	simm.s32 $0x5080;
	[sflag:s0] =	ssyncadd.s32 $0xFFFFE000  }
0x62: {  	[spmem:s2] =	stream.indirect.scatter.add.f32 [tilespmem:s26], [sflag:$0x7], $0x40, s15, s9, $0xb8;
	[tilespmem:$0x1E000] =	vst v63  }
0x63: {  	_ =	swait.ge [sflag:s1], $0x2000  }
0x64: {  	[sflag:s1] =	ssyncset.done $0x0  }
0x65: {  	s23 =	simm.s32 $0x5100;
	[sflag:s1] =	ssyncadd.s32 $0xFFFFE000  }
0x66: {  	[spmem:s2] =	stream.indirect.scatter.add.f32 [tilespmem:s28], [sflag:$0x8], $0x40, s23, s9, $0xb8;
	[tilespmem:$0x1E000] =	vst v63  }
0x67: {  	_ =	swait.ge [sflag:s24], $0x2000  }
0x68: {  	[sflag:s24] =	ssyncset.done $0x0  }
0x69: {  	s15 =	simm.s32 $0x5180;
	[sflag:s24] =	ssyncadd.s32 $0xFFFFE000  }
0x6a: {  	[spmem:s2] =	stream.indirect.scatter.add.f32 [tilespmem:s29], [sflag:$0x9], $0x40, s15, s9, $0xb8;
	[tilespmem:$0x1E000] =	vst v63  }
0x6b: {  	_ =	swait.ge [sflag:s4], $0x2000  }
0x6c: {  	[sflag:s4] =	ssyncset.done $0x0  }
0x6d: {  	s23 =	simm.s32 $0x5200;
	[sflag:s4] =	ssyncadd.s32 $0xFFFFE000  }
0x6e: {  	[spmem:s2] =	stream.indirect.scatter.add.f32 [tilespmem:s30], [sflag:$0xA], $0x40, s23, s9, $0xb8;
	[tilespmem:$0x1E000] =	vst v63  }
0x6f: {  	_ =	swait.ge [sflag:s7], $0x2000  }
0x70: {  	[sflag:s7] =	ssyncset.done $0x0  }
0x71: {  	s15 =	simm.s32 $0x280;
	[sflag:s7] =	ssyncadd.s32 $0xFFFFE000  }
0x72: {  	[tilespmem:s25], [sflag:$0x1] =	stream.indirect.gather [hbm4b:s5+s9], $0x40, s15, s9, $0xb8;
	[tilespmem:$0x1E000] =	vst v63  }
0x73: {  	_ =	swait.ge [sflag:s8], $0x2000  }
0x74: {  	[sflag:s8] =	ssyncset.done $0x0  }
0x75: {  	s23 =	simm.s32 $0x300;
	[sflag:s8] =	ssyncadd.s32 $0xFFFFE000  }
0x76: {  	[tilespmem:s26], [sflag:$0x2] =	stream.indirect.gather [hbm4b:s5+s9], $0x40, s23, s9, $0xb8;
	[tilespmem:$0x1E000] =	vst v63  }
0x77: {  	_ =	swait.ge [sflag:s10], $0x2000  }
0x78: {  	[sflag:s10] =	ssyncset.done $0x0  }
0x79: {  	s15 =	simm.s32 $0x380;
	[sflag:s10] =	ssyncadd.s32 $0xFFFFE000  }
0x7a: {  	[tilespmem:s28], [sflag:$0x3] =	stream.indirect.gather [hbm4b:s5+s9], $0x40, s15, s9, $0xb8;
	[tilespmem:$0x1E000] =	vst v63  }
0x7b: {  	_ =	swait.ge [sflag:s6], $0x2000  }
0x7c: {  	[sflag:s6] =	ssyncset.done $0x0  }
0x7d: {  	s23 =	simm.s32 $0x400;
	[sflag:s6] =	ssyncadd.s32 $0xFFFFE000  }
0x7e: {  	[tilespmem:s29], [sflag:$0x4] =	stream.indirect.gather [hbm4b:s5+s9], $0x40, s23, s9, $0xb8;
	[tilespmem:$0x1E000] =	vst v63  }
0x7f: {  	_ =	swait.ge [sflag:s13], $0x2000  }
0x80: {  	[sflag:s13] =	ssyncset.done $0x0  }
0x81: {  	s12 =	simm.s32 $0xA00;
	s23 =	simm.s32 $0x480;
	[sflag:s13] =	ssyncadd.s32 $0xFFFFE000  }
.LBB2_2:
0x82: {  	[tilespmem:s30], [sflag:$0x5] =	stream.indirect.gather [hbm4b:s5+s9], $0x40, s23, s9, $0xb8;
	[tilespmem:$0x1E000] =	vst v63  }
0x83: {  	s23 =	smov.u32 s12  }
0x84: {  	p0 =	sne.s32 s12, $0x12C00;
	s12 =	sadd.s32 $0xA00, s12;
	_ =	swait.ge [sflag:s31], $0x2000  }
0x85: {  	s23 =	sshra.s32 s23, $0x2;
	[sflag:s31] =	ssyncset.done $0x0  }
0x86: {  	s15 =	sadd.s32 $0x5000, s23;
	[sflag:s31] =	ssyncadd.s32 $0xFFFFE000  }
0x87: {  	[spmem:s2] =	stream.indirect.scatter.add.f32 [tilespmem:s25], [sflag:$0x6], $0x40, s15, s9, $0xb8;
	[tilespmem:$0x1E000] =	vst v63  }
0x88: {  	_ =	swait.ge [sflag:s0], $0x2000  }
0x89: {  	[sflag:s0] =	ssyncset.done $0x0  }
0x8a: {  	s15 =	sadd.s32 $0x5080, s23;
	[sflag:s0] =	ssyncadd.s32 $0xFFFFE000  }
0x8b: {  	[spmem:s2] =	stream.indirect.scatter.add.f32 [tilespmem:s26], [sflag:$0x7], $0x40, s15, s9, $0xb8;
	[tilespmem:$0x1E000] =	vst v63  }
0x8c: {  	_ =	swait.ge [sflag:s1], $0x2000  }
0x8d: {  	[sflag:s1] =	ssyncset.done $0x0  }
0x8e: {  	s15 =	sadd.s32 $0x5100, s23;
	[sflag:s1] =	ssyncadd.s32 $0xFFFFE000  }
0x8f: {  	[spmem:s2] =	stream.indirect.scatter.add.f32 [tilespmem:s28], [sflag:$0x8], $0x40, s15, s9, $0xb8;
	[tilespmem:$0x1E000] =	vst v63  }
0x90: {  	_ =	swait.ge [sflag:s24], $0x2000  }
0x91: {  	[sflag:s24] =	ssyncset.done $0x0  }
0x92: {  	s15 =	sadd.s32 $0x5180, s23;
	[sflag:s24] =	ssyncadd.s32 $0xFFFFE000  }
0x93: {  	[spmem:s2] =	stream.indirect.scatter.add.f32 [tilespmem:s29], [sflag:$0x9], $0x40, s15, s9, $0xb8;
	[tilespmem:$0x1E000] =	vst v63  }
0x94: {  	_ =	swait.ge [sflag:s4], $0x2000  }
0x95: {  	[sflag:s4] =	ssyncset.done $0x0  }
0x96: {  	s15 =	sadd.s32 $0x5200, s23;
	[sflag:s4] =	ssyncadd.s32 $0xFFFFE000  }
0x97: {  	[spmem:s2] =	stream.indirect.scatter.add.f32 [tilespmem:s30], [sflag:$0xA], $0x40, s15, s9, $0xb8;
	[tilespmem:$0x1E000] =	vst v63  }
0x98: {  	_ =	swait.ge [sflag:s7], $0x2000  }
0x99: {  	[sflag:s7] =	ssyncset.done $0x0  }
0x9a: {  	s15 =	sadd.s32 $0x280, s23;
	[sflag:s7] =	ssyncadd.s32 $0xFFFFE000  }
0x9b: {  	[tilespmem:s25], [sflag:$0x1] =	stream.indirect.gather [hbm4b:s5+s9], $0x40, s15, s9, $0xb8;
	[tilespmem:$0x1E000] =	vst v63  }
0x9c: {  	_ =	swait.ge [sflag:s8], $0x2000  }
0x9d: {  	[sflag:s8] =	ssyncset.done $0x0  }
0x9e: {  	s15 =	sadd.s32 $0x300, s23;
	[sflag:s8] =	ssyncadd.s32 $0xFFFFE000  }
0x9f: {  	[tilespmem:s26], [sflag:$0x2] =	stream.indirect.gather [hbm4b:s5+s9], $0x40, s15, s9, $0xb8;
	[tilespmem:$0x1E000] =	vst v63  }
0xa0: {  	_ =	swait.ge [sflag:s10], $0x2000  }
0xa1: {  	[sflag:s10] =	ssyncset.done $0x0  }
0xa2: {  	s15 =	sadd.s32 $0x380, s23;
	[sflag:s10] =	ssyncadd.s32 $0xFFFFE000  }
0xa3: {  	[tilespmem:s28], [sflag:$0x3] =	stream.indirect.gather [hbm4b:s5+s9], $0x40, s15, s9, $0xb8;
	[tilespmem:$0x1E000] =	vst v63  }
0xa4: {  	_ =	swait.ge [sflag:s6], $0x2000  }
0xa5: {  	[sflag:s6] =	ssyncset.done $0x0  }
.Ltmp0:
0xa6: {  	s15 =	sadd.s32 $0x400, s23;
	[sflag:s6] =	ssyncadd.s32 $0xFFFFE000;
	(pc) =	sbr.rel @p0 .LBB2_2-.Ltmp0, $4  }
0xa7: {  	[tilespmem:s29], [sflag:$0x4] =	stream.indirect.gather [hbm4b:s5+s9], $0x40, s15, s9, $0xb8;
	[tilespmem:$0x1E000] =	vst v63  }
0xa8: {  	_ =	swait.ge [sflag:s13], $0x2000  }
0xa9: {  	[sflag:s13] =	ssyncset.done $0x0  }
0xaa: {  	s23 =	sadd.s32 $0x480, s23;
	[sflag:s13] =	ssyncadd.s32 $0xFFFFE000  }
0xab: {  	[tilespmem:s30], [sflag:$0x5] =	stream.indirect.gather [hbm4b:s5+s9], $0x40, s23, s9, $0xb8;
	[tilespmem:$0x1E000] =	vst v63  }
0xac: {  	_ =	swait.ge [sflag:s31], $0x2000  }
0xad: {  	[sflag:s31] =	ssyncset.done $0x0  }
0xae: {  	s12 =	simm.s32 $0x9D80;
	[sflag:s31] =	ssyncadd.s32 $0xFFFFE000  }
0xaf: {  	[spmem:s2] =	stream.indirect.scatter.add.f32 [tilespmem:s25], [sflag:$0x6], $0x40, s12, s9, $0xb8;
	[tilespmem:$0x1E000] =	vst v63  }
0xb0: {  	_ =	swait.ge [sflag:s0], $0x2000  }
0xb1: {  	[sflag:s0] =	ssyncset.done $0x0  }
0xb2: {  	s15 =	simm.s32 $0x9E00;
	[sflag:s0] =	ssyncadd.s32 $0xFFFFE000  }
0xb3: {  	[spmem:s2] =	stream.indirect.scatter.add.f32 [tilespmem:s26], [sflag:$0x7], $0x40, s15, s9, $0xb8;
	[tilespmem:$0x1E000] =	vst v63  }
0xb4: {  	_ =	swait.ge [sflag:s1], $0x2000  }
0xb5: {  	[sflag:s1] =	ssyncset.done $0x0  }
0xb6: {  	s23 =	simm.s32 $0x9E80;
	[sflag:s1] =	ssyncadd.s32 $0xFFFFE000  }
0xb7: {  	[spmem:s2] =	stream.indirect.scatter.add.f32 [tilespmem:s28], [sflag:$0x8], $0x40, s23, s9, $0xb8;
	[tilespmem:$0x1E000] =	vst v63  }
0xb8: {  	_ =	swait.ge [sflag:s24], $0x2000  }
0xb9: {  	[sflag:s24] =	ssyncset.done $0x0  }
0xba: {  	s15 =	simm.s32 $0x9F00;
	[sflag:s24] =	ssyncadd.s32 $0xFFFFE000  }
0xbb: {  	[spmem:s2] =	stream.indirect.scatter.add.f32 [tilespmem:s29], [sflag:$0x9], $0x40, s15, s9, $0xb8;
	[tilespmem:$0x1E000] =	vst v63  }
0xbc: {  	_ =	swait.ge [sflag:s4], $0x2000  }
0xbd: {  	[sflag:s4] =	ssyncset.done $0x0  }
0xbe: {  	s23 =	simm.s32 $0x9F80;
	[sflag:s4] =	ssyncadd.s32 $0xFFFFE000  }
0xbf: {  	[spmem:s2] =	stream.indirect.scatter.add.f32 [tilespmem:s30], [sflag:$0xA], $0x40, s23, s9, $0xb8;
	[tilespmem:$0x1E000] =	vst v63  }
0xc0: {  	_ =	swait.ge [sflag:s7], $0x2000  }
0xc1: {  	[sflag:s7] =	ssyncset.done $0x0  }
0xc2: {  	[sflag:s7] =	ssyncadd.s32 $0xFFFFE000  }
0xc3: {  	_ =	swait.ge [sflag:s8], $0x2000  }
0xc4: {  	[sflag:s8] =	ssyncset.done $0x0  }
0xc5: {  	[sflag:s8] =	ssyncadd.s32 $0xFFFFE000  }
0xc6: {  	_ =	swait.ge [sflag:s10], $0x2000  }
0xc7: {  	[sflag:s10] =	ssyncset.done $0x0  }
0xc8: {  	[sflag:s10] =	ssyncadd.s32 $0xFFFFE000  }
0xc9: {  	_ =	swait.ge [sflag:s6], $0x2000  }
0xca: {  	[sflag:s6] =	ssyncset.done $0x0  }
0xcb: {  	[sflag:s6] =	ssyncadd.s32 $0xFFFFE000  }
0xcc: {  	_ =	swait.ge [sflag:s13], $0x2000  }
0xcd: {  	[sflag:s13] =	ssyncset.done $0x0  }
0xce: {  	[sflag:s13] =	ssyncadd.s32 $0xFFFFE000  }
0xcf: {  	[bflag:$0x0] =	sbarrier.arrive $0xFFFF  }
0xd0: {  	[tilespmem:s25], [sflag:$0x1] =	stream.linear.gather [spmem:s17], $0x2000, $0x38;
	[tilespmem:$0x1E000] =	vst v63  }
0xd1: {  	_ = 	snop  }
0xd2: {  	[tilespmem:s26], [sflag:$0x2] =	stream.linear.gather [spmem:s18], $0x2000, $0x38;
	[tilespmem:$0x1E000] =	vst v63  }
0xd3: {  	_ = 	snop  }
0xd4: {  	[tilespmem:s28], [sflag:$0x3] =	stream.linear.gather [spmem:s19], $0x2000, $0x38;
	[tilespmem:$0x1E000] =	vst v63  }
0xd5: {  	_ = 	snop  }
0xd6: {  	[tilespmem:s29], [sflag:$0x4] =	stream.linear.gather [spmem:s20], $0x2000, $0x38;
	[tilespmem:$0x1E000] =	vst v63  }
0xd7: {  	_ = 	snop  }
0xd8: {  	[tilespmem:s30], [sflag:$0x5] =	stream.linear.gather [spmem:s21], $0x2000, $0x38;
	[tilespmem:$0x1E000] =	vst v63  }
0xd9: {  	_ =	swait.ge [sflag:s31], $0x2000  }
0xda: {  	[sflag:s31] =	ssyncset.done $0x0;
	s15 =	rddreg [dreg:$0x4]  }
0xdb: {  	[sflag:s31] =	ssyncadd.s32 $0xFFFFE000;
	s12 =	sadd.s32 s15, s22  }
0xdc: {  	[hbm4b:s12+s3] =	stream.linear.scatter [tilespmem:s25], [sflag:$0x6], $0x2000, $0x38;
	[tilespmem:$0x1E000] =	vst v63  }
0xdd: {  	_ =	swait.ge [sflag:s0], $0x2000  }
0xde: {  	[sflag:s0] =	ssyncset.done $0x0;
	s23 =	rddreg [dreg:$0x7]  }
0xdf: {  	[sflag:s0] =	ssyncadd.s32 $0xFFFFE000;
	s12 =	sadd.s32 s23, s22  }
0xe0: {  	[hbm4b:s12+s3] =	stream.linear.scatter [tilespmem:s26], [sflag:$0x7], $0x2000, $0x38;
	[tilespmem:$0x1E000] =	vst v63  }
0xe1: {  	_ =	swait.ge [sflag:s1], $0x2000  }
0xe2: {  	[sflag:s1] =	ssyncset.done $0x0;
	s15 =	rddreg [dreg:$0x9]  }
0xe3: {  	[sflag:s1] =	ssyncadd.s32 $0xFFFFE000;
	s12 =	sadd.s32 s15, s22  }
0xe4: {  	[hbm4b:s12+s3] =	stream.linear.scatter [tilespmem:s28], [sflag:$0x8], $0x2000, $0x38;
	[tilespmem:$0x1E000] =	vst v63  }
0xe5: {  	_ =	swait.ge [sflag:s24], $0x2000  }
0xe6: {  	[sflag:s24] =	ssyncset.done $0x0;
	s23 =	rddreg [dreg:$0xa]  }
0xe7: {  	[sflag:s24] =	ssyncadd.s32 $0xFFFFE000;
	s12 =	sadd.s32 s23, s22  }
0xe8: {  	[hbm4b:s12+s3] =	stream.linear.scatter [tilespmem:s29], [sflag:$0x9], $0x2000, $0x38;
	[tilespmem:$0x1E000] =	vst v63  }
0xe9: {  	_ =	swait.ge [sflag:s4], $0x2000  }
0xea: {  	[sflag:s4] =	ssyncset.done $0x0;
	s15 =	rddreg [dreg:$0xd]  }
0xeb: {  	[sflag:s4] =	ssyncadd.s32 $0xFFFFE000;
	s12 =	sadd.s32 s15, s22  }
0xec: {  	[hbm4b:s12+s3] =	stream.linear.scatter [tilespmem:s30], [sflag:$0xA], $0x2000, $0x38;
	[tilespmem:$0x1E000] =	vst v63  }
0xed: {  	_ =	swait.ge [sflag:s7], $0x2000  }
0xee: {  	[sflag:s7] =	ssyncset.done $0x0  }
0xef: {  	[sflag:s7] =	ssyncadd.s32 $0xFFFFE000  }
0xf0: {  	_ =	swait.ge [sflag:s8], $0x2000  }
0xf1: {  	[sflag:s8] =	ssyncset.done $0x0  }
0xf2: {  	[sflag:s8] =	ssyncadd.s32 $0xFFFFE000  }
0xf3: {  	_ =	swait.ge [sflag:s10], $0x2000  }
0xf4: {  	[sflag:s10] =	ssyncset.done $0x0  }
0xf5: {  	[sflag:s10] =	ssyncadd.s32 $0xFFFFE000  }
0xf6: {  	_ =	swait.ge [sflag:s6], $0x2000  }
0xf7: {  	[sflag:s6] =	ssyncset.done $0x0  }
0xf8: {  	[sflag:s6] =	ssyncadd.s32 $0xFFFFE000  }
0xf9: {  	_ =	swait.ge [sflag:s13], $0x2000  }
0xfa: {  	s11 =	sadd.s32 $0x1, s11;
	s23 =	rddreg [dreg:$0xf]  }
0xfb: {  	p0 =	sne.s32 s11, s23  }
.Ltmp1:
0xfc: {  	_ = 	snop;
	(pc) =	sbr.rel @p0 .LBB2_1-.Ltmp1, $3  }
0xfd: {  	_ =	sdelay $0x1  }
0xfe: {  	[sflag:s13] =	ssyncset.done $0x0  }
0xff: {  	[sflag:s13] =	ssyncadd.s32 $0xFFFFE000  }
0x100: {  	_ =	sfence.sel $0x180000  }
0x101: {  	[bflag:$0x0] =	sbarrier.arrive $0xFFFF  }
0x102: {  	_ =	strace $0x9000004A  }
0x103: {  	s0 =	stileid.u32;
	[bflag:$0x2] =	sbarrier.arrive $0xFFFF  }
0x104: {  	p0 =	sne.s32 s0, $0x0;
	s0 =	rddreg [dreg:$0x2]  }
0x105: {  	s0 =	sadd.s32 @!p0 $0x100000, s0  }
0x106: {  	[sflag:s0] =	ssyncadd.tile.s32 @!p0 $0x1;
	_ =	shalt  }
.Lfunc_end2:
_tile_overlayer_lowered:
.L_overlay_start_2:
0x107: {  	(tag) =	ssettag $0x2  }
0x108: {  	s0 =	rddreg [dreg:$0x0];
	s2 =	stileid.u32  }
0x109: {  	s1 =	rddreg [dreg:$0x1];
	p0 =	sne.s32 s2, $0x0  }
0x10a: {  	s3 =	rddreg [dreg:$0x2];
	[bflag:$0x3] =	sbarrier.arrive $0xFFFF;
	s2 =	simm.s32 @!p0 $0x1C0D  }
0x10b: {  	[timem:s3], [sflag:s2] =	dma.local @!p0 [hbm:s0], s1  }
0x10c: {  	s0 =	simm.s32 @!p0 $0xD  }
0x10d: {  	_ =	swait.ge @!p0 [sflag:s0], s1  }
0x10e: {  	s1 =	ssub.s32 @!p0 $0x0, s1;
	[sflag:s0] =	ssyncset.done @!p0 $0x0  }
0x10f: {  	[sflag:s0] =	ssyncadd.s32 @!p0 s1  }
0x110: {  	[bflag:$0x3] =	sbarrier.arrive $0xFFFF  }
0x111: {  	_ =	shalt  }

</sc_bundles>
